<compile_context>
chip_gen: v7x
topology: tpu7x:2x2x1
jax: 0.10.2.dev20260603
libtpu: 0.0.44.dev20260713+nightly
codegen_flags: <defaults>
</compile_context>

<pallas_src>
import functools

import jax
import jax.numpy as jnp
from jax import lax
from jax.experimental import pallas as pl
from jax.experimental.pallas import tpu as pltpu
from jax.experimental.pallas import tpu_sc as plsc

HEAD_SIZE = 128
HALF = HEAD_SIZE // 2
BATCH = 4
SEQ = 8192
N = BATCH * SEQ
CHUNK = 128
N_ROWS = N // CHUNK


@functools.cache
def _build_sc_kernel():
    info = plsc.get_sparse_core_info()
    nc, ns = info.num_cores, info.num_subcores
    nw = nc * ns
    rows_w = N_ROWS // nw

    mesh = plsc.VectorSubcoreMesh(core_axis_name="c", subcore_axis_name="s")

    @functools.partial(
        pl.kernel,
        mesh=mesh,
        out_type=(
            jax.ShapeDtypeStruct((N // 2, HEAD_SIZE), jnp.float32),
            jax.ShapeDtypeStruct((N // 2, HEAD_SIZE), jnp.float32),
        ),
        scratch_types=[
            pltpu.VMEM((rows_w, CHUNK), jnp.int32),
            pltpu.VMEM((2, CHUNK, HEAD_SIZE), jnp.float32),
            pltpu.VMEM((2, CHUNK // 2, HEAD_SIZE), jnp.float32),
            pltpu.VMEM((2, CHUNK // 2, HEAD_SIZE), jnp.float32),
            pltpu.SemaphoreType.DMA,
            pltpu.SemaphoreType.DMA,
            pltpu.SemaphoreType.DMA,
        ],
    )
    def rotary_gather(pos_hbm, table_hbm, cos_hbm, sin_hbm,
                      pos_v, rows_v, cbuf, sbuf, sem_g, sem_wc, sem_ws):
        wid = lax.axis_index("s") * nc + lax.axis_index("c")
        row0 = wid * rows_w
        pltpu.sync_copy(pos_hbm.at[pl.ds(row0, rows_w)], pos_v)

        def issue_gather(j):
            return pltpu.async_copy(
                table_hbm.at[pos_v.at[j]], rows_v.at[j % 2], sem_g)

        def split(b):
            @pl.loop(0, CHUNK // 2)
            def _(k):
                r0 = 2 * k
                r1 = r0 + 1
                for c in range(HALF // 16):
                    lo = pl.ds(c * 16, 16)
                    hi = pl.ds(HALF + c * 16, 16)
                    cbuf[b, k, lo] = rows_v[b, r0, lo]
                    cbuf[b, k, hi] = rows_v[b, r1, lo]
                    sbuf[b, k, lo] = rows_v[b, r0, hi]
                    sbuf[b, k, hi] = rows_v[b, r1, hi]

        def issue_writes(j):
            b = j % 2
            base = (row0 + j) * (CHUNK // 2)
            dst = pl.ds(base, CHUNK // 2)
            return (
                pltpu.async_copy(cbuf.at[b], cos_hbm.at[dst], sem_wc),
                pltpu.async_copy(sbuf.at[b], sin_hbm.at[dst], sem_ws),
            )

        g_desc = {0: issue_gather(0)}
        w_desc = {}
        for j in range(rows_w):
            g_desc[j].wait()
            if j + 1 < rows_w:
                g_desc[j + 1] = issue_gather(j + 1)
            if j - 2 >= 0:
                for d in w_desc[j - 2]:
                    d.wait()
            split(j % 2)
            w_desc[j] = issue_writes(j)
        for j in (rows_w - 2, rows_w - 1):
            for d in w_desc[j]:
                d.wait()

    return rotary_gather


def kernel(positions, cos_sin_cache):
    pos = positions.astype(jnp.int32).reshape(N_ROWS, CHUNK)
    table = cos_sin_cache.reshape(SEQ, HEAD_SIZE)
    cos_p, sin_p = _build_sc_kernel()(pos, table)
    cos = cos_p.reshape(BATCH, 1, SEQ, HALF)
    sin = sin_p.reshape(BATCH, 1, SEQ, HALF)
    return (cos, sin)

# --- scband reference (transcript-rebuilt; emitter-appended) ---
"""Pipeline reference for scband-rotary-embedding-70050916598292 (READ-ONLY COPY).

The authoritative reference and input builder live on the scoring server;
editing this copy changes nothing except your own understanding.
"""

import jax, jax.numpy as jnp
import numpy as np

HEAD_SIZE = 128
MAX_POS = 8192
BASE = 10000


def _build_cache():
    inv_freq = 1.0 / (BASE ** (jnp.arange(0, HEAD_SIZE, 2, dtype=jnp.float32) / HEAD_SIZE))
    t = jnp.arange(MAX_POS, dtype=jnp.float32)
    freqs = jnp.outer(t, inv_freq)
    cos = jnp.cos(freqs)
    sin = jnp.sin(freqs)
    cache = jnp.concatenate((cos, sin), axis=-1)[:, None, :]  # [MAX_POS, 1, HEAD_SIZE]
    return cache


def setup_inputs(seed: int = 0) -> dict:
    key = jax.random.key(seed)
    positions = jax.random.randint(key, (4, 8192), 0, MAX_POS, dtype=jnp.int64 if jax.config.read('jax_enable_x64') else jnp.int32)
    cos_sin_cache = _build_cache()
    return {"positions": positions, "cos_sin_cache": cos_sin_cache}


def reference(positions, cos_sin_cache):
    # gather: cache[positions] -> [B, S, 1, HEAD_SIZE]
    cos_sin = jnp.take(cos_sin_cache, positions, axis=0)
    cos, sin = jnp.split(cos_sin, 2, axis=-1)  # each [B, S, 1, HEAD_SIZE//2]
    cos = jnp.transpose(cos, (0, 2, 1, 3))  # [B, 1, S, HEAD_SIZE//2]
    sin = jnp.transpose(sin, (0, 2, 1, 3))
    return (cos, sin)

if __name__ == "__main__":
    import jax
    _d = setup_inputs()
    print(jax.jit(kernel)(*tuple(_d.values())))

</pallas_src>

<mosaic_0001>
#map = affine_map<(d0, d1) -> (0, 0)>
module attributes {stable_mosaic.version = 14 : i64} {
  func.func @rotary_gather(%arg0: i32, %arg1: i32, %arg2: memref<256x128xi32, #tpu.memory_space<hbm>>, %arg3: memref<8192x128xf32, #tpu.memory_space<hbm>>, %arg4: memref<16384x128xf32, #tpu.memory_space<hbm>>, %arg5: memref<16384x128xf32, #tpu.memory_space<hbm>>, %arg6: memref<8x128xi32, #tpu.memory_space<vmem>>, %arg7: memref<2x128x128xf32, #tpu.memory_space<vmem>>, %arg8: memref<2x64x128xf32, #tpu.memory_space<vmem>>, %arg9: memref<2x64x128xf32, #tpu.memory_space<vmem>>, %arg10: memref<!tpu.dma_semaphore, #tpu.memory_space<semaphore_mem>>, %arg11: memref<!tpu.dma_semaphore, #tpu.memory_space<semaphore_mem>>, %arg12: memref<!tpu.dma_semaphore, #tpu.memory_space<semaphore_mem>>) attributes {dimension_semantics = [#tpu.dimension_semantics<core_parallel>, #tpu.dimension_semantics<subcore_parallel>], iteration_bounds = array<i64: 2, 16>, scalar_prefetch = 0 : i64, scratch_operands = 7 : i64, tpu.core_type = #tpu.core_type<sc_vector_subcore>, window_params = [{transform_indices = #map}, {transform_indices = #map}, {transform_indices = #map}, {transform_indices = #map}]} {
    %mul3A = arith.constant 2 : i32
    %mul3A_0 = arith.muli %arg1, %mul3A : i32
    %add3A = arith.addi %mul3A_0, %arg0 : i32
    %mul3A_1 = arith.constant 8 : i32
    %mul3A_2 = arith.muli %add3A, %mul3A_1 : i32
    "tpu.region"() ({
      %run_scoped3A = tpu.sem_alloc : memref<!tpu.dma_semaphore, #tpu.memory_space<semaphore_mem>>
      %dma_start3A_680 = arith.constant 0 : i32
      %dma_start3A_681 = tpu.memref_slice %arg2[%mul3A_2, %dma_start3A_680] : memref<256x128xi32, #tpu.memory_space<hbm>> -> memref<8x128xi32, #tpu.memory_space<hbm>>
      %dma_start3A_682 = arith.constant 0 : i32
      %dma_start3A_683 = tpu.memref_slice %arg2[%mul3A_2, %dma_start3A_682] : memref<256x128xi32, #tpu.memory_space<hbm>> -> memref<8x128xi32, #tpu.memory_space<hbm>>
      tpu.enqueue_dma source(%dma_start3A_683 : memref<8x128xi32, #tpu.memory_space<hbm>>) target(%arg6 : memref<8x128xi32, #tpu.memory_space<vmem>>) target_semaphore(%run_scoped3A : memref<!tpu.dma_semaphore, #tpu.memory_space<semaphore_mem>>)
      %dma_wait3A_684 = arith.constant 0 : i32
      %dma_wait3A_685 = tpu.memref_slice %arg2[%mul3A_2, %dma_wait3A_684] : memref<256x128xi32, #tpu.memory_space<hbm>> -> memref<8x128xi32, #tpu.memory_space<hbm>>
      %dma_wait3A_686 = arith.constant 0 : i32
      %dma_wait3A_687 = tpu.memref_slice %arg2[%mul3A_2, %dma_wait3A_686] : memref<256x128xi32, #tpu.memory_space<hbm>> -> memref<8x128xi32, #tpu.memory_space<hbm>>
      tpu.wait_dma2 semaphore(%run_scoped3A : memref<!tpu.dma_semaphore, #tpu.memory_space<semaphore_mem>>) src(%dma_wait3A_687 : memref<8x128xi32, #tpu.memory_space<hbm>>) dst(%arg6 : memref<8x128xi32, #tpu.memory_space<vmem>>)
      tpu.yield
    }) : () -> ()
    %dma_start3A = arith.constant 0 : i32
    %dma_start3A_3 = arith.constant 0 : i32
    %dma_start3A_4 = arith.constant 0 : i32
    %dma_start3A_5 = arith.constant 0 : i32
    %dma_start3A_6 = tpu.memref_slice %arg7[%dma_start3A_3, %dma_start3A_4, %dma_start3A_5] : memref<2x128x128xf32, #tpu.memory_space<vmem>> -> memref<1x128x128xf32, #tpu.memory_space<vmem>>
    %dma_start3A_7 = tpu.memref_squeeze %dma_start3A_6 : memref<1x128x128xf32, #tpu.memory_space<vmem>> -> memref<128x128xf32, #tpu.memory_space<vmem>>
    %dma_start3A_8 = arith.constant 0 : i32
    %dma_start3A_9 = tpu.memref_slice %arg6[%dma_start3A, %dma_start3A_8] : memref<8x128xi32, #tpu.memory_space<vmem>> -> memref<1x128xi32, #tpu.memory_space<vmem>>
    %dma_start3A_10 = tpu.memref_squeeze %dma_start3A_9 : memref<1x128xi32, #tpu.memory_space<vmem>> -> memref<128xi32, #tpu.memory_space<vmem>>
    %dma_start3A_11 = arith.constant 0 : i32
    %dma_start3A_12 = arith.constant 0 : i32
    %dma_start3A_13 = tpu.memref_slice %arg3[%dma_start3A_11, %dma_start3A_12] : memref<8192x128xf32, #tpu.memory_space<hbm>> -> memref<8192x128xf32, #tpu.memory_space<hbm>>
    tpu.enqueue_indirect_dma source(%dma_start3A_13 : memref<8192x128xf32, #tpu.memory_space<hbm>>) target(%dma_start3A_7 : memref<128x128xf32, #tpu.memory_space<vmem>>) offsets(%dma_start3A_10 : memref<128xi32, #tpu.memory_space<vmem>>) semaphore(%arg10 : memref<!tpu.dma_semaphore, #tpu.memory_space<semaphore_mem>>)
    %dma_wait3A = arith.constant 0 : i32
    %dma_wait3A_14 = arith.constant 0 : i32
    %dma_wait3A_15 = arith.constant 0 : i32
    %dma_wait3A_16 = arith.constant 0 : i32
    %dma_wait3A_17 = tpu.memref_slice %arg7[%dma_wait3A_14, %dma_wait3A_15, %dma_wait3A_16] : memref<2x128x128xf32, #tpu.memory_space<vmem>> -> memref<1x128x128xf32, #tpu.memory_space<vmem>>
    %dma_wait3A_18 = tpu.memref_squeeze %dma_wait3A_17 : memref<1x128x128xf32, #tpu.memory_space<vmem>> -> memref<128x128xf32, #tpu.memory_space<vmem>>
    %dma_wait3A_19 = arith.constant 0 : i32
    %dma_wait3A_20 = tpu.memref_slice %arg6[%dma_wait3A, %dma_wait3A_19] : memref<8x128xi32, #tpu.memory_space<vmem>> -> memref<1x128xi32, #tpu.memory_space<vmem>>
    %dma_wait3A_21 = tpu.memref_squeeze %dma_wait3A_20 : memref<1x128xi32, #tpu.memory_space<vmem>> -> memref<128xi32, #tpu.memory_space<vmem>>
    %dma_wait3A_22 = arith.constant 0 : i32
    %dma_wait3A_23 = arith.constant 0 : i32
    %dma_wait3A_24 = tpu.memref_slice %arg3[%dma_wait3A_22, %dma_wait3A_23] : memref<8192x128xf32, #tpu.memory_space<hbm>> -> memref<8192x128xf32, #tpu.memory_space<hbm>>
    tpu.wait_indirect_dma semaphore(%arg10 : memref<!tpu.dma_semaphore, #tpu.memory_space<semaphore_mem>>) src(%dma_wait3A_24 : memref<8192x128xf32, #tpu.memory_space<hbm>>) dst(%dma_wait3A_18 : memref<128x128xf32, #tpu.memory_space<vmem>>)
    %dma_start3A_25 = arith.constant 1 : i32
    %dma_start3A_26 = arith.constant 1 : i32
    %dma_start3A_27 = arith.constant 0 : i32
    %dma_start3A_28 = arith.constant 0 : i32
    %dma_start3A_29 = tpu.memref_slice %arg7[%dma_start3A_26, %dma_start3A_27, %dma_start3A_28] : memref<2x128x128xf32, #tpu.memory_space<vmem>> -> memref<1x128x128xf32, #tpu.memory_space<vmem>>
    %dma_start3A_30 = tpu.memref_squeeze %dma_start3A_29 : memref<1x128x128xf32, #tpu.memory_space<vmem>> -> memref<128x128xf32, #tpu.memory_space<vmem>>
    %dma_start3A_31 = arith.constant 0 : i32
    %dma_start3A_32 = tpu.memref_slice %arg6[%dma_start3A_25, %dma_start3A_31] : memref<8x128xi32, #tpu.memory_space<vmem>> -> memref<1x128xi32, #tpu.memory_space<vmem>>
    %dma_start3A_33 = tpu.memref_squeeze %dma_start3A_32 : memref<1x128xi32, #tpu.memory_space<vmem>> -> memref<128xi32, #tpu.memory_space<vmem>>
    %dma_start3A_34 = arith.constant 0 : i32
    %dma_start3A_35 = arith.constant 0 : i32
    %dma_start3A_36 = tpu.memref_slice %arg3[%dma_start3A_34, %dma_start3A_35] : memref<8192x128xf32, #tpu.memory_space<hbm>> -> memref<8192x128xf32, #tpu.memory_space<hbm>>
    tpu.enqueue_indirect_dma source(%dma_start3A_36 : memref<8192x128xf32, #tpu.memory_space<hbm>>) target(%dma_start3A_30 : memref<128x128xf32, #tpu.memory_space<vmem>>) offsets(%dma_start3A_33 : memref<128xi32, #tpu.memory_space<vmem>>) semaphore(%arg10 : memref<!tpu.dma_semaphore, #tpu.memory_space<semaphore_mem>>)
    %scan3A = arith.constant 0 : i32
    %scan3A_37 = arith.constant 64 : i32
    %scan3A_38 = arith.addi %scan3A, %scan3A_37 : i32
    %scan3A_39 = arith.constant 1 : i32
    scf.for %scan3A_680 = %scan3A to %scan3A_38 step %scan3A_39  : i32 {
      %mul3A_681 = arith.constant 1 : i32
      %mul3A_682 = arith.muli %scan3A_680, %mul3A_681 : i32
      %add3A_683 = arith.constant 0 : i32
      %add3A_684 = arith.addi %add3A_683, %mul3A_682 : i32
      %mul3A_685 = arith.constant 2 : i32
      %mul3A_686 = arith.muli %mul3A_685, %add3A_684 : i32
      %add3A_687 = arith.constant 1 : i32
      %add3A_688 = arith.addi %mul3A_686, %add3A_687 : i32
      %get3A = arith.constant 0 : i32
      %get3A_689 = arith.index_cast %get3A : i32 to index
      %get3A_690 = arith.index_cast %mul3A_686 : i32 to index
      %get3A_691 = arith.constant 0 : index
      %get3A_692 = tpu.vector_load %arg7[%get3A_689, %get3A_690, %get3A_691] {strides = array<i32>} : memref<2x128x128xf32, #tpu.memory_space<vmem>>, vector<1x1x16xf32>,
      %get3A_693 = vector.shape_cast %get3A_692 : vector<1x1x16xf32> to vector<16xf32>
      %swap3A = arith.constant 0 : i32
      %swap3A_694 = arith.index_cast %swap3A : i32 to index
      %swap3A_695 = arith.index_cast %add3A_684 : i32 to index
      %swap3A_696 = arith.constant 0 : index
      %swap3A_697 = tpu.vector_load %arg8[%swap3A_694, %swap3A_695, %swap3A_696] {strides = array<i32>} : memref<2x64x128xf32, #tpu.memory_space<vmem>>, vector<1x1x16xf32>,
      %swap3A_698 = vector.shape_cast %swap3A_697 : vector<1x1x16xf32> to vector<16xf32>
      %swap3A_699 = vector.shape_cast %get3A_693 : vector<16xf32> to vector<1x1x16xf32>
      tpu.vector_store %arg8[%swap3A_694, %swap3A_695, %swap3A_696], %swap3A_699 {strides = array<i32>} : memref<2x64x128xf32, #tpu.memory_space<vmem>>, vector<1x1x16xf32>,
      %get3A_700 = arith.constant 0 : i32
      %get3A_701 = arith.index_cast %get3A_700 : i32 to index
      %get3A_702 = arith.index_cast %add3A_688 : i32 to index
      %get3A_703 = arith.constant 0 : index
      %get3A_704 = tpu.vector_load %arg7[%get3A_701, %get3A_702, %get3A_703] {strides = array<i32>} : memref<2x128x128xf32, #tpu.memory_space<vmem>>, vector<1x1x16xf32>,
      %get3A_705 = vector.shape_cast %get3A_704 : vector<1x1x16xf32> to vector<16xf32>
      %swap3A_706 = arith.constant 0 : i32
      %swap3A_707 = arith.index_cast %swap3A_706 : i32 to index
      %swap3A_708 = arith.index_cast %add3A_684 : i32 to index
      %swap3A_709 = arith.constant 64 : index
      %swap3A_710 = tpu.vector_load %arg8[%swap3A_707, %swap3A_708, %swap3A_709] {strides = array<i32>} : memref<2x64x128xf32, #tpu.memory_space<vmem>>, vector<1x1x16xf32>,
      %swap3A_711 = vector.shape_cast %swap3A_710 : vector<1x1x16xf32> to vector<16xf32>
      %swap3A_712 = vector.shape_cast %get3A_705 : vector<16xf32> to vector<1x1x16xf32>
      tpu.vector_store %arg8[%swap3A_707, %swap3A_708, %swap3A_709], %swap3A_712 {strides = array<i32>} : memref<2x64x128xf32, #tpu.memory_space<vmem>>, vector<1x1x16xf32>,
      %get3A_713 = arith.constant 0 : i32
      %get3A_714 = arith.index_cast %get3A_713 : i32 to index
      %get3A_715 = arith.index_cast %mul3A_686 : i32 to index
      %get3A_716 = arith.constant 64 : index
      %get3A_717 = tpu.vector_load %arg7[%get3A_714, %get3A_715, %get3A_716] {strides = array<i32>} : memref<2x128x128xf32, #tpu.memory_space<vmem>>, vector<1x1x16xf32>,
      %get3A_718 = vector.shape_cast %get3A_717 : vector<1x1x16xf32> to vector<16xf32>
      %swap3A_719 = arith.constant 0 : i32
      %swap3A_720 = arith.index_cast %swap3A_719 : i32 to index
      %swap3A_721 = arith.index_cast %add3A_684 : i32 to index
      %swap3A_722 = arith.constant 0 : index
      %swap3A_723 = tpu.vector_load %arg9[%swap3A_720, %swap3A_721, %swap3A_722] {strides = array<i32>} : memref<2x64x128xf32, #tpu.memory_space<vmem>>, vector<1x1x16xf32>,
      %swap3A_724 = vector.shape_cast %swap3A_723 : vector<1x1x16xf32> to vector<16xf32>
      %swap3A_725 = vector.shape_cast %get3A_718 : vector<16xf32> to vector<1x1x16xf32>
      tpu.vector_store %arg9[%swap3A_720, %swap3A_721, %swap3A_722], %swap3A_725 {strides = array<i32>} : memref<2x64x128xf32, #tpu.memory_space<vmem>>, vector<1x1x16xf32>,
      %get3A_726 = arith.constant 0 : i32
      %get3A_727 = arith.index_cast %get3A_726 : i32 to index
      %get3A_728 = arith.index_cast %add3A_688 : i32 to index
      %get3A_729 = arith.constant 64 : index
      %get3A_730 = tpu.vector_load %arg7[%get3A_727, %get3A_728, %get3A_729] {strides = array<i32>} : memref<2x128x128xf32, #tpu.memory_space<vmem>>, vector<1x1x16xf32>,
      %get3A_731 = vector.shape_cast %get3A_730 : vector<1x1x16xf32> to vector<16xf32>
      %swap3A_732 = arith.constant 0 : i32
      %swap3A_733 = arith.index_cast %swap3A_732 : i32 to index
      %swap3A_734 = arith.index_cast %add3A_684 : i32 to index
      %swap3A_735 = arith.constant 64 : index
      %swap3A_736 = tpu.vector_load %arg9[%swap3A_733, %swap3A_734, %swap3A_735] {strides = array<i32>} : memref<2x64x128xf32, #tpu.memory_space<vmem>>, vector<1x1x16xf32>,
      %swap3A_737 = vector.shape_cast %swap3A_736 : vector<1x1x16xf32> to vector<16xf32>
      %swap3A_738 = vector.shape_cast %get3A_731 : vector<16xf32> to vector<1x1x16xf32>
      tpu.vector_store %arg9[%swap3A_733, %swap3A_734, %swap3A_735], %swap3A_738 {strides = array<i32>} : memref<2x64x128xf32, #tpu.memory_space<vmem>>, vector<1x1x16xf32>,
      %get3A_739 = arith.constant 0 : i32
      %get3A_740 = arith.index_cast %get3A_739 : i32 to index
      %get3A_741 = arith.index_cast %mul3A_686 : i32 to index
      %get3A_742 = arith.constant 16 : index
      %get3A_743 = tpu.vector_load %arg7[%get3A_740, %get3A_741, %get3A_742] {strides = array<i32>} : memref<2x128x128xf32, #tpu.memory_space<vmem>>, vector<1x1x16xf32>,
      %get3A_744 = vector.shape_cast %get3A_743 : vector<1x1x16xf32> to vector<16xf32>
      %swap3A_745 = arith.constant 0 : i32
      %swap3A_746 = arith.index_cast %swap3A_745 : i32 to index
      %swap3A_747 = arith.index_cast %add3A_684 : i32 to index
      %swap3A_748 = arith.constant 16 : index
      %swap3A_749 = tpu.vector_load %arg8[%swap3A_746, %swap3A_747, %swap3A_748] {strides = array<i32>} : memref<2x64x128xf32, #tpu.memory_space<vmem>>, vector<1x1x16xf32>,
      %swap3A_750 = vector.shape_cast %swap3A_749 : vector<1x1x16xf32> to vector<16xf32>
      %swap3A_751 = vector.shape_cast %get3A_744 : vector<16xf32> to vector<1x1x16xf32>
      tpu.vector_store %arg8[%swap3A_746, %swap3A_747, %swap3A_748], %swap3A_751 {strides = array<i32>} : memref<2x64x128xf32, #tpu.memory_space<vmem>>, vector<1x1x16xf32>,
      %get3A_752 = arith.constant 0 : i32
      %get3A_753 = arith.index_cast %get3A_752 : i32 to index
      %get3A_754 = arith.index_cast %add3A_688 : i32 to index
      %get3A_755 = arith.constant 16 : index
      %get3A_756 = tpu.vector_load %arg7[%get3A_753, %get3A_754, %get3A_755] {strides = array<i32>} : memref<2x128x128xf32, #tpu.memory_space<vmem>>, vector<1x1x16xf32>,
      %get3A_757 = vector.shape_cast %get3A_756 : vector<1x1x16xf32> to vector<16xf32>
      %swap3A_758 = arith.constant 0 : i32
      %swap3A_759 = arith.index_cast %swap3A_758 : i32 to index
      %swap3A_760 = arith.index_cast %add3A_684 : i32 to index
      %swap3A_761 = arith.constant 80 : index
      %swap3A_762 = tpu.vector_load %arg8[%swap3A_759, %swap3A_760, %swap3A_761] {strides = array<i32>} : memref<2x64x128xf32, #tpu.memory_space<vmem>>, vector<1x1x16xf32>,
      %swap3A_763 = vector.shape_cast %swap3A_762 : vector<1x1x16xf32> to vector<16xf32>
      %swap3A_764 = vector.shape_cast %get3A_757 : vector<16xf32> to vector<1x1x16xf32>
      tpu.vector_store %arg8[%swap3A_759, %swap3A_760, %swap3A_761], %swap3A_764 {strides = array<i32>} : memref<2x64x128xf32, #tpu.memory_space<vmem>>, vector<1x1x16xf32>,
      %get3A_765 = arith.constant 0 : i32
      %get3A_766 = arith.index_cast %get3A_765 : i32 to index
      %get3A_767 = arith.index_cast %mul3A_686 : i32 to index
      %get3A_768 = arith.constant 80 : index
      %get3A_769 = tpu.vector_load %arg7[%get3A_766, %get3A_767, %get3A_768] {strides = array<i32>} : memref<2x128x128xf32, #tpu.memory_space<vmem>>, vector<1x1x16xf32>,
      %get3A_770 = vector.shape_cast %get3A_769 : vector<1x1x16xf32> to vector<16xf32>
      %swap3A_771 = arith.constant 0 : i32
      %swap3A_772 = arith.index_cast %swap3A_771 : i32 to index
      %swap3A_773 = arith.index_cast %add3A_684 : i32 to index
      %swap3A_774 = arith.constant 16 : index
      %swap3A_775 = tpu.vector_load %arg9[%swap3A_772, %swap3A_773, %swap3A_774] {strides = array<i32>} : memref<2x64x128xf32, #tpu.memory_space<vmem>>, vector<1x1x16xf32>,
      %swap3A_776 = vector.shape_cast %swap3A_775 : vector<1x1x16xf32> to vector<16xf32>
      %swap3A_777 = vector.shape_cast %get3A_770 : vector<16xf32> to vector<1x1x16xf32>
      tpu.vector_store %arg9[%swap3A_772, %swap3A_773, %swap3A_774], %swap3A_777 {strides = array<i32>} : memref<2x64x128xf32, #tpu.memory_space<vmem>>, vector<1x1x16xf32>,
      %get3A_778 = arith.constant 0 : i32
      %get3A_779 = arith.index_cast %get3A_778 : i32 to index
      %get3A_780 = arith.index_cast %add3A_688 : i32 to index
      %get3A_781 = arith.constant 80 : index
      %get3A_782 = tpu.vector_load %arg7[%get3A_779, %get3A_780, %get3A_781] {strides = array<i32>} : memref<2x128x128xf32, #tpu.memory_space<vmem>>, vector<1x1x16xf32>,
      %get3A_783 = vector.shape_cast %get3A_782 : vector<1x1x16xf32> to vector<16xf32>
      %swap3A_784 = arith.constant 0 : i32
      %swap3A_785 = arith.index_cast %swap3A_784 : i32 to index
      %swap3A_786 = arith.index_cast %add3A_684 : i32 to index
      %swap3A_787 = arith.constant 80 : index
      %swap3A_788 = tpu.vector_load %arg9[%swap3A_785, %swap3A_786, %swap3A_787] {strides = array<i32>} : memref<2x64x128xf32, #tpu.memory_space<vmem>>, vector<1x1x16xf32>,
      %swap3A_789 = vector.shape_cast %swap3A_788 : vector<1x1x16xf32> to vector<16xf32>
      %swap3A_790 = vector.shape_cast %get3A_783 : vector<16xf32> to vector<1x1x16xf32>
      tpu.vector_store %arg9[%swap3A_785, %swap3A_786, %swap3A_787], %swap3A_790 {strides = array<i32>} : memref<2x64x128xf32, #tpu.memory_space<vmem>>, vector<1x1x16xf32>,
      %get3A_791 = arith.constant 0 : i32
      %get3A_792 = arith.index_cast %get3A_791 : i32 to index
      %get3A_793 = arith.index_cast %mul3A_686 : i32 to index
      %get3A_794 = arith.constant 32 : index
      %get3A_795 = tpu.vector_load %arg7[%get3A_792, %get3A_793, %get3A_794] {strides = array<i32>} : memref<2x128x128xf32, #tpu.memory_space<vmem>>, vector<1x1x16xf32>,
      %get3A_796 = vector.shape_cast %get3A_795 : vector<1x1x16xf32> to vector<16xf32>
      %swap3A_797 = arith.constant 0 : i32
      %swap3A_798 = arith.index_cast %swap3A_797 : i32 to index
      %swap3A_799 = arith.index_cast %add3A_684 : i32 to index
      %swap3A_800 = arith.constant 32 : index
      %swap3A_801 = tpu.vector_load %arg8[%swap3A_798, %swap3A_799, %swap3A_800] {strides = array<i32>} : memref<2x64x128xf32, #tpu.memory_space<vmem>>, vector<1x1x16xf32>,
      %swap3A_802 = vector.shape_cast %swap3A_801 : vector<1x1x16xf32> to vector<16xf32>
      %swap3A_803 = vector.shape_cast %get3A_796 : vector<16xf32> to vector<1x1x16xf32>
      tpu.vector_store %arg8[%swap3A_798, %swap3A_799, %swap3A_800], %swap3A_803 {strides = array<i32>} : memref<2x64x128xf32, #tpu.memory_space<vmem>>, vector<1x1x16xf32>,
      %get3A_804 = arith.constant 0 : i32
      %get3A_805 = arith.index_cast %get3A_804 : i32 to index
      %get3A_806 = arith.index_cast %add3A_688 : i32 to index
      %get3A_807 = arith.constant 32 : index
      %get3A_808 = tpu.vector_load %arg7[%get3A_805, %get3A_806, %get3A_807] {strides = array<i32>} : memref<2x128x128xf32, #tpu.memory_space<vmem>>, vector<1x1x16xf32>,
      %get3A_809 = vector.shape_cast %get3A_808 : vector<1x1x16xf32> to vector<16xf32>
      %swap3A_810 = arith.constant 0 : i32
      %swap3A_811 = arith.index_cast %swap3A_810 : i32 to index
      %swap3A_812 = arith.index_cast %add3A_684 : i32 to index
      %swap3A_813 = arith.constant 96 : index
      %swap3A_814 = tpu.vector_load %arg8[%swap3A_811, %swap3A_812, %swap3A_813] {strides = array<i32>} : memref<2x64x128xf32, #tpu.memory_space<vmem>>, vector<1x1x16xf32>,
      %swap3A_815 = vector.shape_cast %swap3A_814 : vector<1x1x16xf32> to vector<16xf32>
      %swap3A_816 = vector.shape_cast %get3A_809 : vector<16xf32> to vector<1x1x16xf32>
      tpu.vector_store %arg8[%swap3A_811, %swap3A_812, %swap3A_813], %swap3A_816 {strides = array<i32>} : memref<2x64x128xf32, #tpu.memory_space<vmem>>, vector<1x1x16xf32>,
      %get3A_817 = arith.constant 0 : i32
      %get3A_818 = arith.index_cast %get3A_817 : i32 to index
      %get3A_819 = arith.index_cast %mul3A_686 : i32 to index
      %get3A_820 = arith.constant 96 : index
      %get3A_821 = tpu.vector_load %arg7[%get3A_818, %get3A_819, %get3A_820] {strides = array<i32>} : memref<2x128x128xf32, #tpu.memory_space<vmem>>, vector<1x1x16xf32>,
      %get3A_822 = vector.shape_cast %get3A_821 : vector<1x1x16xf32> to vector<16xf32>
      %swap3A_823 = arith.constant 0 : i32
      %swap3A_824 = arith.index_cast %swap3A_823 : i32 to index
      %swap3A_825 = arith.index_cast %add3A_684 : i32 to index
      %swap3A_826 = arith.constant 32 : index
      %swap3A_827 = tpu.vector_load %arg9[%swap3A_824, %swap3A_825, %swap3A_826] {strides = array<i32>} : memref<2x64x128xf32, #tpu.memory_space<vmem>>, vector<1x1x16xf32>,
      %swap3A_828 = vector.shape_cast %swap3A_827 : vector<1x1x16xf32> to vector<16xf32>
      %swap3A_829 = vector.shape_cast %get3A_822 : vector<16xf32> to vector<1x1x16xf32>
      tpu.vector_store %arg9[%swap3A_824, %swap3A_825, %swap3A_826], %swap3A_829 {strides = array<i32>} : memref<2x64x128xf32, #tpu.memory_space<vmem>>, vector<1x1x16xf32>,
      %get3A_830 = arith.constant 0 : i32
      %get3A_831 = arith.index_cast %get3A_830 : i32 to index
      %get3A_832 = arith.index_cast %add3A_688 : i32 to index
      %get3A_833 = arith.constant 96 : index
      %get3A_834 = tpu.vector_load %arg7[%get3A_831, %get3A_832, %get3A_833] {strides = array<i32>} : memref<2x128x128xf32, #tpu.memory_space<vmem>>, vector<1x1x16xf32>,
      %get3A_835 = vector.shape_cast %get3A_834 : vector<1x1x16xf32> to vector<16xf32>
      %swap3A_836 = arith.constant 0 : i32
      %swap3A_837 = arith.index_cast %swap3A_836 : i32 to index
      %swap3A_838 = arith.index_cast %add3A_684 : i32 to index
      %swap3A_839 = arith.constant 96 : index
      %swap3A_840 = tpu.vector_load %arg9[%swap3A_837, %swap3A_838, %swap3A_839] {strides = array<i32>} : memref<2x64x128xf32, #tpu.memory_space<vmem>>, vector<1x1x16xf32>,
      %swap3A_841 = vector.shape_cast %swap3A_840 : vector<1x1x16xf32> to vector<16xf32>
      %swap3A_842 = vector.shape_cast %get3A_835 : vector<16xf32> to vector<1x1x16xf32>
      tpu.vector_store %arg9[%swap3A_837, %swap3A_838, %swap3A_839], %swap3A_842 {strides = array<i32>} : memref<2x64x128xf32, #tpu.memory_space<vmem>>, vector<1x1x16xf32>,
      %get3A_843 = arith.constant 0 : i32
      %get3A_844 = arith.index_cast %get3A_843 : i32 to index
      %get3A_845 = arith.index_cast %mul3A_686 : i32 to index
      %get3A_846 = arith.constant 48 : index
      %get3A_847 = tpu.vector_load %arg7[%get3A_844, %get3A_845, %get3A_846] {strides = array<i32>} : memref<2x128x128xf32, #tpu.memory_space<vmem>>, vector<1x1x16xf32>,
      %get3A_848 = vector.shape_cast %get3A_847 : vector<1x1x16xf32> to vector<16xf32>
      %swap3A_849 = arith.constant 0 : i32
      %swap3A_850 = arith.index_cast %swap3A_849 : i32 to index
      %swap3A_851 = arith.index_cast %add3A_684 : i32 to index
      %swap3A_852 = arith.constant 48 : index
      %swap3A_853 = tpu.vector_load %arg8[%swap3A_850, %swap3A_851, %swap3A_852] {strides = array<i32>} : memref<2x64x128xf32, #tpu.memory_space<vmem>>, vector<1x1x16xf32>,
      %swap3A_854 = vector.shape_cast %swap3A_853 : vector<1x1x16xf32> to vector<16xf32>
      %swap3A_855 = vector.shape_cast %get3A_848 : vector<16xf32> to vector<1x1x16xf32>
      tpu.vector_store %arg8[%swap3A_850, %swap3A_851, %swap3A_852], %swap3A_855 {strides = array<i32>} : memref<2x64x128xf32, #tpu.memory_space<vmem>>, vector<1x1x16xf32>,
      %get3A_856 = arith.constant 0 : i32
      %get3A_857 = arith.index_cast %get3A_856 : i32 to index
      %get3A_858 = arith.index_cast %add3A_688 : i32 to index
      %get3A_859 = arith.constant 48 : index
      %get3A_860 = tpu.vector_load %arg7[%get3A_857, %get3A_858, %get3A_859] {strides = array<i32>} : memref<2x128x128xf32, #tpu.memory_space<vmem>>, vector<1x1x16xf32>,
      %get3A_861 = vector.shape_cast %get3A_860 : vector<1x1x16xf32> to vector<16xf32>
      %swap3A_862 = arith.constant 0 : i32
      %swap3A_863 = arith.index_cast %swap3A_862 : i32 to index
      %swap3A_864 = arith.index_cast %add3A_684 : i32 to index
      %swap3A_865 = arith.constant 112 : index
      %swap3A_866 = tpu.vector_load %arg8[%swap3A_863, %swap3A_864, %swap3A_865] {strides = array<i32>} : memref<2x64x128xf32, #tpu.memory_space<vmem>>, vector<1x1x16xf32>,
      %swap3A_867 = vector.shape_cast %swap3A_866 : vector<1x1x16xf32> to vector<16xf32>
      %swap3A_868 = vector.shape_cast %get3A_861 : vector<16xf32> to vector<1x1x16xf32>
      tpu.vector_store %arg8[%swap3A_863, %swap3A_864, %swap3A_865], %swap3A_868 {strides = array<i32>} : memref<2x64x128xf32, #tpu.memory_space<vmem>>, vector<1x1x16xf32>,
      %get3A_869 = arith.constant 0 : i32
      %get3A_870 = arith.index_cast %get3A_869 : i32 to index
      %get3A_871 = arith.index_cast %mul3A_686 : i32 to index
      %get3A_872 = arith.constant 112 : index
      %get3A_873 = tpu.vector_load %arg7[%get3A_870, %get3A_871, %get3A_872] {strides = array<i32>} : memref<2x128x128xf32, #tpu.memory_space<vmem>>, vector<1x1x16xf32>,
      %get3A_874 = vector.shape_cast %get3A_873 : vector<1x1x16xf32> to vector<16xf32>
      %swap3A_875 = arith.constant 0 : i32
      %swap3A_876 = arith.index_cast %swap3A_875 : i32 to index
      %swap3A_877 = arith.index_cast %add3A_684 : i32 to index
      %swap3A_878 = arith.constant 48 : index
      %swap3A_879 = tpu.vector_load %arg9[%swap3A_876, %swap3A_877, %swap3A_878] {strides = array<i32>} : memref<2x64x128xf32, #tpu.memory_space<vmem>>, vector<1x1x16xf32>,
      %swap3A_880 = vector.shape_cast %swap3A_879 : vector<1x1x16xf32> to vector<16xf32>
      %swap3A_881 = vector.shape_cast %get3A_874 : vector<16xf32> to vector<1x1x16xf32>
      tpu.vector_store %arg9[%swap3A_876, %swap3A_877, %swap3A_878], %swap3A_881 {strides = array<i32>} : memref<2x64x128xf32, #tpu.memory_space<vmem>>, vector<1x1x16xf32>,
      %get3A_882 = arith.constant 0 : i32
      %get3A_883 = arith.index_cast %get3A_882 : i32 to index
      %get3A_884 = arith.index_cast %add3A_688 : i32 to index
      %get3A_885 = arith.constant 112 : index
      %get3A_886 = tpu.vector_load %arg7[%get3A_883, %get3A_884, %get3A_885] {strides = array<i32>} : memref<2x128x128xf32, #tpu.memory_space<vmem>>, vector<1x1x16xf32>,
      %get3A_887 = vector.shape_cast %get3A_886 : vector<1x1x16xf32> to vector<16xf32>
      %swap3A_888 = arith.constant 0 : i32
      %swap3A_889 = arith.index_cast %swap3A_888 : i32 to index
      %swap3A_890 = arith.index_cast %add3A_684 : i32 to index
      %swap3A_891 = arith.constant 112 : index
      %swap3A_892 = tpu.vector_load %arg9[%swap3A_889, %swap3A_890, %swap3A_891] {strides = array<i32>} : memref<2x64x128xf32, #tpu.memory_space<vmem>>, vector<1x1x16xf32>,
      %swap3A_893 = vector.shape_cast %swap3A_892 : vector<1x1x16xf32> to vector<16xf32>
      %swap3A_894 = vector.shape_cast %get3A_887 : vector<16xf32> to vector<1x1x16xf32>
      tpu.vector_store %arg9[%swap3A_889, %swap3A_890, %swap3A_891], %swap3A_894 {strides = array<i32>} : memref<2x64x128xf32, #tpu.memory_space<vmem>>, vector<1x1x16xf32>,
    }
    %scan3A_40 = arith.constant 64 : i32
    %add3A_41 = arith.constant 0 : i32
    %add3A_42 = arith.addi %mul3A_2, %add3A_41 : i32
    %mul3A_43 = arith.constant 64 : i32
    %mul3A_44 = arith.muli %add3A_42, %mul3A_43 : i32
    %dma_start3A_45 = arith.constant 0 : i32
    %dma_start3A_46 = arith.constant 0 : i32
    %dma_start3A_47 = arith.constant 0 : i32
    %dma_start3A_48 = tpu.memref_slice %arg8[%dma_start3A_45, %dma_start3A_46, %dma_start3A_47] : memref<2x64x128xf32, #tpu.memory_space<vmem>> -> memref<1x64x128xf32, #tpu.memory_space<vmem>>
    %dma_start3A_49 = tpu.memref_squeeze %dma_start3A_48 : memref<1x64x128xf32, #tpu.memory_space<vmem>> -> memref<64x128xf32, #tpu.memory_space<vmem>>
    %dma_start3A_50 = arith.constant 0 : i32
    %dma_start3A_51 = tpu.memref_slice %arg4[%mul3A_44, %dma_start3A_50] : memref<16384x128xf32, #tpu.memory_space<hbm>> -> memref<64x128xf32, #tpu.memory_space<hbm>>
    %dma_start3A_52 = arith.constant 0 : i32
    %dma_start3A_53 = tpu.memref_slice %arg4[%mul3A_44, %dma_start3A_52] : memref<16384x128xf32, #tpu.memory_space<hbm>> -> memref<64x128xf32, #tpu.memory_space<hbm>>
    %dma_start3A_54 = arith.constant 0 : i32
    %dma_start3A_55 = arith.constant 0 : i32
    %dma_start3A_56 = tpu.memref_slice %arg8[%dma_start3A_45, %dma_start3A_54, %dma_start3A_55] : memref<2x64x128xf32, #tpu.memory_space<vmem>> -> memref<1x64x128xf32, #tpu.memory_space<vmem>>
    %dma_start3A_57 = tpu.memref_squeeze %dma_start3A_56 : memref<1x64x128xf32, #tpu.memory_space<vmem>> -> memref<64x128xf32, #tpu.memory_space<vmem>>
    tpu.enqueue_dma source(%dma_start3A_57 : memref<64x128xf32, #tpu.memory_space<vmem>>) target(%dma_start3A_53 : memref<64x128xf32, #tpu.memory_space<hbm>>) target_semaphore(%arg11 : memref<!tpu.dma_semaphore, #tpu.memory_space<semaphore_mem>>)
    %dma_start3A_58 = arith.constant 0 : i32
    %dma_start3A_59 = arith.constant 0 : i32
    %dma_start3A_60 = arith.constant 0 : i32
    %dma_start3A_61 = tpu.memref_slice %arg9[%dma_start3A_58, %dma_start3A_59, %dma_start3A_60] : memref<2x64x128xf32, #tpu.memory_space<vmem>> -> memref<1x64x128xf32, #tpu.memory_space<vmem>>
    %dma_start3A_62 = tpu.memref_squeeze %dma_start3A_61 : memref<1x64x128xf32, #tpu.memory_space<vmem>> -> memref<64x128xf32, #tpu.memory_space<vmem>>
    %dma_start3A_63 = arith.constant 0 : i32
    %dma_start3A_64 = tpu.memref_slice %arg5[%mul3A_44, %dma_start3A_63] : memref<16384x128xf32, #tpu.memory_space<hbm>> -> memref<64x128xf32, #tpu.memory_space<hbm>>
    %dma_start3A_65 = arith.constant 0 : i32
    %dma_start3A_66 = tpu.memref_slice %arg5[%mul3A_44, %dma_start3A_65] : memref<16384x128xf32, #tpu.memory_space<hbm>> -> memref<64x128xf32, #tpu.memory_space<hbm>>
    %dma_start3A_67 = arith.constant 0 : i32
    %dma_start3A_68 = arith.constant 0 : i32
    %dma_start3A_69 = tpu.memref_slice %arg9[%dma_start3A_58, %dma_start3A_67, %dma_start3A_68] : memref<2x64x128xf32, #tpu.memory_space<vmem>> -> memref<1x64x128xf32, #tpu.memory_space<vmem>>
    %dma_start3A_70 = tpu.memref_squeeze %dma_start3A_69 : memref<1x64x128xf32, #tpu.memory_space<vmem>> -> memref<64x128xf32, #tpu.memory_space<vmem>>
    tpu.enqueue_dma source(%dma_start3A_70 : memref<64x128xf32, #tpu.memory_space<vmem>>) target(%dma_start3A_66 : memref<64x128xf32, #tpu.memory_space<hbm>>) target_semaphore(%arg12 : memref<!tpu.dma_semaphore, #tpu.memory_space<semaphore_mem>>)
    %dma_wait3A_71 = arith.constant 1 : i32
    %dma_wait3A_72 = arith.constant 1 : i32
    %dma_wait3A_73 = arith.constant 0 : i32
    %dma_wait3A_74 = arith.constant 0 : i32
    %dma_wait3A_75 = tpu.memref_slice %arg7[%dma_wait3A_72, %dma_wait3A_73, %dma_wait3A_74] : memref<2x128x128xf32, #tpu.memory_space<vmem>> -> memref<1x128x128xf32, #tpu.memory_space<vmem>>
    %dma_wait3A_76 = tpu.memref_squeeze %dma_wait3A_75 : memref<1x128x128xf32, #tpu.memory_space<vmem>> -> memref<128x128xf32, #tpu.memory_space<vmem>>
    %dma_wait3A_77 = arith.constant 0 : i32
    %dma_wait3A_78 = tpu.memref_slice %arg6[%dma_wait3A_71, %dma_wait3A_77] : memref<8x128xi32, #tpu.memory_space<vmem>> -> memref<1x128xi32, #tpu.memory_space<vmem>>
    %dma_wait3A_79 = tpu.memref_squeeze %dma_wait3A_78 : memref<1x128xi32, #tpu.memory_space<vmem>> -> memref<128xi32, #tpu.memory_space<vmem>>
    %dma_wait3A_80 = arith.constant 0 : i32
    %dma_wait3A_81 = arith.constant 0 : i32
    %dma_wait3A_82 = tpu.memref_slice %arg3[%dma_wait3A_80, %dma_wait3A_81] : memref<8192x128xf32, #tpu.memory_space<hbm>> -> memref<8192x128xf32, #tpu.memory_space<hbm>>
    tpu.wait_indirect_dma semaphore(%arg10 : memref<!tpu.dma_semaphore, #tpu.memory_space<semaphore_mem>>) src(%dma_wait3A_82 : memref<8192x128xf32, #tpu.memory_space<hbm>>) dst(%dma_wait3A_76 : memref<128x128xf32, #tpu.memory_space<vmem>>)
    %dma_start3A_83 = arith.constant 2 : i32
    %dma_start3A_84 = arith.constant 0 : i32
    %dma_start3A_85 = arith.constant 0 : i32
    %dma_start3A_86 = arith.constant 0 : i32
    %dma_start3A_87 = tpu.memref_slice %arg7[%dma_start3A_84, %dma_start3A_85, %dma_start3A_86] : memref<2x128x128xf32, #tpu.memory_space<vmem>> -> memref<1x128x128xf32, #tpu.memory_space<vmem>>
    %dma_start3A_88 = tpu.memref_squeeze %dma_start3A_87 : memref<1x128x128xf32, #tpu.memory_space<vmem>> -> memref<128x128xf32, #tpu.memory_space<vmem>>
    %dma_start3A_89 = arith.constant 0 : i32
    %dma_start3A_90 = tpu.memref_slice %arg6[%dma_start3A_83, %dma_start3A_89] : memref<8x128xi32, #tpu.memory_space<vmem>> -> memref<1x128xi32, #tpu.memory_space<vmem>>
    %dma_start3A_91 = tpu.memref_squeeze %dma_start3A_90 : memref<1x128xi32, #tpu.memory_space<vmem>> -> memref<128xi32, #tpu.memory_space<vmem>>
    %dma_start3A_92 = arith.constant 0 : i32
    %dma_start3A_93 = arith.constant 0 : i32
    %dma_start3A_94 = tpu.memref_slice %arg3[%dma_start3A_92, %dma_start3A_93] : memref<8192x128xf32, #tpu.memory_space<hbm>> -> memref<8192x128xf32, #tpu.memory_space<hbm>>
    tpu.enqueue_indirect_dma source(%dma_start3A_94 : memref<8192x128xf32, #tpu.memory_space<hbm>>) target(%dma_start3A_88 : memref<128x128xf32, #tpu.memory_space<vmem>>) offsets(%dma_start3A_91 : memref<128xi32, #tpu.memory_space<vmem>>) semaphore(%arg10 : memref<!tpu.dma_semaphore, #tpu.memory_space<semaphore_mem>>)
    %scan3A_95 = arith.constant 0 : i32
    %scan3A_96 = arith.constant 64 : i32
    %scan3A_97 = arith.addi %scan3A_95, %scan3A_96 : i32
    %scan3A_98 = arith.constant 1 : i32
    scf.for %scan3A_680 = %scan3A_95 to %scan3A_97 step %scan3A_98  : i32 {
      %mul3A_681 = arith.constant 1 : i32
      %mul3A_682 = arith.muli %scan3A_680, %mul3A_681 : i32
      %add3A_683 = arith.constant 0 : i32
      %add3A_684 = arith.addi %add3A_683, %mul3A_682 : i32
      %mul3A_685 = arith.constant 2 : i32
      %mul3A_686 = arith.muli %mul3A_685, %add3A_684 : i32
      %add3A_687 = arith.constant 1 : i32
      %add3A_688 = arith.addi %mul3A_686, %add3A_687 : i32
      %get3A = arith.constant 1 : i32
      %get3A_689 = arith.index_cast %get3A : i32 to index
      %get3A_690 = arith.index_cast %mul3A_686 : i32 to index
      %get3A_691 = arith.constant 0 : index
      %get3A_692 = tpu.vector_load %arg7[%get3A_689, %get3A_690, %get3A_691] {strides = array<i32>} : memref<2x128x128xf32, #tpu.memory_space<vmem>>, vector<1x1x16xf32>,
      %get3A_693 = vector.shape_cast %get3A_692 : vector<1x1x16xf32> to vector<16xf32>
      %swap3A = arith.constant 1 : i32
      %swap3A_694 = arith.index_cast %swap3A : i32 to index
      %swap3A_695 = arith.index_cast %add3A_684 : i32 to index
      %swap3A_696 = arith.constant 0 : index
      %swap3A_697 = tpu.vector_load %arg8[%swap3A_694, %swap3A_695, %swap3A_696] {strides = array<i32>} : memref<2x64x128xf32, #tpu.memory_space<vmem>>, vector<1x1x16xf32>,
      %swap3A_698 = vector.shape_cast %swap3A_697 : vector<1x1x16xf32> to vector<16xf32>
      %swap3A_699 = vector.shape_cast %get3A_693 : vector<16xf32> to vector<1x1x16xf32>
      tpu.vector_store %arg8[%swap3A_694, %swap3A_695, %swap3A_696], %swap3A_699 {strides = array<i32>} : memref<2x64x128xf32, #tpu.memory_space<vmem>>, vector<1x1x16xf32>,
      %get3A_700 = arith.constant 1 : i32
      %get3A_701 = arith.index_cast %get3A_700 : i32 to index
      %get3A_702 = arith.index_cast %add3A_688 : i32 to index
      %get3A_703 = arith.constant 0 : index
      %get3A_704 = tpu.vector_load %arg7[%get3A_701, %get3A_702, %get3A_703] {strides = array<i32>} : memref<2x128x128xf32, #tpu.memory_space<vmem>>, vector<1x1x16xf32>,
      %get3A_705 = vector.shape_cast %get3A_704 : vector<1x1x16xf32> to vector<16xf32>
      %swap3A_706 = arith.constant 1 : i32
      %swap3A_707 = arith.index_cast %swap3A_706 : i32 to index
      %swap3A_708 = arith.index_cast %add3A_684 : i32 to index
      %swap3A_709 = arith.constant 64 : index
      %swap3A_710 = tpu.vector_load %arg8[%swap3A_707, %swap3A_708, %swap3A_709] {strides = array<i32>} : memref<2x64x128xf32, #tpu.memory_space<vmem>>, vector<1x1x16xf32>,
      %swap3A_711 = vector.shape_cast %swap3A_710 : vector<1x1x16xf32> to vector<16xf32>
      %swap3A_712 = vector.shape_cast %get3A_705 : vector<16xf32> to vector<1x1x16xf32>
      tpu.vector_store %arg8[%swap3A_707, %swap3A_708, %swap3A_709], %swap3A_712 {strides = array<i32>} : memref<2x64x128xf32, #tpu.memory_space<vmem>>, vector<1x1x16xf32>,
      %get3A_713 = arith.constant 1 : i32
      %get3A_714 = arith.index_cast %get3A_713 : i32 to index
      %get3A_715 = arith.index_cast %mul3A_686 : i32 to index
      %get3A_716 = arith.constant 64 : index
      %get3A_717 = tpu.vector_load %arg7[%get3A_714, %get3A_715, %get3A_716] {strides = array<i32>} : memref<2x128x128xf32, #tpu.memory_space<vmem>>, vector<1x1x16xf32>,
      %get3A_718 = vector.shape_cast %get3A_717 : vector<1x1x16xf32> to vector<16xf32>
      %swap3A_719 = arith.constant 1 : i32
      %swap3A_720 = arith.index_cast %swap3A_719 : i32 to index
      %swap3A_721 = arith.index_cast %add3A_684 : i32 to index
      %swap3A_722 = arith.constant 0 : index
      %swap3A_723 = tpu.vector_load %arg9[%swap3A_720, %swap3A_721, %swap3A_722] {strides = array<i32>} : memref<2x64x128xf32, #tpu.memory_space<vmem>>, vector<1x1x16xf32>,
      %swap3A_724 = vector.shape_cast %swap3A_723 : vector<1x1x16xf32> to vector<16xf32>
      %swap3A_725 = vector.shape_cast %get3A_718 : vector<16xf32> to vector<1x1x16xf32>
      tpu.vector_store %arg9[%swap3A_720, %swap3A_721, %swap3A_722], %swap3A_725 {strides = array<i32>} : memref<2x64x128xf32, #tpu.memory_space<vmem>>, vector<1x1x16xf32>,
      %get3A_726 = arith.constant 1 : i32
      %get3A_727 = arith.index_cast %get3A_726 : i32 to index
      %get3A_728 = arith.index_cast %add3A_688 : i32 to index
      %get3A_729 = arith.constant 64 : index
      %get3A_730 = tpu.vector_load %arg7[%get3A_727, %get3A_728, %get3A_729] {strides = array<i32>} : memref<2x128x128xf32, #tpu.memory_space<vmem>>, vector<1x1x16xf32>,
      %get3A_731 = vector.shape_cast %get3A_730 : vector<1x1x16xf32> to vector<16xf32>
      %swap3A_732 = arith.constant 1 : i32
      %swap3A_733 = arith.index_cast %swap3A_732 : i32 to index
      %swap3A_734 = arith.index_cast %add3A_684 : i32 to index
      %swap3A_735 = arith.constant 64 : index
      %swap3A_736 = tpu.vector_load %arg9[%swap3A_733, %swap3A_734, %swap3A_735] {strides = array<i32>} : memref<2x64x128xf32, #tpu.memory_space<vmem>>, vector<1x1x16xf32>,
      %swap3A_737 = vector.shape_cast %swap3A_736 : vector<1x1x16xf32> to vector<16xf32>
      %swap3A_738 = vector.shape_cast %get3A_731 : vector<16xf32> to vector<1x1x16xf32>
      tpu.vector_store %arg9[%swap3A_733, %swap3A_734, %swap3A_735], %swap3A_738 {strides = array<i32>} : memref<2x64x128xf32, #tpu.memory_space<vmem>>, vector<1x1x16xf32>,
      %get3A_739 = arith.constant 1 : i32
      %get3A_740 = arith.index_cast %get3A_739 : i32 to index
      %get3A_741 = arith.index_cast %mul3A_686 : i32 to index
      %get3A_742 = arith.constant 16 : index
      %get3A_743 = tpu.vector_load %arg7[%get3A_740, %get3A_741, %get3A_742] {strides = array<i32>} : memref<2x128x128xf32, #tpu.memory_space<vmem>>, vector<1x1x16xf32>,
      %get3A_744 = vector.shape_cast %get3A_743 : vector<1x1x16xf32> to vector<16xf32>
      %swap3A_745 = arith.constant 1 : i32
      %swap3A_746 = arith.index_cast %swap3A_745 : i32 to index
      %swap3A_747 = arith.index_cast %add3A_684 : i32 to index
      %swap3A_748 = arith.constant 16 : index
      %swap3A_749 = tpu.vector_load %arg8[%swap3A_746, %swap3A_747, %swap3A_748] {strides = array<i32>} : memref<2x64x128xf32, #tpu.memory_space<vmem>>, vector<1x1x16xf32>,
      %swap3A_750 = vector.shape_cast %swap3A_749 : vector<1x1x16xf32> to vector<16xf32>
      %swap3A_751 = vector.shape_cast %get3A_744 : vector<16xf32> to vector<1x1x16xf32>
      tpu.vector_store %arg8[%swap3A_746, %swap3A_747, %swap3A_748], %swap3A_751 {strides = array<i32>} : memref<2x64x128xf32, #tpu.memory_space<vmem>>, vector<1x1x16xf32>,
      %get3A_752 = arith.constant 1 : i32
      %get3A_753 = arith.index_cast %get3A_752 : i32 to index
      %get3A_754 = arith.index_cast %add3A_688 : i32 to index
      %get3A_755 = arith.constant 16 : index
      %get3A_756 = tpu.vector_load %arg7[%get3A_753, %get3A_754, %get3A_755] {strides = array<i32>} : memref<2x128x128xf32, #tpu.memory_space<vmem>>, vector<1x1x16xf32>,
      %get3A_757 = vector.shape_cast %get3A_756 : vector<1x1x16xf32> to vector<16xf32>
      %swap3A_758 = arith.constant 1 : i32
      %swap3A_759 = arith.index_cast %swap3A_758 : i32 to index
      %swap3A_760 = arith.index_cast %add3A_684 : i32 to index
      %swap3A_761 = arith.constant 80 : index
      %swap3A_762 = tpu.vector_load %arg8[%swap3A_759, %swap3A_760, %swap3A_761] {strides = array<i32>} : memref<2x64x128xf32, #tpu.memory_space<vmem>>, vector<1x1x16xf32>,
      %swap3A_763 = vector.shape_cast %swap3A_762 : vector<1x1x16xf32> to vector<16xf32>
      %swap3A_764 = vector.shape_cast %get3A_757 : vector<16xf32> to vector<1x1x16xf32>
      tpu.vector_store %arg8[%swap3A_759, %swap3A_760, %swap3A_761], %swap3A_764 {strides = array<i32>} : memref<2x64x128xf32, #tpu.memory_space<vmem>>, vector<1x1x16xf32>,
      %get3A_765 = arith.constant 1 : i32
      %get3A_766 = arith.index_cast %get3A_765 : i32 to index
      %get3A_767 = arith.index_cast %mul3A_686 : i32 to index
      %get3A_768 = arith.constant 80 : index
      %get3A_769 = tpu.vector_load %arg7[%get3A_766, %get3A_767, %get3A_768] {strides = array<i32>} : memref<2x128x128xf32, #tpu.memory_space<vmem>>, vector<1x1x16xf32>,
      %get3A_770 = vector.shape_cast %get3A_769 : vector<1x1x16xf32> to vector<16xf32>
      %swap3A_771 = arith.constant 1 : i32
      %swap3A_772 = arith.index_cast %swap3A_771 : i32 to index
      %swap3A_773 = arith.index_cast %add3A_684 : i32 to index
      %swap3A_774 = arith.constant 16 : index
      %swap3A_775 = tpu.vector_load %arg9[%swap3A_772, %swap3A_773, %swap3A_774] {strides = array<i32>} : memref<2x64x128xf32, #tpu.memory_space<vmem>>, vector<1x1x16xf32>,
      %swap3A_776 = vector.shape_cast %swap3A_775 : vector<1x1x16xf32> to vector<16xf32>
      %swap3A_777 = vector.shape_cast %get3A_770 : vector<16xf32> to vector<1x1x16xf32>
      tpu.vector_store %arg9[%swap3A_772, %swap3A_773, %swap3A_774], %swap3A_777 {strides = array<i32>} : memref<2x64x128xf32, #tpu.memory_space<vmem>>, vector<1x1x16xf32>,
      %get3A_778 = arith.constant 1 : i32
      %get3A_779 = arith.index_cast %get3A_778 : i32 to index
      %get3A_780 = arith.index_cast %add3A_688 : i32 to index
      %get3A_781 = arith.constant 80 : index
      %get3A_782 = tpu.vector_load %arg7[%get3A_779, %get3A_780, %get3A_781] {strides = array<i32>} : memref<2x128x128xf32, #tpu.memory_space<vmem>>, vector<1x1x16xf32>,
      %get3A_783 = vector.shape_cast %get3A_782 : vector<1x1x16xf32> to vector<16xf32>
      %swap3A_784 = arith.constant 1 : i32
      %swap3A_785 = arith.index_cast %swap3A_784 : i32 to index
      %swap3A_786 = arith.index_cast %add3A_684 : i32 to index
      %swap3A_787 = arith.constant 80 : index
      %swap3A_788 = tpu.vector_load %arg9[%swap3A_785, %swap3A_786, %swap3A_787] {strides = array<i32>} : memref<2x64x128xf32, #tpu.memory_space<vmem>>, vector<1x1x16xf32>,
      %swap3A_789 = vector.shape_cast %swap3A_788 : vector<1x1x16xf32> to vector<16xf32>
      %swap3A_790 = vector.shape_cast %get3A_783 : vector<16xf32> to vector<1x1x16xf32>
      tpu.vector_store %arg9[%swap3A_785, %swap3A_786, %swap3A_787], %swap3A_790 {strides = array<i32>} : memref<2x64x128xf32, #tpu.memory_space<vmem>>, vector<1x1x16xf32>,
      %get3A_791 = arith.constant 1 : i32
      %get3A_792 = arith.index_cast %get3A_791 : i32 to index
      %get3A_793 = arith.index_cast %mul3A_686 : i32 to index
      %get3A_794 = arith.constant 32 : index
      %get3A_795 = tpu.vector_load %arg7[%get3A_792, %get3A_793, %get3A_794] {strides = array<i32>} : memref<2x128x128xf32, #tpu.memory_space<vmem>>, vector<1x1x16xf32>,
      %get3A_796 = vector.shape_cast %get3A_795 : vector<1x1x16xf32> to vector<16xf32>
      %swap3A_797 = arith.constant 1 : i32
      %swap3A_798 = arith.index_cast %swap3A_797 : i32 to index
      %swap3A_799 = arith.index_cast %add3A_684 : i32 to index
      %swap3A_800 = arith.constant 32 : index
      %swap3A_801 = tpu.vector_load %arg8[%swap3A_798, %swap3A_799, %swap3A_800] {strides = array<i32>} : memref<2x64x128xf32, #tpu.memory_space<vmem>>, vector<1x1x16xf32>,
      %swap3A_802 = vector.shape_cast %swap3A_801 : vector<1x1x16xf32> to vector<16xf32>
      %swap3A_803 = vector.shape_cast %get3A_796 : vector<16xf32> to vector<1x1x16xf32>
      tpu.vector_store %arg8[%swap3A_798, %swap3A_799, %swap3A_800], %swap3A_803 {strides = array<i32>} : memref<2x64x128xf32, #tpu.memory_space<vmem>>, vector<1x1x16xf32>,
      %get3A_804 = arith.constant 1 : i32
      %get3A_805 = arith.index_cast %get3A_804 : i32 to index
      %get3A_806 = arith.index_cast %add3A_688 : i32 to index
      %get3A_807 = arith.constant 32 : index
      %get3A_808 = tpu.vector_load %arg7[%get3A_805, %get3A_806, %get3A_807] {strides = array<i32>} : memref<2x128x128xf32, #tpu.memory_space<vmem>>, vector<1x1x16xf32>,
      %get3A_809 = vector.shape_cast %get3A_808 : vector<1x1x16xf32> to vector<16xf32>
      %swap3A_810 = arith.constant 1 : i32
      %swap3A_811 = arith.index_cast %swap3A_810 : i32 to index
      %swap3A_812 = arith.index_cast %add3A_684 : i32 to index
      %swap3A_813 = arith.constant 96 : index
      %swap3A_814 = tpu.vector_load %arg8[%swap3A_811, %swap3A_812, %swap3A_813] {strides = array<i32>} : memref<2x64x128xf32, #tpu.memory_space<vmem>>, vector<1x1x16xf32>,
      %swap3A_815 = vector.shape_cast %swap3A_814 : vector<1x1x16xf32> to vector<16xf32>
      %swap3A_816 = vector.shape_cast %get3A_809 : vector<16xf32> to vector<1x1x16xf32>
      tpu.vector_store %arg8[%swap3A_811, %swap3A_812, %swap3A_813], %swap3A_816 {strides = array<i32>} : memref<2x64x128xf32, #tpu.memory_space<vmem>>, vector<1x1x16xf32>,
      %get3A_817 = arith.constant 1 : i32
      %get3A_818 = arith.index_cast %get3A_817 : i32 to index
      %get3A_819 = arith.index_cast %mul3A_686 : i32 to index
      %get3A_820 = arith.constant 96 : index
      %get3A_821 = tpu.vector_load %arg7[%get3A_818, %get3A_819, %get3A_820] {strides = array<i32>} : memref<2x128x128xf32, #tpu.memory_space<vmem>>, vector<1x1x16xf32>,
      %get3A_822 = vector.shape_cast %get3A_821 : vector<1x1x16xf32> to vector<16xf32>
      %swap3A_823 = arith.constant 1 : i32
      %swap3A_824 = arith.index_cast %swap3A_823 : i32 to index
      %swap3A_825 = arith.index_cast %add3A_684 : i32 to index
      %swap3A_826 = arith.constant 32 : index
      %swap3A_827 = tpu.vector_load %arg9[%swap3A_824, %swap3A_825, %swap3A_826] {strides = array<i32>} : memref<2x64x128xf32, #tpu.memory_space<vmem>>, vector<1x1x16xf32>,
      %swap3A_828 = vector.shape_cast %swap3A_827 : vector<1x1x16xf32> to vector<16xf32>
      %swap3A_829 = vector.shape_cast %get3A_822 : vector<16xf32> to vector<1x1x16xf32>
      tpu.vector_store %arg9[%swap3A_824, %swap3A_825, %swap3A_826], %swap3A_829 {strides = array<i32>} : memref<2x64x128xf32, #tpu.memory_space<vmem>>, vector<1x1x16xf32>,
      %get3A_830 = arith.constant 1 : i32
      %get3A_831 = arith.index_cast %get3A_830 : i32 to index
      %get3A_832 = arith.index_cast %add3A_688 : i32 to index
      %get3A_833 = arith.constant 96 : index
      %get3A_834 = tpu.vector_load %arg7[%get3A_831, %get3A_832, %get3A_833] {strides = array<i32>} : memref<2x128x128xf32, #tpu.memory_space<vmem>>, vector<1x1x16xf32>,
      %get3A_835 = vector.shape_cast %get3A_834 : vector<1x1x16xf32> to vector<16xf32>
      %swap3A_836 = arith.constant 1 : i32
      %swap3A_837 = arith.index_cast %swap3A_836 : i32 to index
      %swap3A_838 = arith.index_cast %add3A_684 : i32 to index
      %swap3A_839 = arith.constant 96 : index
      %swap3A_840 = tpu.vector_load %arg9[%swap3A_837, %swap3A_838, %swap3A_839] {strides = array<i32>} : memref<2x64x128xf32, #tpu.memory_space<vmem>>, vector<1x1x16xf32>,
      %swap3A_841 = vector.shape_cast %swap3A_840 : vector<1x1x16xf32> to vector<16xf32>
      %swap3A_842 = vector.shape_cast %get3A_835 : vector<16xf32> to vector<1x1x16xf32>
      tpu.vector_store %arg9[%swap3A_837, %swap3A_838, %swap3A_839], %swap3A_842 {strides = array<i32>} : memref<2x64x128xf32, #tpu.memory_space<vmem>>, vector<1x1x16xf32>,
      %get3A_843 = arith.constant 1 : i32
      %get3A_844 = arith.index_cast %get3A_843 : i32 to index
      %get3A_845 = arith.index_cast %mul3A_686 : i32 to index
      %get3A_846 = arith.constant 48 : index
      %get3A_847 = tpu.vector_load %arg7[%get3A_844, %get3A_845, %get3A_846] {strides = array<i32>} : memref<2x128x128xf32, #tpu.memory_space<vmem>>, vector<1x1x16xf32>,
      %get3A_848 = vector.shape_cast %get3A_847 : vector<1x1x16xf32> to vector<16xf32>
      %swap3A_849 = arith.constant 1 : i32
      %swap3A_850 = arith.index_cast %swap3A_849 : i32 to index
      %swap3A_851 = arith.index_cast %add3A_684 : i32 to index
      %swap3A_852 = arith.constant 48 : index
      %swap3A_853 = tpu.vector_load %arg8[%swap3A_850, %swap3A_851, %swap3A_852] {strides = array<i32>} : memref<2x64x128xf32, #tpu.memory_space<vmem>>, vector<1x1x16xf32>,
      %swap3A_854 = vector.shape_cast %swap3A_853 : vector<1x1x16xf32> to vector<16xf32>
      %swap3A_855 = vector.shape_cast %get3A_848 : vector<16xf32> to vector<1x1x16xf32>
      tpu.vector_store %arg8[%swap3A_850, %swap3A_851, %swap3A_852], %swap3A_855 {strides = array<i32>} : memref<2x64x128xf32, #tpu.memory_space<vmem>>, vector<1x1x16xf32>,
      %get3A_856 = arith.constant 1 : i32
      %get3A_857 = arith.index_cast %get3A_856 : i32 to index
      %get3A_858 = arith.index_cast %add3A_688 : i32 to index
      %get3A_859 = arith.constant 48 : index
      %get3A_860 = tpu.vector_load %arg7[%get3A_857, %get3A_858, %get3A_859] {strides = array<i32>} : memref<2x128x128xf32, #tpu.memory_space<vmem>>, vector<1x1x16xf32>,
      %get3A_861 = vector.shape_cast %get3A_860 : vector<1x1x16xf32> to vector<16xf32>
      %swap3A_862 = arith.constant 1 : i32
      %swap3A_863 = arith.index_cast %swap3A_862 : i32 to index
      %swap3A_864 = arith.index_cast %add3A_684 : i32 to index
      %swap3A_865 = arith.constant 112 : index
      %swap3A_866 = tpu.vector_load %arg8[%swap3A_863, %swap3A_864, %swap3A_865] {strides = array<i32>} : memref<2x64x128xf32, #tpu.memory_space<vmem>>, vector<1x1x16xf32>,
      %swap3A_867 = vector.shape_cast %swap3A_866 : vector<1x1x16xf32> to vector<16xf32>
      %swap3A_868 = vector.shape_cast %get3A_861 : vector<16xf32> to vector<1x1x16xf32>
      tpu.vector_store %arg8[%swap3A_863, %swap3A_864, %swap3A_865], %swap3A_868 {strides = array<i32>} : memref<2x64x128xf32, #tpu.memory_space<vmem>>, vector<1x1x16xf32>,
      %get3A_869 = arith.constant 1 : i32
      %get3A_870 = arith.index_cast %get3A_869 : i32 to index
      %get3A_871 = arith.index_cast %mul3A_686 : i32 to index
      %get3A_872 = arith.constant 112 : index
      %get3A_873 = tpu.vector_load %arg7[%get3A_870, %get3A_871, %get3A_872] {strides = array<i32>} : memref<2x128x128xf32, #tpu.memory_space<vmem>>, vector<1x1x16xf32>,
      %get3A_874 = vector.shape_cast %get3A_873 : vector<1x1x16xf32> to vector<16xf32>
      %swap3A_875 = arith.constant 1 : i32
      %swap3A_876 = arith.index_cast %swap3A_875 : i32 to index
      %swap3A_877 = arith.index_cast %add3A_684 : i32 to index
      %swap3A_878 = arith.constant 48 : index
      %swap3A_879 = tpu.vector_load %arg9[%swap3A_876, %swap3A_877, %swap3A_878] {strides = array<i32>} : memref<2x64x128xf32, #tpu.memory_space<vmem>>, vector<1x1x16xf32>,
      %swap3A_880 = vector.shape_cast %swap3A_879 : vector<1x1x16xf32> to vector<16xf32>
      %swap3A_881 = vector.shape_cast %get3A_874 : vector<16xf32> to vector<1x1x16xf32>
      tpu.vector_store %arg9[%swap3A_876, %swap3A_877, %swap3A_878], %swap3A_881 {strides = array<i32>} : memref<2x64x128xf32, #tpu.memory_space<vmem>>, vector<1x1x16xf32>,
      %get3A_882 = arith.constant 1 : i32
      %get3A_883 = arith.index_cast %get3A_882 : i32 to index
      %get3A_884 = arith.index_cast %add3A_688 : i32 to index
      %get3A_885 = arith.constant 112 : index
      %get3A_886 = tpu.vector_load %arg7[%get3A_883, %get3A_884, %get3A_885] {strides = array<i32>} : memref<2x128x128xf32, #tpu.memory_space<vmem>>, vector<1x1x16xf32>,
      %get3A_887 = vector.shape_cast %get3A_886 : vector<1x1x16xf32> to vector<16xf32>
      %swap3A_888 = arith.constant 1 : i32
      %swap3A_889 = arith.index_cast %swap3A_888 : i32 to index
      %swap3A_890 = arith.index_cast %add3A_684 : i32 to index
      %swap3A_891 = arith.constant 112 : index
      %swap3A_892 = tpu.vector_load %arg9[%swap3A_889, %swap3A_890, %swap3A_891] {strides = array<i32>} : memref<2x64x128xf32, #tpu.memory_space<vmem>>, vector<1x1x16xf32>,
      %swap3A_893 = vector.shape_cast %swap3A_892 : vector<1x1x16xf32> to vector<16xf32>
      %swap3A_894 = vector.shape_cast %get3A_887 : vector<16xf32> to vector<1x1x16xf32>
      tpu.vector_store %arg9[%swap3A_889, %swap3A_890, %swap3A_891], %swap3A_894 {strides = array<i32>} : memref<2x64x128xf32, #tpu.memory_space<vmem>>, vector<1x1x16xf32>,
    }
    %scan3A_99 = arith.constant 64 : i32
    %add3A_100 = arith.constant 1 : i32
    %add3A_101 = arith.addi %mul3A_2, %add3A_100 : i32
    %mul3A_102 = arith.constant 64 : i32
    %mul3A_103 = arith.muli %add3A_101, %mul3A_102 : i32
    %dma_start3A_104 = arith.constant 1 : i32
    %dma_start3A_105 = arith.constant 0 : i32
    %dma_start3A_106 = arith.constant 0 : i32
    %dma_start3A_107 = tpu.memref_slice %arg8[%dma_start3A_104, %dma_start3A_105, %dma_start3A_106] : memref<2x64x128xf32, #tpu.memory_space<vmem>> -> memref<1x64x128xf32, #tpu.memory_space<vmem>>
    %dma_start3A_108 = tpu.memref_squeeze %dma_start3A_107 : memref<1x64x128xf32, #tpu.memory_space<vmem>> -> memref<64x128xf32, #tpu.memory_space<vmem>>
    %dma_start3A_109 = arith.constant 0 : i32
    %dma_start3A_110 = tpu.memref_slice %arg4[%mul3A_103, %dma_start3A_109] : memref<16384x128xf32, #tpu.memory_space<hbm>> -> memref<64x128xf32, #tpu.memory_space<hbm>>
    %dma_start3A_111 = arith.constant 0 : i32
    %dma_start3A_112 = tpu.memref_slice %arg4[%mul3A_103, %dma_start3A_111] : memref<16384x128xf32, #tpu.memory_space<hbm>> -> memref<64x128xf32, #tpu.memory_space<hbm>>
    %dma_start3A_113 = arith.constant 0 : i32
    %dma_start3A_114 = arith.constant 0 : i32
    %dma_start3A_115 = tpu.memref_slice %arg8[%dma_start3A_104, %dma_start3A_113, %dma_start3A_114] : memref<2x64x128xf32, #tpu.memory_space<vmem>> -> memref<1x64x128xf32, #tpu.memory_space<vmem>>
    %dma_start3A_116 = tpu.memref_squeeze %dma_start3A_115 : memref<1x64x128xf32, #tpu.memory_space<vmem>> -> memref<64x128xf32, #tpu.memory_space<vmem>>
    tpu.enqueue_dma source(%dma_start3A_116 : memref<64x128xf32, #tpu.memory_space<vmem>>) target(%dma_start3A_112 : memref<64x128xf32, #tpu.memory_space<hbm>>) target_semaphore(%arg11 : memref<!tpu.dma_semaphore, #tpu.memory_space<semaphore_mem>>)
    %dma_start3A_117 = arith.constant 1 : i32
    %dma_start3A_118 = arith.constant 0 : i32
    %dma_start3A_119 = arith.constant 0 : i32
    %dma_start3A_120 = tpu.memref_slice %arg9[%dma_start3A_117, %dma_start3A_118, %dma_start3A_119] : memref<2x64x128xf32, #tpu.memory_space<vmem>> -> memref<1x64x128xf32, #tpu.memory_space<vmem>>
    %dma_start3A_121 = tpu.memref_squeeze %dma_start3A_120 : memref<1x64x128xf32, #tpu.memory_space<vmem>> -> memref<64x128xf32, #tpu.memory_space<vmem>>
    %dma_start3A_122 = arith.constant 0 : i32
    %dma_start3A_123 = tpu.memref_slice %arg5[%mul3A_103, %dma_start3A_122] : memref<16384x128xf32, #tpu.memory_space<hbm>> -> memref<64x128xf32, #tpu.memory_space<hbm>>
    %dma_start3A_124 = arith.constant 0 : i32
    %dma_start3A_125 = tpu.memref_slice %arg5[%mul3A_103, %dma_start3A_124] : memref<16384x128xf32, #tpu.memory_space<hbm>> -> memref<64x128xf32, #tpu.memory_space<hbm>>
    %dma_start3A_126 = arith.constant 0 : i32
    %dma_start3A_127 = arith.constant 0 : i32
    %dma_start3A_128 = tpu.memref_slice %arg9[%dma_start3A_117, %dma_start3A_126, %dma_start3A_127] : memref<2x64x128xf32, #tpu.memory_space<vmem>> -> memref<1x64x128xf32, #tpu.memory_space<vmem>>
    %dma_start3A_129 = tpu.memref_squeeze %dma_start3A_128 : memref<1x64x128xf32, #tpu.memory_space<vmem>> -> memref<64x128xf32, #tpu.memory_space<vmem>>
    tpu.enqueue_dma source(%dma_start3A_129 : memref<64x128xf32, #tpu.memory_space<vmem>>) target(%dma_start3A_125 : memref<64x128xf32, #tpu.memory_space<hbm>>) target_semaphore(%arg12 : memref<!tpu.dma_semaphore, #tpu.memory_space<semaphore_mem>>)
    %dma_wait3A_130 = arith.constant 2 : i32
    %dma_wait3A_131 = arith.constant 0 : i32
    %dma_wait3A_132 = arith.constant 0 : i32
    %dma_wait3A_133 = arith.constant 0 : i32
    %dma_wait3A_134 = tpu.memref_slice %arg7[%dma_wait3A_131, %dma_wait3A_132, %dma_wait3A_133] : memref<2x128x128xf32, #tpu.memory_space<vmem>> -> memref<1x128x128xf32, #tpu.memory_space<vmem>>
    %dma_wait3A_135 = tpu.memref_squeeze %dma_wait3A_134 : memref<1x128x128xf32, #tpu.memory_space<vmem>> -> memref<128x128xf32, #tpu.memory_space<vmem>>
    %dma_wait3A_136 = arith.constant 0 : i32
    %dma_wait3A_137 = tpu.memref_slice %arg6[%dma_wait3A_130, %dma_wait3A_136] : memref<8x128xi32, #tpu.memory_space<vmem>> -> memref<1x128xi32, #tpu.memory_space<vmem>>
    %dma_wait3A_138 = tpu.memref_squeeze %dma_wait3A_137 : memref<1x128xi32, #tpu.memory_space<vmem>> -> memref<128xi32, #tpu.memory_space<vmem>>
    %dma_wait3A_139 = arith.constant 0 : i32
    %dma_wait3A_140 = arith.constant 0 : i32
    %dma_wait3A_141 = tpu.memref_slice %arg3[%dma_wait3A_139, %dma_wait3A_140] : memref<8192x128xf32, #tpu.memory_space<hbm>> -> memref<8192x128xf32, #tpu.memory_space<hbm>>
    tpu.wait_indirect_dma semaphore(%arg10 : memref<!tpu.dma_semaphore, #tpu.memory_space<semaphore_mem>>) src(%dma_wait3A_141 : memref<8192x128xf32, #tpu.memory_space<hbm>>) dst(%dma_wait3A_135 : memref<128x128xf32, #tpu.memory_space<vmem>>)
    %dma_start3A_142 = arith.constant 3 : i32
    %dma_start3A_143 = arith.constant 1 : i32
    %dma_start3A_144 = arith.constant 0 : i32
    %dma_start3A_145 = arith.constant 0 : i32
    %dma_start3A_146 = tpu.memref_slice %arg7[%dma_start3A_143, %dma_start3A_144, %dma_start3A_145] : memref<2x128x128xf32, #tpu.memory_space<vmem>> -> memref<1x128x128xf32, #tpu.memory_space<vmem>>
    %dma_start3A_147 = tpu.memref_squeeze %dma_start3A_146 : memref<1x128x128xf32, #tpu.memory_space<vmem>> -> memref<128x128xf32, #tpu.memory_space<vmem>>
    %dma_start3A_148 = arith.constant 0 : i32
    %dma_start3A_149 = tpu.memref_slice %arg6[%dma_start3A_142, %dma_start3A_148] : memref<8x128xi32, #tpu.memory_space<vmem>> -> memref<1x128xi32, #tpu.memory_space<vmem>>
    %dma_start3A_150 = tpu.memref_squeeze %dma_start3A_149 : memref<1x128xi32, #tpu.memory_space<vmem>> -> memref<128xi32, #tpu.memory_space<vmem>>
    %dma_start3A_151 = arith.constant 0 : i32
    %dma_start3A_152 = arith.constant 0 : i32
    %dma_start3A_153 = tpu.memref_slice %arg3[%dma_start3A_151, %dma_start3A_152] : memref<8192x128xf32, #tpu.memory_space<hbm>> -> memref<8192x128xf32, #tpu.memory_space<hbm>>
    tpu.enqueue_indirect_dma source(%dma_start3A_153 : memref<8192x128xf32, #tpu.memory_space<hbm>>) target(%dma_start3A_147 : memref<128x128xf32, #tpu.memory_space<vmem>>) offsets(%dma_start3A_150 : memref<128xi32, #tpu.memory_space<vmem>>) semaphore(%arg10 : memref<!tpu.dma_semaphore, #tpu.memory_space<semaphore_mem>>)
    %dma_wait3A_154 = arith.constant 0 : i32
    %dma_wait3A_155 = arith.constant 0 : i32
    %dma_wait3A_156 = arith.constant 0 : i32
    %dma_wait3A_157 = tpu.memref_slice %arg8[%dma_wait3A_154, %dma_wait3A_155, %dma_wait3A_156] : memref<2x64x128xf32, #tpu.memory_space<vmem>> -> memref<1x64x128xf32, #tpu.memory_space<vmem>>
    %dma_wait3A_158 = tpu.memref_squeeze %dma_wait3A_157 : memref<1x64x128xf32, #tpu.memory_space<vmem>> -> memref<64x128xf32, #tpu.memory_space<vmem>>
    %dma_wait3A_159 = arith.constant 0 : i32
    %dma_wait3A_160 = tpu.memref_slice %arg4[%mul3A_44, %dma_wait3A_159] : memref<16384x128xf32, #tpu.memory_space<hbm>> -> memref<64x128xf32, #tpu.memory_space<hbm>>
    %dma_wait3A_161 = arith.constant 0 : i32
    %dma_wait3A_162 = tpu.memref_slice %arg4[%mul3A_44, %dma_wait3A_161] : memref<16384x128xf32, #tpu.memory_space<hbm>> -> memref<64x128xf32, #tpu.memory_space<hbm>>
    %dma_wait3A_163 = arith.constant 0 : i32
    %dma_wait3A_164 = arith.constant 0 : i32
    %dma_wait3A_165 = tpu.memref_slice %arg8[%dma_wait3A_154, %dma_wait3A_163, %dma_wait3A_164] : memref<2x64x128xf32, #tpu.memory_space<vmem>> -> memref<1x64x128xf32, #tpu.memory_space<vmem>>
    %dma_wait3A_166 = tpu.memref_squeeze %dma_wait3A_165 : memref<1x64x128xf32, #tpu.memory_space<vmem>> -> memref<64x128xf32, #tpu.memory_space<vmem>>
    tpu.wait_dma2 semaphore(%arg11 : memref<!tpu.dma_semaphore, #tpu.memory_space<semaphore_mem>>) src(%dma_wait3A_166 : memref<64x128xf32, #tpu.memory_space<vmem>>) dst(%dma_wait3A_162 : memref<64x128xf32, #tpu.memory_space<hbm>>)
    %dma_wait3A_167 = arith.constant 0 : i32
    %dma_wait3A_168 = arith.constant 0 : i32
    %dma_wait3A_169 = arith.constant 0 : i32
    %dma_wait3A_170 = tpu.memref_slice %arg9[%dma_wait3A_167, %dma_wait3A_168, %dma_wait3A_169] : memref<2x64x128xf32, #tpu.memory_space<vmem>> -> memref<1x64x128xf32, #tpu.memory_space<vmem>>
    %dma_wait3A_171 = tpu.memref_squeeze %dma_wait3A_170 : memref<1x64x128xf32, #tpu.memory_space<vmem>> -> memref<64x128xf32, #tpu.memory_space<vmem>>
    %dma_wait3A_172 = arith.constant 0 : i32
    %dma_wait3A_173 = tpu.memref_slice %arg5[%mul3A_44, %dma_wait3A_172] : memref<16384x128xf32, #tpu.memory_space<hbm>> -> memref<64x128xf32, #tpu.memory_space<hbm>>
    %dma_wait3A_174 = arith.constant 0 : i32
    %dma_wait3A_175 = tpu.memref_slice %arg5[%mul3A_44, %dma_wait3A_174] : memref<16384x128xf32, #tpu.memory_space<hbm>> -> memref<64x128xf32, #tpu.memory_space<hbm>>
    %dma_wait3A_176 = arith.constant 0 : i32
    %dma_wait3A_177 = arith.constant 0 : i32
    %dma_wait3A_178 = tpu.memref_slice %arg9[%dma_wait3A_167, %dma_wait3A_176, %dma_wait3A_177] : memref<2x64x128xf32, #tpu.memory_space<vmem>> -> memref<1x64x128xf32, #tpu.memory_space<vmem>>
    %dma_wait3A_179 = tpu.memref_squeeze %dma_wait3A_178 : memref<1x64x128xf32, #tpu.memory_space<vmem>> -> memref<64x128xf32, #tpu.memory_space<vmem>>
    tpu.wait_dma2 semaphore(%arg12 : memref<!tpu.dma_semaphore, #tpu.memory_space<semaphore_mem>>) src(%dma_wait3A_179 : memref<64x128xf32, #tpu.memory_space<vmem>>) dst(%dma_wait3A_175 : memref<64x128xf32, #tpu.memory_space<hbm>>)
    %scan3A_180 = arith.constant 0 : i32
    %scan3A_181 = arith.constant 64 : i32
    %scan3A_182 = arith.addi %scan3A_180, %scan3A_181 : i32
    %scan3A_183 = arith.constant 1 : i32
    scf.for %scan3A_680 = %scan3A_180 to %scan3A_182 step %scan3A_183  : i32 {
      %mul3A_681 = arith.constant 1 : i32
      %mul3A_682 = arith.muli %scan3A_680, %mul3A_681 : i32
      %add3A_683 = arith.constant 0 : i32
      %add3A_684 = arith.addi %add3A_683, %mul3A_682 : i32
      %mul3A_685 = arith.constant 2 : i32
      %mul3A_686 = arith.muli %mul3A_685, %add3A_684 : i32
      %add3A_687 = arith.constant 1 : i32
      %add3A_688 = arith.addi %mul3A_686, %add3A_687 : i32
      %get3A = arith.constant 0 : i32
      %get3A_689 = arith.index_cast %get3A : i32 to index
      %get3A_690 = arith.index_cast %mul3A_686 : i32 to index
      %get3A_691 = arith.constant 0 : index
      %get3A_692 = tpu.vector_load %arg7[%get3A_689, %get3A_690, %get3A_691] {strides = array<i32>} : memref<2x128x128xf32, #tpu.memory_space<vmem>>, vector<1x1x16xf32>,
      %get3A_693 = vector.shape_cast %get3A_692 : vector<1x1x16xf32> to vector<16xf32>
      %swap3A = arith.constant 0 : i32
      %swap3A_694 = arith.index_cast %swap3A : i32 to index
      %swap3A_695 = arith.index_cast %add3A_684 : i32 to index
      %swap3A_696 = arith.constant 0 : index
      %swap3A_697 = tpu.vector_load %arg8[%swap3A_694, %swap3A_695, %swap3A_696] {strides = array<i32>} : memref<2x64x128xf32, #tpu.memory_space<vmem>>, vector<1x1x16xf32>,
      %swap3A_698 = vector.shape_cast %swap3A_697 : vector<1x1x16xf32> to vector<16xf32>
      %swap3A_699 = vector.shape_cast %get3A_693 : vector<16xf32> to vector<1x1x16xf32>
      tpu.vector_store %arg8[%swap3A_694, %swap3A_695, %swap3A_696], %swap3A_699 {strides = array<i32>} : memref<2x64x128xf32, #tpu.memory_space<vmem>>, vector<1x1x16xf32>,
      %get3A_700 = arith.constant 0 : i32
      %get3A_701 = arith.index_cast %get3A_700 : i32 to index
      %get3A_702 = arith.index_cast %add3A_688 : i32 to index
      %get3A_703 = arith.constant 0 : index
      %get3A_704 = tpu.vector_load %arg7[%get3A_701, %get3A_702, %get3A_703] {strides = array<i32>} : memref<2x128x128xf32, #tpu.memory_space<vmem>>, vector<1x1x16xf32>,
      %get3A_705 = vector.shape_cast %get3A_704 : vector<1x1x16xf32> to vector<16xf32>
      %swap3A_706 = arith.constant 0 : i32
      %swap3A_707 = arith.index_cast %swap3A_706 : i32 to index
      %swap3A_708 = arith.index_cast %add3A_684 : i32 to index
      %swap3A_709 = arith.constant 64 : index
      %swap3A_710 = tpu.vector_load %arg8[%swap3A_707, %swap3A_708, %swap3A_709] {strides = array<i32>} : memref<2x64x128xf32, #tpu.memory_space<vmem>>, vector<1x1x16xf32>,
      %swap3A_711 = vector.shape_cast %swap3A_710 : vector<1x1x16xf32> to vector<16xf32>
      %swap3A_712 = vector.shape_cast %get3A_705 : vector<16xf32> to vector<1x1x16xf32>
      tpu.vector_store %arg8[%swap3A_707, %swap3A_708, %swap3A_709], %swap3A_712 {strides = array<i32>} : memref<2x64x128xf32, #tpu.memory_space<vmem>>, vector<1x1x16xf32>,
      %get3A_713 = arith.constant 0 : i32
      %get3A_714 = arith.index_cast %get3A_713 : i32 to index
      %get3A_715 = arith.index_cast %mul3A_686 : i32 to index
      %get3A_716 = arith.constant 64 : index
      %get3A_717 = tpu.vector_load %arg7[%get3A_714, %get3A_715, %get3A_716] {strides = array<i32>} : memref<2x128x128xf32, #tpu.memory_space<vmem>>, vector<1x1x16xf32>,
      %get3A_718 = vector.shape_cast %get3A_717 : vector<1x1x16xf32> to vector<16xf32>
      %swap3A_719 = arith.constant 0 : i32
      %swap3A_720 = arith.index_cast %swap3A_719 : i32 to index
      %swap3A_721 = arith.index_cast %add3A_684 : i32 to index
      %swap3A_722 = arith.constant 0 : index
      %swap3A_723 = tpu.vector_load %arg9[%swap3A_720, %swap3A_721, %swap3A_722] {strides = array<i32>} : memref<2x64x128xf32, #tpu.memory_space<vmem>>, vector<1x1x16xf32>,
      %swap3A_724 = vector.shape_cast %swap3A_723 : vector<1x1x16xf32> to vector<16xf32>
      %swap3A_725 = vector.shape_cast %get3A_718 : vector<16xf32> to vector<1x1x16xf32>
      tpu.vector_store %arg9[%swap3A_720, %swap3A_721, %swap3A_722], %swap3A_725 {strides = array<i32>} : memref<2x64x128xf32, #tpu.memory_space<vmem>>, vector<1x1x16xf32>,
      %get3A_726 = arith.constant 0 : i32
      %get3A_727 = arith.index_cast %get3A_726 : i32 to index
      %get3A_728 = arith.index_cast %add3A_688 : i32 to index
      %get3A_729 = arith.constant 64 : index
      %get3A_730 = tpu.vector_load %arg7[%get3A_727, %get3A_728, %get3A_729] {strides = array<i32>} : memref<2x128x128xf32, #tpu.memory_space<vmem>>, vector<1x1x16xf32>,
      %get3A_731 = vector.shape_cast %get3A_730 : vector<1x1x16xf32> to vector<16xf32>
      %swap3A_732 = arith.constant 0 : i32
      %swap3A_733 = arith.index_cast %swap3A_732 : i32 to index
      %swap3A_734 = arith.index_cast %add3A_684 : i32 to index
      %swap3A_735 = arith.constant 64 : index
      %swap3A_736 = tpu.vector_load %arg9[%swap3A_733, %swap3A_734, %swap3A_735] {strides = array<i32>} : memref<2x64x128xf32, #tpu.memory_space<vmem>>, vector<1x1x16xf32>,
      %swap3A_737 = vector.shape_cast %swap3A_736 : vector<1x1x16xf32> to vector<16xf32>
      %swap3A_738 = vector.shape_cast %get3A_731 : vector<16xf32> to vector<1x1x16xf32>
      tpu.vector_store %arg9[%swap3A_733, %swap3A_734, %swap3A_735], %swap3A_738 {strides = array<i32>} : memref<2x64x128xf32, #tpu.memory_space<vmem>>, vector<1x1x16xf32>,
      %get3A_739 = arith.constant 0 : i32
      %get3A_740 = arith.index_cast %get3A_739 : i32 to index
      %get3A_741 = arith.index_cast %mul3A_686 : i32 to index
      %get3A_742 = arith.constant 16 : index
      %get3A_743 = tpu.vector_load %arg7[%get3A_740, %get3A_741, %get3A_742] {strides = array<i32>} : memref<2x128x128xf32, #tpu.memory_space<vmem>>, vector<1x1x16xf32>,
      %get3A_744 = vector.shape_cast %get3A_743 : vector<1x1x16xf32> to vector<16xf32>
      %swap3A_745 = arith.constant 0 : i32
      %swap3A_746 = arith.index_cast %swap3A_745 : i32 to index
      %swap3A_747 = arith.index_cast %add3A_684 : i32 to index
      %swap3A_748 = arith.constant 16 : index
      %swap3A_749 = tpu.vector_load %arg8[%swap3A_746, %swap3A_747, %swap3A_748] {strides = array<i32>} : memref<2x64x128xf32, #tpu.memory_space<vmem>>, vector<1x1x16xf32>,
      %swap3A_750 = vector.shape_cast %swap3A_749 : vector<1x1x16xf32> to vector<16xf32>
      %swap3A_751 = vector.shape_cast %get3A_744 : vector<16xf32> to vector<1x1x16xf32>
      tpu.vector_store %arg8[%swap3A_746, %swap3A_747, %swap3A_748], %swap3A_751 {strides = array<i32>} : memref<2x64x128xf32, #tpu.memory_space<vmem>>, vector<1x1x16xf32>,
      %get3A_752 = arith.constant 0 : i32
      %get3A_753 = arith.index_cast %get3A_752 : i32 to index
      %get3A_754 = arith.index_cast %add3A_688 : i32 to index
      %get3A_755 = arith.constant 16 : index
      %get3A_756 = tpu.vector_load %arg7[%get3A_753, %get3A_754, %get3A_755] {strides = array<i32>} : memref<2x128x128xf32, #tpu.memory_space<vmem>>, vector<1x1x16xf32>,
      %get3A_757 = vector.shape_cast %get3A_756 : vector<1x1x16xf32> to vector<16xf32>
      %swap3A_758 = arith.constant 0 : i32
      %swap3A_759 = arith.index_cast %swap3A_758 : i32 to index
      %swap3A_760 = arith.index_cast %add3A_684 : i32 to index
      %swap3A_761 = arith.constant 80 : index
      %swap3A_762 = tpu.vector_load %arg8[%swap3A_759, %swap3A_760, %swap3A_761] {strides = array<i32>} : memref<2x64x128xf32, #tpu.memory_space<vmem>>, vector<1x1x16xf32>,
      %swap3A_763 = vector.shape_cast %swap3A_762 : vector<1x1x16xf32> to vector<16xf32>
      %swap3A_764 = vector.shape_cast %get3A_757 : vector<16xf32> to vector<1x1x16xf32>
      tpu.vector_store %arg8[%swap3A_759, %swap3A_760, %swap3A_761], %swap3A_764 {strides = array<i32>} : memref<2x64x128xf32, #tpu.memory_space<vmem>>, vector<1x1x16xf32>,
      %get3A_765 = arith.constant 0 : i32
      %get3A_766 = arith.index_cast %get3A_765 : i32 to index
      %get3A_767 = arith.index_cast %mul3A_686 : i32 to index
      %get3A_768 = arith.constant 80 : index
      %get3A_769 = tpu.vector_load %arg7[%get3A_766, %get3A_767, %get3A_768] {strides = array<i32>} : memref<2x128x128xf32, #tpu.memory_space<vmem>>, vector<1x1x16xf32>,
      %get3A_770 = vector.shape_cast %get3A_769 : vector<1x1x16xf32> to vector<16xf32>
      %swap3A_771 = arith.constant 0 : i32
      %swap3A_772 = arith.index_cast %swap3A_771 : i32 to index
      %swap3A_773 = arith.index_cast %add3A_684 : i32 to index
      %swap3A_774 = arith.constant 16 : index
      %swap3A_775 = tpu.vector_load %arg9[%swap3A_772, %swap3A_773, %swap3A_774] {strides = array<i32>} : memref<2x64x128xf32, #tpu.memory_space<vmem>>, vector<1x1x16xf32>,
      %swap3A_776 = vector.shape_cast %swap3A_775 : vector<1x1x16xf32> to vector<16xf32>
      %swap3A_777 = vector.shape_cast %get3A_770 : vector<16xf32> to vector<1x1x16xf32>
      tpu.vector_store %arg9[%swap3A_772, %swap3A_773, %swap3A_774], %swap3A_777 {strides = array<i32>} : memref<2x64x128xf32, #tpu.memory_space<vmem>>, vector<1x1x16xf32>,
      %get3A_778 = arith.constant 0 : i32
      %get3A_779 = arith.index_cast %get3A_778 : i32 to index
      %get3A_780 = arith.index_cast %add3A_688 : i32 to index
      %get3A_781 = arith.constant 80 : index
      %get3A_782 = tpu.vector_load %arg7[%get3A_779, %get3A_780, %get3A_781] {strides = array<i32>} : memref<2x128x128xf32, #tpu.memory_space<vmem>>, vector<1x1x16xf32>,
      %get3A_783 = vector.shape_cast %get3A_782 : vector<1x1x16xf32> to vector<16xf32>
      %swap3A_784 = arith.constant 0 : i32
      %swap3A_785 = arith.index_cast %swap3A_784 : i32 to index
      %swap3A_786 = arith.index_cast %add3A_684 : i32 to index
      %swap3A_787 = arith.constant 80 : index
      %swap3A_788 = tpu.vector_load %arg9[%swap3A_785, %swap3A_786, %swap3A_787] {strides = array<i32>} : memref<2x64x128xf32, #tpu.memory_space<vmem>>, vector<1x1x16xf32>,
      %swap3A_789 = vector.shape_cast %swap3A_788 : vector<1x1x16xf32> to vector<16xf32>
      %swap3A_790 = vector.shape_cast %get3A_783 : vector<16xf32> to vector<1x1x16xf32>
      tpu.vector_store %arg9[%swap3A_785, %swap3A_786, %swap3A_787], %swap3A_790 {strides = array<i32>} : memref<2x64x128xf32, #tpu.memory_space<vmem>>, vector<1x1x16xf32>,
      %get3A_791 = arith.constant 0 : i32
      %get3A_792 = arith.index_cast %get3A_791 : i32 to index
      %get3A_793 = arith.index_cast %mul3A_686 : i32 to index
      %get3A_794 = arith.constant 32 : index
      %get3A_795 = tpu.vector_load %arg7[%get3A_792, %get3A_793, %get3A_794] {strides = array<i32>} : memref<2x128x128xf32, #tpu.memory_space<vmem>>, vector<1x1x16xf32>,
      %get3A_796 = vector.shape_cast %get3A_795 : vector<1x1x16xf32> to vector<16xf32>
      %swap3A_797 = arith.constant 0 : i32
      %swap3A_798 = arith.index_cast %swap3A_797 : i32 to index
      %swap3A_799 = arith.index_cast %add3A_684 : i32 to index
      %swap3A_800 = arith.constant 32 : index
      %swap3A_801 = tpu.vector_load %arg8[%swap3A_798, %swap3A_799, %swap3A_800] {strides = array<i32>} : memref<2x64x128xf32, #tpu.memory_space<vmem>>, vector<1x1x16xf32>,
      %swap3A_802 = vector.shape_cast %swap3A_801 : vector<1x1x16xf32> to vector<16xf32>
      %swap3A_803 = vector.shape_cast %get3A_796 : vector<16xf32> to vector<1x1x16xf32>
      tpu.vector_store %arg8[%swap3A_798, %swap3A_799, %swap3A_800], %swap3A_803 {strides = array<i32>} : memref<2x64x128xf32, #tpu.memory_space<vmem>>, vector<1x1x16xf32>,
      %get3A_804 = arith.constant 0 : i32
      %get3A_805 = arith.index_cast %get3A_804 : i32 to index
      %get3A_806 = arith.index_cast %add3A_688 : i32 to index
      %get3A_807 = arith.constant 32 : index
      %get3A_808 = tpu.vector_load %arg7[%get3A_805, %get3A_806, %get3A_807] {strides = array<i32>} : memref<2x128x128xf32, #tpu.memory_space<vmem>>, vector<1x1x16xf32>,
      %get3A_809 = vector.shape_cast %get3A_808 : vector<1x1x16xf32> to vector<16xf32>
      %swap3A_810 = arith.constant 0 : i32
      %swap3A_811 = arith.index_cast %swap3A_810 : i32 to index
      %swap3A_812 = arith.index_cast %add3A_684 : i32 to index
      %swap3A_813 = arith.constant 96 : index
      %swap3A_814 = tpu.vector_load %arg8[%swap3A_811, %swap3A_812, %swap3A_813] {strides = array<i32>} : memref<2x64x128xf32, #tpu.memory_space<vmem>>, vector<1x1x16xf32>,
      %swap3A_815 = vector.shape_cast %swap3A_814 : vector<1x1x16xf32> to vector<16xf32>
      %swap3A_816 = vector.shape_cast %get3A_809 : vector<16xf32> to vector<1x1x16xf32>
      tpu.vector_store %arg8[%swap3A_811, %swap3A_812, %swap3A_813], %swap3A_816 {strides = array<i32>} : memref<2x64x128xf32, #tpu.memory_space<vmem>>, vector<1x1x16xf32>,
      %get3A_817 = arith.constant 0 : i32
      %get3A_818 = arith.index_cast %get3A_817 : i32 to index
      %get3A_819 = arith.index_cast %mul3A_686 : i32 to index
      %get3A_820 = arith.constant 96 : index
      %get3A_821 = tpu.vector_load %arg7[%get3A_818, %get3A_819, %get3A_820] {strides = array<i32>} : memref<2x128x128xf32, #tpu.memory_space<vmem>>, vector<1x1x16xf32>,
      %get3A_822 = vector.shape_cast %get3A_821 : vector<1x1x16xf32> to vector<16xf32>
      %swap3A_823 = arith.constant 0 : i32
      %swap3A_824 = arith.index_cast %swap3A_823 : i32 to index
      %swap3A_825 = arith.index_cast %add3A_684 : i32 to index
      %swap3A_826 = arith.constant 32 : index
      %swap3A_827 = tpu.vector_load %arg9[%swap3A_824, %swap3A_825, %swap3A_826] {strides = array<i32>} : memref<2x64x128xf32, #tpu.memory_space<vmem>>, vector<1x1x16xf32>,
      %swap3A_828 = vector.shape_cast %swap3A_827 : vector<1x1x16xf32> to vector<16xf32>
      %swap3A_829 = vector.shape_cast %get3A_822 : vector<16xf32> to vector<1x1x16xf32>
      tpu.vector_store %arg9[%swap3A_824, %swap3A_825, %swap3A_826], %swap3A_829 {strides = array<i32>} : memref<2x64x128xf32, #tpu.memory_space<vmem>>, vector<1x1x16xf32>,
      %get3A_830 = arith.constant 0 : i32
      %get3A_831 = arith.index_cast %get3A_830 : i32 to index
      %get3A_832 = arith.index_cast %add3A_688 : i32 to index
      %get3A_833 = arith.constant 96 : index
      %get3A_834 = tpu.vector_load %arg7[%get3A_831, %get3A_832, %get3A_833] {strides = array<i32>} : memref<2x128x128xf32, #tpu.memory_space<vmem>>, vector<1x1x16xf32>,
      %get3A_835 = vector.shape_cast %get3A_834 : vector<1x1x16xf32> to vector<16xf32>
      %swap3A_836 = arith.constant 0 : i32
      %swap3A_837 = arith.index_cast %swap3A_836 : i32 to index
      %swap3A_838 = arith.index_cast %add3A_684 : i32 to index
      %swap3A_839 = arith.constant 96 : index
      %swap3A_840 = tpu.vector_load %arg9[%swap3A_837, %swap3A_838, %swap3A_839] {strides = array<i32>} : memref<2x64x128xf32, #tpu.memory_space<vmem>>, vector<1x1x16xf32>,
      %swap3A_841 = vector.shape_cast %swap3A_840 : vector<1x1x16xf32> to vector<16xf32>
      %swap3A_842 = vector.shape_cast %get3A_835 : vector<16xf32> to vector<1x1x16xf32>
      tpu.vector_store %arg9[%swap3A_837, %swap3A_838, %swap3A_839], %swap3A_842 {strides = array<i32>} : memref<2x64x128xf32, #tpu.memory_space<vmem>>, vector<1x1x16xf32>,
      %get3A_843 = arith.constant 0 : i32
      %get3A_844 = arith.index_cast %get3A_843 : i32 to index
      %get3A_845 = arith.index_cast %mul3A_686 : i32 to index
      %get3A_846 = arith.constant 48 : index
      %get3A_847 = tpu.vector_load %arg7[%get3A_844, %get3A_845, %get3A_846] {strides = array<i32>} : memref<2x128x128xf32, #tpu.memory_space<vmem>>, vector<1x1x16xf32>,
      %get3A_848 = vector.shape_cast %get3A_847 : vector<1x1x16xf32> to vector<16xf32>
      %swap3A_849 = arith.constant 0 : i32
      %swap3A_850 = arith.index_cast %swap3A_849 : i32 to index
      %swap3A_851 = arith.index_cast %add3A_684 : i32 to index
      %swap3A_852 = arith.constant 48 : index
      %swap3A_853 = tpu.vector_load %arg8[%swap3A_850, %swap3A_851, %swap3A_852] {strides = array<i32>} : memref<2x64x128xf32, #tpu.memory_space<vmem>>, vector<1x1x16xf32>,
      %swap3A_854 = vector.shape_cast %swap3A_853 : vector<1x1x16xf32> to vector<16xf32>
      %swap3A_855 = vector.shape_cast %get3A_848 : vector<16xf32> to vector<1x1x16xf32>
      tpu.vector_store %arg8[%swap3A_850, %swap3A_851, %swap3A_852], %swap3A_855 {strides = array<i32>} : memref<2x64x128xf32, #tpu.memory_space<vmem>>, vector<1x1x16xf32>,
      %get3A_856 = arith.constant 0 : i32
      %get3A_857 = arith.index_cast %get3A_856 : i32 to index
      %get3A_858 = arith.index_cast %add3A_688 : i32 to index
      %get3A_859 = arith.constant 48 : index
      %get3A_860 = tpu.vector_load %arg7[%get3A_857, %get3A_858, %get3A_859] {strides = array<i32>} : memref<2x128x128xf32, #tpu.memory_space<vmem>>, vector<1x1x16xf32>,
      %get3A_861 = vector.shape_cast %get3A_860 : vector<1x1x16xf32> to vector<16xf32>
      %swap3A_862 = arith.constant 0 : i32
      %swap3A_863 = arith.index_cast %swap3A_862 : i32 to index
      %swap3A_864 = arith.index_cast %add3A_684 : i32 to index
      %swap3A_865 = arith.constant 112 : index
      %swap3A_866 = tpu.vector_load %arg8[%swap3A_863, %swap3A_864, %swap3A_865] {strides = array<i32>} : memref<2x64x128xf32, #tpu.memory_space<vmem>>, vector<1x1x16xf32>,
      %swap3A_867 = vector.shape_cast %swap3A_866 : vector<1x1x16xf32> to vector<16xf32>
      %swap3A_868 = vector.shape_cast %get3A_861 : vector<16xf32> to vector<1x1x16xf32>
      tpu.vector_store %arg8[%swap3A_863, %swap3A_864, %swap3A_865], %swap3A_868 {strides = array<i32>} : memref<2x64x128xf32, #tpu.memory_space<vmem>>, vector<1x1x16xf32>,
      %get3A_869 = arith.constant 0 : i32
      %get3A_870 = arith.index_cast %get3A_869 : i32 to index
      %get3A_871 = arith.index_cast %mul3A_686 : i32 to index
      %get3A_872 = arith.constant 112 : index
      %get3A_873 = tpu.vector_load %arg7[%get3A_870, %get3A_871, %get3A_872] {strides = array<i32>} : memref<2x128x128xf32, #tpu.memory_space<vmem>>, vector<1x1x16xf32>,
      %get3A_874 = vector.shape_cast %get3A_873 : vector<1x1x16xf32> to vector<16xf32>
      %swap3A_875 = arith.constant 0 : i32
      %swap3A_876 = arith.index_cast %swap3A_875 : i32 to index
      %swap3A_877 = arith.index_cast %add3A_684 : i32 to index
      %swap3A_878 = arith.constant 48 : index
      %swap3A_879 = tpu.vector_load %arg9[%swap3A_876, %swap3A_877, %swap3A_878] {strides = array<i32>} : memref<2x64x128xf32, #tpu.memory_space<vmem>>, vector<1x1x16xf32>,
      %swap3A_880 = vector.shape_cast %swap3A_879 : vector<1x1x16xf32> to vector<16xf32>
      %swap3A_881 = vector.shape_cast %get3A_874 : vector<16xf32> to vector<1x1x16xf32>
      tpu.vector_store %arg9[%swap3A_876, %swap3A_877, %swap3A_878], %swap3A_881 {strides = array<i32>} : memref<2x64x128xf32, #tpu.memory_space<vmem>>, vector<1x1x16xf32>,
      %get3A_882 = arith.constant 0 : i32
      %get3A_883 = arith.index_cast %get3A_882 : i32 to index
      %get3A_884 = arith.index_cast %add3A_688 : i32 to index
      %get3A_885 = arith.constant 112 : index
      %get3A_886 = tpu.vector_load %arg7[%get3A_883, %get3A_884, %get3A_885] {strides = array<i32>} : memref<2x128x128xf32, #tpu.memory_space<vmem>>, vector<1x1x16xf32>,
      %get3A_887 = vector.shape_cast %get3A_886 : vector<1x1x16xf32> to vector<16xf32>
      %swap3A_888 = arith.constant 0 : i32
      %swap3A_889 = arith.index_cast %swap3A_888 : i32 to index
      %swap3A_890 = arith.index_cast %add3A_684 : i32 to index
      %swap3A_891 = arith.constant 112 : index
      %swap3A_892 = tpu.vector_load %arg9[%swap3A_889, %swap3A_890, %swap3A_891] {strides = array<i32>} : memref<2x64x128xf32, #tpu.memory_space<vmem>>, vector<1x1x16xf32>,
      %swap3A_893 = vector.shape_cast %swap3A_892 : vector<1x1x16xf32> to vector<16xf32>
      %swap3A_894 = vector.shape_cast %get3A_887 : vector<16xf32> to vector<1x1x16xf32>
      tpu.vector_store %arg9[%swap3A_889, %swap3A_890, %swap3A_891], %swap3A_894 {strides = array<i32>} : memref<2x64x128xf32, #tpu.memory_space<vmem>>, vector<1x1x16xf32>,
    }
    %scan3A_184 = arith.constant 64 : i32
    %add3A_185 = arith.constant 2 : i32
    %add3A_186 = arith.addi %mul3A_2, %add3A_185 : i32
    %mul3A_187 = arith.constant 64 : i32
    %mul3A_188 = arith.muli %add3A_186, %mul3A_187 : i32
    %dma_start3A_189 = arith.constant 0 : i32
    %dma_start3A_190 = arith.constant 0 : i32
    %dma_start3A_191 = arith.constant 0 : i32
    %dma_start3A_192 = tpu.memref_slice %arg8[%dma_start3A_189, %dma_start3A_190, %dma_start3A_191] : memref<2x64x128xf32, #tpu.memory_space<vmem>> -> memref<1x64x128xf32, #tpu.memory_space<vmem>>
    %dma_start3A_193 = tpu.memref_squeeze %dma_start3A_192 : memref<1x64x128xf32, #tpu.memory_space<vmem>> -> memref<64x128xf32, #tpu.memory_space<vmem>>
    %dma_start3A_194 = arith.constant 0 : i32
    %dma_start3A_195 = tpu.memref_slice %arg4[%mul3A_188, %dma_start3A_194] : memref<16384x128xf32, #tpu.memory_space<hbm>> -> memref<64x128xf32, #tpu.memory_space<hbm>>
    %dma_start3A_196 = arith.constant 0 : i32
    %dma_start3A_197 = tpu.memref_slice %arg4[%mul3A_188, %dma_start3A_196] : memref<16384x128xf32, #tpu.memory_space<hbm>> -> memref<64x128xf32, #tpu.memory_space<hbm>>
    %dma_start3A_198 = arith.constant 0 : i32
    %dma_start3A_199 = arith.constant 0 : i32
    %dma_start3A_200 = tpu.memref_slice %arg8[%dma_start3A_189, %dma_start3A_198, %dma_start3A_199] : memref<2x64x128xf32, #tpu.memory_space<vmem>> -> memref<1x64x128xf32, #tpu.memory_space<vmem>>
    %dma_start3A_201 = tpu.memref_squeeze %dma_start3A_200 : memref<1x64x128xf32, #tpu.memory_space<vmem>> -> memref<64x128xf32, #tpu.memory_space<vmem>>
    tpu.enqueue_dma source(%dma_start3A_201 : memref<64x128xf32, #tpu.memory_space<vmem>>) target(%dma_start3A_197 : memref<64x128xf32, #tpu.memory_space<hbm>>) target_semaphore(%arg11 : memref<!tpu.dma_semaphore, #tpu.memory_space<semaphore_mem>>)
    %dma_start3A_202 = arith.constant 0 : i32
    %dma_start3A_203 = arith.constant 0 : i32
    %dma_start3A_204 = arith.constant 0 : i32
    %dma_start3A_205 = tpu.memref_slice %arg9[%dma_start3A_202, %dma_start3A_203, %dma_start3A_204] : memref<2x64x128xf32, #tpu.memory_space<vmem>> -> memref<1x64x128xf32, #tpu.memory_space<vmem>>
    %dma_start3A_206 = tpu.memref_squeeze %dma_start3A_205 : memref<1x64x128xf32, #tpu.memory_space<vmem>> -> memref<64x128xf32, #tpu.memory_space<vmem>>
    %dma_start3A_207 = arith.constant 0 : i32
    %dma_start3A_208 = tpu.memref_slice %arg5[%mul3A_188, %dma_start3A_207] : memref<16384x128xf32, #tpu.memory_space<hbm>> -> memref<64x128xf32, #tpu.memory_space<hbm>>
    %dma_start3A_209 = arith.constant 0 : i32
    %dma_start3A_210 = tpu.memref_slice %arg5[%mul3A_188, %dma_start3A_209] : memref<16384x128xf32, #tpu.memory_space<hbm>> -> memref<64x128xf32, #tpu.memory_space<hbm>>
    %dma_start3A_211 = arith.constant 0 : i32
    %dma_start3A_212 = arith.constant 0 : i32
    %dma_start3A_213 = tpu.memref_slice %arg9[%dma_start3A_202, %dma_start3A_211, %dma_start3A_212] : memref<2x64x128xf32, #tpu.memory_space<vmem>> -> memref<1x64x128xf32, #tpu.memory_space<vmem>>
    %dma_start3A_214 = tpu.memref_squeeze %dma_start3A_213 : memref<1x64x128xf32, #tpu.memory_space<vmem>> -> memref<64x128xf32, #tpu.memory_space<vmem>>
    tpu.enqueue_dma source(%dma_start3A_214 : memref<64x128xf32, #tpu.memory_space<vmem>>) target(%dma_start3A_210 : memref<64x128xf32, #tpu.memory_space<hbm>>) target_semaphore(%arg12 : memref<!tpu.dma_semaphore, #tpu.memory_space<semaphore_mem>>)
    %dma_wait3A_215 = arith.constant 3 : i32
    %dma_wait3A_216 = arith.constant 1 : i32
    %dma_wait3A_217 = arith.constant 0 : i32
    %dma_wait3A_218 = arith.constant 0 : i32
    %dma_wait3A_219 = tpu.memref_slice %arg7[%dma_wait3A_216, %dma_wait3A_217, %dma_wait3A_218] : memref<2x128x128xf32, #tpu.memory_space<vmem>> -> memref<1x128x128xf32, #tpu.memory_space<vmem>>
    %dma_wait3A_220 = tpu.memref_squeeze %dma_wait3A_219 : memref<1x128x128xf32, #tpu.memory_space<vmem>> -> memref<128x128xf32, #tpu.memory_space<vmem>>
    %dma_wait3A_221 = arith.constant 0 : i32
    %dma_wait3A_222 = tpu.memref_slice %arg6[%dma_wait3A_215, %dma_wait3A_221] : memref<8x128xi32, #tpu.memory_space<vmem>> -> memref<1x128xi32, #tpu.memory_space<vmem>>
    %dma_wait3A_223 = tpu.memref_squeeze %dma_wait3A_222 : memref<1x128xi32, #tpu.memory_space<vmem>> -> memref<128xi32, #tpu.memory_space<vmem>>
    %dma_wait3A_224 = arith.constant 0 : i32
    %dma_wait3A_225 = arith.constant 0 : i32
    %dma_wait3A_226 = tpu.memref_slice %arg3[%dma_wait3A_224, %dma_wait3A_225] : memref<8192x128xf32, #tpu.memory_space<hbm>> -> memref<8192x128xf32, #tpu.memory_space<hbm>>
    tpu.wait_indirect_dma semaphore(%arg10 : memref<!tpu.dma_semaphore, #tpu.memory_space<semaphore_mem>>) src(%dma_wait3A_226 : memref<8192x128xf32, #tpu.memory_space<hbm>>) dst(%dma_wait3A_220 : memref<128x128xf32, #tpu.memory_space<vmem>>)
    %dma_start3A_227 = arith.constant 4 : i32
    %dma_start3A_228 = arith.constant 0 : i32
    %dma_start3A_229 = arith.constant 0 : i32
    %dma_start3A_230 = arith.constant 0 : i32
    %dma_start3A_231 = tpu.memref_slice %arg7[%dma_start3A_228, %dma_start3A_229, %dma_start3A_230] : memref<2x128x128xf32, #tpu.memory_space<vmem>> -> memref<1x128x128xf32, #tpu.memory_space<vmem>>
    %dma_start3A_232 = tpu.memref_squeeze %dma_start3A_231 : memref<1x128x128xf32, #tpu.memory_space<vmem>> -> memref<128x128xf32, #tpu.memory_space<vmem>>
    %dma_start3A_233 = arith.constant 0 : i32
    %dma_start3A_234 = tpu.memref_slice %arg6[%dma_start3A_227, %dma_start3A_233] : memref<8x128xi32, #tpu.memory_space<vmem>> -> memref<1x128xi32, #tpu.memory_space<vmem>>
    %dma_start3A_235 = tpu.memref_squeeze %dma_start3A_234 : memref<1x128xi32, #tpu.memory_space<vmem>> -> memref<128xi32, #tpu.memory_space<vmem>>
    %dma_start3A_236 = arith.constant 0 : i32
    %dma_start3A_237 = arith.constant 0 : i32
    %dma_start3A_238 = tpu.memref_slice %arg3[%dma_start3A_236, %dma_start3A_237] : memref<8192x128xf32, #tpu.memory_space<hbm>> -> memref<8192x128xf32, #tpu.memory_space<hbm>>
    tpu.enqueue_indirect_dma source(%dma_start3A_238 : memref<8192x128xf32, #tpu.memory_space<hbm>>) target(%dma_start3A_232 : memref<128x128xf32, #tpu.memory_space<vmem>>) offsets(%dma_start3A_235 : memref<128xi32, #tpu.memory_space<vmem>>) semaphore(%arg10 : memref<!tpu.dma_semaphore, #tpu.memory_space<semaphore_mem>>)
    %dma_wait3A_239 = arith.constant 1 : i32
    %dma_wait3A_240 = arith.constant 0 : i32
    %dma_wait3A_241 = arith.constant 0 : i32
    %dma_wait3A_242 = tpu.memref_slice %arg8[%dma_wait3A_239, %dma_wait3A_240, %dma_wait3A_241] : memref<2x64x128xf32, #tpu.memory_space<vmem>> -> memref<1x64x128xf32, #tpu.memory_space<vmem>>
    %dma_wait3A_243 = tpu.memref_squeeze %dma_wait3A_242 : memref<1x64x128xf32, #tpu.memory_space<vmem>> -> memref<64x128xf32, #tpu.memory_space<vmem>>
    %dma_wait3A_244 = arith.constant 0 : i32
    %dma_wait3A_245 = tpu.memref_slice %arg4[%mul3A_103, %dma_wait3A_244] : memref<16384x128xf32, #tpu.memory_space<hbm>> -> memref<64x128xf32, #tpu.memory_space<hbm>>
    %dma_wait3A_246 = arith.constant 0 : i32
    %dma_wait3A_247 = tpu.memref_slice %arg4[%mul3A_103, %dma_wait3A_246] : memref<16384x128xf32, #tpu.memory_space<hbm>> -> memref<64x128xf32, #tpu.memory_space<hbm>>
    %dma_wait3A_248 = arith.constant 0 : i32
    %dma_wait3A_249 = arith.constant 0 : i32
    %dma_wait3A_250 = tpu.memref_slice %arg8[%dma_wait3A_239, %dma_wait3A_248, %dma_wait3A_249] : memref<2x64x128xf32, #tpu.memory_space<vmem>> -> memref<1x64x128xf32, #tpu.memory_space<vmem>>
    %dma_wait3A_251 = tpu.memref_squeeze %dma_wait3A_250 : memref<1x64x128xf32, #tpu.memory_space<vmem>> -> memref<64x128xf32, #tpu.memory_space<vmem>>
    tpu.wait_dma2 semaphore(%arg11 : memref<!tpu.dma_semaphore, #tpu.memory_space<semaphore_mem>>) src(%dma_wait3A_251 : memref<64x128xf32, #tpu.memory_space<vmem>>) dst(%dma_wait3A_247 : memref<64x128xf32, #tpu.memory_space<hbm>>)
    %dma_wait3A_252 = arith.constant 1 : i32
    %dma_wait3A_253 = arith.constant 0 : i32
    %dma_wait3A_254 = arith.constant 0 : i32
    %dma_wait3A_255 = tpu.memref_slice %arg9[%dma_wait3A_252, %dma_wait3A_253, %dma_wait3A_254] : memref<2x64x128xf32, #tpu.memory_space<vmem>> -> memref<1x64x128xf32, #tpu.memory_space<vmem>>
    %dma_wait3A_256 = tpu.memref_squeeze %dma_wait3A_255 : memref<1x64x128xf32, #tpu.memory_space<vmem>> -> memref<64x128xf32, #tpu.memory_space<vmem>>
    %dma_wait3A_257 = arith.constant 0 : i32
    %dma_wait3A_258 = tpu.memref_slice %arg5[%mul3A_103, %dma_wait3A_257] : memref<16384x128xf32, #tpu.memory_space<hbm>> -> memref<64x128xf32, #tpu.memory_space<hbm>>
    %dma_wait3A_259 = arith.constant 0 : i32
    %dma_wait3A_260 = tpu.memref_slice %arg5[%mul3A_103, %dma_wait3A_259] : memref<16384x128xf32, #tpu.memory_space<hbm>> -> memref<64x128xf32, #tpu.memory_space<hbm>>
    %dma_wait3A_261 = arith.constant 0 : i32
    %dma_wait3A_262 = arith.constant 0 : i32
    %dma_wait3A_263 = tpu.memref_slice %arg9[%dma_wait3A_252, %dma_wait3A_261, %dma_wait3A_262] : memref<2x64x128xf32, #tpu.memory_space<vmem>> -> memref<1x64x128xf32, #tpu.memory_space<vmem>>
    %dma_wait3A_264 = tpu.memref_squeeze %dma_wait3A_263 : memref<1x64x128xf32, #tpu.memory_space<vmem>> -> memref<64x128xf32, #tpu.memory_space<vmem>>
    tpu.wait_dma2 semaphore(%arg12 : memref<!tpu.dma_semaphore, #tpu.memory_space<semaphore_mem>>) src(%dma_wait3A_264 : memref<64x128xf32, #tpu.memory_space<vmem>>) dst(%dma_wait3A_260 : memref<64x128xf32, #tpu.memory_space<hbm>>)
    %scan3A_265 = arith.constant 0 : i32
    %scan3A_266 = arith.constant 64 : i32
    %scan3A_267 = arith.addi %scan3A_265, %scan3A_266 : i32
    %scan3A_268 = arith.constant 1 : i32
    scf.for %scan3A_680 = %scan3A_265 to %scan3A_267 step %scan3A_268  : i32 {
      %mul3A_681 = arith.constant 1 : i32
      %mul3A_682 = arith.muli %scan3A_680, %mul3A_681 : i32
      %add3A_683 = arith.constant 0 : i32
      %add3A_684 = arith.addi %add3A_683, %mul3A_682 : i32
      %mul3A_685 = arith.constant 2 : i32
      %mul3A_686 = arith.muli %mul3A_685, %add3A_684 : i32
      %add3A_687 = arith.constant 1 : i32
      %add3A_688 = arith.addi %mul3A_686, %add3A_687 : i32
      %get3A = arith.constant 1 : i32
      %get3A_689 = arith.index_cast %get3A : i32 to index
      %get3A_690 = arith.index_cast %mul3A_686 : i32 to index
      %get3A_691 = arith.constant 0 : index
      %get3A_692 = tpu.vector_load %arg7[%get3A_689, %get3A_690, %get3A_691] {strides = array<i32>} : memref<2x128x128xf32, #tpu.memory_space<vmem>>, vector<1x1x16xf32>,
      %get3A_693 = vector.shape_cast %get3A_692 : vector<1x1x16xf32> to vector<16xf32>
      %swap3A = arith.constant 1 : i32
      %swap3A_694 = arith.index_cast %swap3A : i32 to index
      %swap3A_695 = arith.index_cast %add3A_684 : i32 to index
      %swap3A_696 = arith.constant 0 : index
      %swap3A_697 = tpu.vector_load %arg8[%swap3A_694, %swap3A_695, %swap3A_696] {strides = array<i32>} : memref<2x64x128xf32, #tpu.memory_space<vmem>>, vector<1x1x16xf32>,
      %swap3A_698 = vector.shape_cast %swap3A_697 : vector<1x1x16xf32> to vector<16xf32>
      %swap3A_699 = vector.shape_cast %get3A_693 : vector<16xf32> to vector<1x1x16xf32>
      tpu.vector_store %arg8[%swap3A_694, %swap3A_695, %swap3A_696], %swap3A_699 {strides = array<i32>} : memref<2x64x128xf32, #tpu.memory_space<vmem>>, vector<1x1x16xf32>,
      %get3A_700 = arith.constant 1 : i32
      %get3A_701 = arith.index_cast %get3A_700 : i32 to index
      %get3A_702 = arith.index_cast %add3A_688 : i32 to index
      %get3A_703 = arith.constant 0 : index
      %get3A_704 = tpu.vector_load %arg7[%get3A_701, %get3A_702, %get3A_703] {strides = array<i32>} : memref<2x128x128xf32, #tpu.memory_space<vmem>>, vector<1x1x16xf32>,
      %get3A_705 = vector.shape_cast %get3A_704 : vector<1x1x16xf32> to vector<16xf32>
      %swap3A_706 = arith.constant 1 : i32
      %swap3A_707 = arith.index_cast %swap3A_706 : i32 to index
      %swap3A_708 = arith.index_cast %add3A_684 : i32 to index
      %swap3A_709 = arith.constant 64 : index
      %swap3A_710 = tpu.vector_load %arg8[%swap3A_707, %swap3A_708, %swap3A_709] {strides = array<i32>} : memref<2x64x128xf32, #tpu.memory_space<vmem>>, vector<1x1x16xf32>,
      %swap3A_711 = vector.shape_cast %swap3A_710 : vector<1x1x16xf32> to vector<16xf32>
      %swap3A_712 = vector.shape_cast %get3A_705 : vector<16xf32> to vector<1x1x16xf32>
      tpu.vector_store %arg8[%swap3A_707, %swap3A_708, %swap3A_709], %swap3A_712 {strides = array<i32>} : memref<2x64x128xf32, #tpu.memory_space<vmem>>, vector<1x1x16xf32>,
      %get3A_713 = arith.constant 1 : i32
      %get3A_714 = arith.index_cast %get3A_713 : i32 to index
      %get3A_715 = arith.index_cast %mul3A_686 : i32 to index
      %get3A_716 = arith.constant 64 : index
      %get3A_717 = tpu.vector_load %arg7[%get3A_714, %get3A_715, %get3A_716] {strides = array<i32>} : memref<2x128x128xf32, #tpu.memory_space<vmem>>, vector<1x1x16xf32>,
      %get3A_718 = vector.shape_cast %get3A_717 : vector<1x1x16xf32> to vector<16xf32>
      %swap3A_719 = arith.constant 1 : i32
      %swap3A_720 = arith.index_cast %swap3A_719 : i32 to index
      %swap3A_721 = arith.index_cast %add3A_684 : i32 to index
      %swap3A_722 = arith.constant 0 : index
      %swap3A_723 = tpu.vector_load %arg9[%swap3A_720, %swap3A_721, %swap3A_722] {strides = array<i32>} : memref<2x64x128xf32, #tpu.memory_space<vmem>>, vector<1x1x16xf32>,
      %swap3A_724 = vector.shape_cast %swap3A_723 : vector<1x1x16xf32> to vector<16xf32>
      %swap3A_725 = vector.shape_cast %get3A_718 : vector<16xf32> to vector<1x1x16xf32>
      tpu.vector_store %arg9[%swap3A_720, %swap3A_721, %swap3A_722], %swap3A_725 {strides = array<i32>} : memref<2x64x128xf32, #tpu.memory_space<vmem>>, vector<1x1x16xf32>,
      %get3A_726 = arith.constant 1 : i32
      %get3A_727 = arith.index_cast %get3A_726 : i32 to index
      %get3A_728 = arith.index_cast %add3A_688 : i32 to index
      %get3A_729 = arith.constant 64 : index
      %get3A_730 = tpu.vector_load %arg7[%get3A_727, %get3A_728, %get3A_729] {strides = array<i32>} : memref<2x128x128xf32, #tpu.memory_space<vmem>>, vector<1x1x16xf32>,
      %get3A_731 = vector.shape_cast %get3A_730 : vector<1x1x16xf32> to vector<16xf32>
      %swap3A_732 = arith.constant 1 : i32
      %swap3A_733 = arith.index_cast %swap3A_732 : i32 to index
      %swap3A_734 = arith.index_cast %add3A_684 : i32 to index
      %swap3A_735 = arith.constant 64 : index
      %swap3A_736 = tpu.vector_load %arg9[%swap3A_733, %swap3A_734, %swap3A_735] {strides = array<i32>} : memref<2x64x128xf32, #tpu.memory_space<vmem>>, vector<1x1x16xf32>,
      %swap3A_737 = vector.shape_cast %swap3A_736 : vector<1x1x16xf32> to vector<16xf32>
      %swap3A_738 = vector.shape_cast %get3A_731 : vector<16xf32> to vector<1x1x16xf32>
      tpu.vector_store %arg9[%swap3A_733, %swap3A_734, %swap3A_735], %swap3A_738 {strides = array<i32>} : memref<2x64x128xf32, #tpu.memory_space<vmem>>, vector<1x1x16xf32>,
      %get3A_739 = arith.constant 1 : i32
      %get3A_740 = arith.index_cast %get3A_739 : i32 to index
      %get3A_741 = arith.index_cast %mul3A_686 : i32 to index
      %get3A_742 = arith.constant 16 : index
      %get3A_743 = tpu.vector_load %arg7[%get3A_740, %get3A_741, %get3A_742] {strides = array<i32>} : memref<2x128x128xf32, #tpu.memory_space<vmem>>, vector<1x1x16xf32>,
      %get3A_744 = vector.shape_cast %get3A_743 : vector<1x1x16xf32> to vector<16xf32>
      %swap3A_745 = arith.constant 1 : i32
      %swap3A_746 = arith.index_cast %swap3A_745 : i32 to index
      %swap3A_747 = arith.index_cast %add3A_684 : i32 to index
      %swap3A_748 = arith.constant 16 : index
      %swap3A_749 = tpu.vector_load %arg8[%swap3A_746, %swap3A_747, %swap3A_748] {strides = array<i32>} : memref<2x64x128xf32, #tpu.memory_space<vmem>>, vector<1x1x16xf32>,
      %swap3A_750 = vector.shape_cast %swap3A_749 : vector<1x1x16xf32> to vector<16xf32>
      %swap3A_751 = vector.shape_cast %get3A_744 : vector<16xf32> to vector<1x1x16xf32>
      tpu.vector_store %arg8[%swap3A_746, %swap3A_747, %swap3A_748], %swap3A_751 {strides = array<i32>} : memref<2x64x128xf32, #tpu.memory_space<vmem>>, vector<1x1x16xf32>,
      %get3A_752 = arith.constant 1 : i32
      %get3A_753 = arith.index_cast %get3A_752 : i32 to index
      %get3A_754 = arith.index_cast %add3A_688 : i32 to index
      %get3A_755 = arith.constant 16 : index
      %get3A_756 = tpu.vector_load %arg7[%get3A_753, %get3A_754, %get3A_755] {strides = array<i32>} : memref<2x128x128xf32, #tpu.memory_space<vmem>>, vector<1x1x16xf32>,
      %get3A_757 = vector.shape_cast %get3A_756 : vector<1x1x16xf32> to vector<16xf32>
      %swap3A_758 = arith.constant 1 : i32
      %swap3A_759 = arith.index_cast %swap3A_758 : i32 to index
      %swap3A_760 = arith.index_cast %add3A_684 : i32 to index
      %swap3A_761 = arith.constant 80 : index
      %swap3A_762 = tpu.vector_load %arg8[%swap3A_759, %swap3A_760, %swap3A_761] {strides = array<i32>} : memref<2x64x128xf32, #tpu.memory_space<vmem>>, vector<1x1x16xf32>,
      %swap3A_763 = vector.shape_cast %swap3A_762 : vector<1x1x16xf32> to vector<16xf32>
      %swap3A_764 = vector.shape_cast %get3A_757 : vector<16xf32> to vector<1x1x16xf32>
      tpu.vector_store %arg8[%swap3A_759, %swap3A_760, %swap3A_761], %swap3A_764 {strides = array<i32>} : memref<2x64x128xf32, #tpu.memory_space<vmem>>, vector<1x1x16xf32>,
      %get3A_765 = arith.constant 1 : i32
      %get3A_766 = arith.index_cast %get3A_765 : i32 to index
      %get3A_767 = arith.index_cast %mul3A_686 : i32 to index
      %get3A_768 = arith.constant 80 : index
      %get3A_769 = tpu.vector_load %arg7[%get3A_766, %get3A_767, %get3A_768] {strides = array<i32>} : memref<2x128x128xf32, #tpu.memory_space<vmem>>, vector<1x1x16xf32>,
      %get3A_770 = vector.shape_cast %get3A_769 : vector<1x1x16xf32> to vector<16xf32>
      %swap3A_771 = arith.constant 1 : i32
      %swap3A_772 = arith.index_cast %swap3A_771 : i32 to index
      %swap3A_773 = arith.index_cast %add3A_684 : i32 to index
      %swap3A_774 = arith.constant 16 : index
      %swap3A_775 = tpu.vector_load %arg9[%swap3A_772, %swap3A_773, %swap3A_774] {strides = array<i32>} : memref<2x64x128xf32, #tpu.memory_space<vmem>>, vector<1x1x16xf32>,
      %swap3A_776 = vector.shape_cast %swap3A_775 : vector<1x1x16xf32> to vector<16xf32>
      %swap3A_777 = vector.shape_cast %get3A_770 : vector<16xf32> to vector<1x1x16xf32>
      tpu.vector_store %arg9[%swap3A_772, %swap3A_773, %swap3A_774], %swap3A_777 {strides = array<i32>} : memref<2x64x128xf32, #tpu.memory_space<vmem>>, vector<1x1x16xf32>,
      %get3A_778 = arith.constant 1 : i32
      %get3A_779 = arith.index_cast %get3A_778 : i32 to index
      %get3A_780 = arith.index_cast %add3A_688 : i32 to index
      %get3A_781 = arith.constant 80 : index
      %get3A_782 = tpu.vector_load %arg7[%get3A_779, %get3A_780, %get3A_781] {strides = array<i32>} : memref<2x128x128xf32, #tpu.memory_space<vmem>>, vector<1x1x16xf32>,
      %get3A_783 = vector.shape_cast %get3A_782 : vector<1x1x16xf32> to vector<16xf32>
      %swap3A_784 = arith.constant 1 : i32
      %swap3A_785 = arith.index_cast %swap3A_784 : i32 to index
      %swap3A_786 = arith.index_cast %add3A_684 : i32 to index
      %swap3A_787 = arith.constant 80 : index
      %swap3A_788 = tpu.vector_load %arg9[%swap3A_785, %swap3A_786, %swap3A_787] {strides = array<i32>} : memref<2x64x128xf32, #tpu.memory_space<vmem>>, vector<1x1x16xf32>,
      %swap3A_789 = vector.shape_cast %swap3A_788 : vector<1x1x16xf32> to vector<16xf32>
      %swap3A_790 = vector.shape_cast %get3A_783 : vector<16xf32> to vector<1x1x16xf32>
      tpu.vector_store %arg9[%swap3A_785, %swap3A_786, %swap3A_787], %swap3A_790 {strides = array<i32>} : memref<2x64x128xf32, #tpu.memory_space<vmem>>, vector<1x1x16xf32>,
      %get3A_791 = arith.constant 1 : i32
      %get3A_792 = arith.index_cast %get3A_791 : i32 to index
      %get3A_793 = arith.index_cast %mul3A_686 : i32 to index
      %get3A_794 = arith.constant 32 : index
      %get3A_795 = tpu.vector_load %arg7[%get3A_792, %get3A_793, %get3A_794] {strides = array<i32>} : memref<2x128x128xf32, #tpu.memory_space<vmem>>, vector<1x1x16xf32>,
      %get3A_796 = vector.shape_cast %get3A_795 : vector<1x1x16xf32> to vector<16xf32>
      %swap3A_797 = arith.constant 1 : i32
      %swap3A_798 = arith.index_cast %swap3A_797 : i32 to index
      %swap3A_799 = arith.index_cast %add3A_684 : i32 to index
      %swap3A_800 = arith.constant 32 : index
      %swap3A_801 = tpu.vector_load %arg8[%swap3A_798, %swap3A_799, %swap3A_800] {strides = array<i32>} : memref<2x64x128xf32, #tpu.memory_space<vmem>>, vector<1x1x16xf32>,
      %swap3A_802 = vector.shape_cast %swap3A_801 : vector<1x1x16xf32> to vector<16xf32>
      %swap3A_803 = vector.shape_cast %get3A_796 : vector<16xf32> to vector<1x1x16xf32>
      tpu.vector_store %arg8[%swap3A_798, %swap3A_799, %swap3A_800], %swap3A_803 {strides = array<i32>} : memref<2x64x128xf32, #tpu.memory_space<vmem>>, vector<1x1x16xf32>,
      %get3A_804 = arith.constant 1 : i32
      %get3A_805 = arith.index_cast %get3A_804 : i32 to index
      %get3A_806 = arith.index_cast %add3A_688 : i32 to index
      %get3A_807 = arith.constant 32 : index
      %get3A_808 = tpu.vector_load %arg7[%get3A_805, %get3A_806, %get3A_807] {strides = array<i32>} : memref<2x128x128xf32, #tpu.memory_space<vmem>>, vector<1x1x16xf32>,
      %get3A_809 = vector.shape_cast %get3A_808 : vector<1x1x16xf32> to vector<16xf32>
      %swap3A_810 = arith.constant 1 : i32
      %swap3A_811 = arith.index_cast %swap3A_810 : i32 to index
      %swap3A_812 = arith.index_cast %add3A_684 : i32 to index
      %swap3A_813 = arith.constant 96 : index
      %swap3A_814 = tpu.vector_load %arg8[%swap3A_811, %swap3A_812, %swap3A_813] {strides = array<i32>} : memref<2x64x128xf32, #tpu.memory_space<vmem>>, vector<1x1x16xf32>,
      %swap3A_815 = vector.shape_cast %swap3A_814 : vector<1x1x16xf32> to vector<16xf32>
      %swap3A_816 = vector.shape_cast %get3A_809 : vector<16xf32> to vector<1x1x16xf32>
      tpu.vector_store %arg8[%swap3A_811, %swap3A_812, %swap3A_813], %swap3A_816 {strides = array<i32>} : memref<2x64x128xf32, #tpu.memory_space<vmem>>, vector<1x1x16xf32>,
      %get3A_817 = arith.constant 1 : i32
      %get3A_818 = arith.index_cast %get3A_817 : i32 to index
      %get3A_819 = arith.index_cast %mul3A_686 : i32 to index
      %get3A_820 = arith.constant 96 : index
      %get3A_821 = tpu.vector_load %arg7[%get3A_818, %get3A_819, %get3A_820] {strides = array<i32>} : memref<2x128x128xf32, #tpu.memory_space<vmem>>, vector<1x1x16xf32>,
      %get3A_822 = vector.shape_cast %get3A_821 : vector<1x1x16xf32> to vector<16xf32>
      %swap3A_823 = arith.constant 1 : i32
      %swap3A_824 = arith.index_cast %swap3A_823 : i32 to index
      %swap3A_825 = arith.index_cast %add3A_684 : i32 to index
      %swap3A_826 = arith.constant 32 : index
      %swap3A_827 = tpu.vector_load %arg9[%swap3A_824, %swap3A_825, %swap3A_826] {strides = array<i32>} : memref<2x64x128xf32, #tpu.memory_space<vmem>>, vector<1x1x16xf32>,
      %swap3A_828 = vector.shape_cast %swap3A_827 : vector<1x1x16xf32> to vector<16xf32>
      %swap3A_829 = vector.shape_cast %get3A_822 : vector<16xf32> to vector<1x1x16xf32>
      tpu.vector_store %arg9[%swap3A_824, %swap3A_825, %swap3A_826], %swap3A_829 {strides = array<i32>} : memref<2x64x128xf32, #tpu.memory_space<vmem>>, vector<1x1x16xf32>,
      %get3A_830 = arith.constant 1 : i32
      %get3A_831 = arith.index_cast %get3A_830 : i32 to index
      %get3A_832 = arith.index_cast %add3A_688 : i32 to index
      %get3A_833 = arith.constant 96 : index
      %get3A_834 = tpu.vector_load %arg7[%get3A_831, %get3A_832, %get3A_833] {strides = array<i32>} : memref<2x128x128xf32, #tpu.memory_space<vmem>>, vector<1x1x16xf32>,
      %get3A_835 = vector.shape_cast %get3A_834 : vector<1x1x16xf32> to vector<16xf32>
      %swap3A_836 = arith.constant 1 : i32
      %swap3A_837 = arith.index_cast %swap3A_836 : i32 to index
      %swap3A_838 = arith.index_cast %add3A_684 : i32 to index
      %swap3A_839 = arith.constant 96 : index
      %swap3A_840 = tpu.vector_load %arg9[%swap3A_837, %swap3A_838, %swap3A_839] {strides = array<i32>} : memref<2x64x128xf32, #tpu.memory_space<vmem>>, vector<1x1x16xf32>,
      %swap3A_841 = vector.shape_cast %swap3A_840 : vector<1x1x16xf32> to vector<16xf32>
      %swap3A_842 = vector.shape_cast %get3A_835 : vector<16xf32> to vector<1x1x16xf32>
      tpu.vector_store %arg9[%swap3A_837, %swap3A_838, %swap3A_839], %swap3A_842 {strides = array<i32>} : memref<2x64x128xf32, #tpu.memory_space<vmem>>, vector<1x1x16xf32>,
      %get3A_843 = arith.constant 1 : i32
      %get3A_844 = arith.index_cast %get3A_843 : i32 to index
      %get3A_845 = arith.index_cast %mul3A_686 : i32 to index
      %get3A_846 = arith.constant 48 : index
      %get3A_847 = tpu.vector_load %arg7[%get3A_844, %get3A_845, %get3A_846] {strides = array<i32>} : memref<2x128x128xf32, #tpu.memory_space<vmem>>, vector<1x1x16xf32>,
      %get3A_848 = vector.shape_cast %get3A_847 : vector<1x1x16xf32> to vector<16xf32>
      %swap3A_849 = arith.constant 1 : i32
      %swap3A_850 = arith.index_cast %swap3A_849 : i32 to index
      %swap3A_851 = arith.index_cast %add3A_684 : i32 to index
      %swap3A_852 = arith.constant 48 : index
      %swap3A_853 = tpu.vector_load %arg8[%swap3A_850, %swap3A_851, %swap3A_852] {strides = array<i32>} : memref<2x64x128xf32, #tpu.memory_space<vmem>>, vector<1x1x16xf32>,
      %swap3A_854 = vector.shape_cast %swap3A_853 : vector<1x1x16xf32> to vector<16xf32>
      %swap3A_855 = vector.shape_cast %get3A_848 : vector<16xf32> to vector<1x1x16xf32>
      tpu.vector_store %arg8[%swap3A_850, %swap3A_851, %swap3A_852], %swap3A_855 {strides = array<i32>} : memref<2x64x128xf32, #tpu.memory_space<vmem>>, vector<1x1x16xf32>,
      %get3A_856 = arith.constant 1 : i32
      %get3A_857 = arith.index_cast %get3A_856 : i32 to index
      %get3A_858 = arith.index_cast %add3A_688 : i32 to index
      %get3A_859 = arith.constant 48 : index
      %get3A_860 = tpu.vector_load %arg7[%get3A_857, %get3A_858, %get3A_859] {strides = array<i32>} : memref<2x128x128xf32, #tpu.memory_space<vmem>>, vector<1x1x16xf32>,
      %get3A_861 = vector.shape_cast %get3A_860 : vector<1x1x16xf32> to vector<16xf32>
      %swap3A_862 = arith.constant 1 : i32
      %swap3A_863 = arith.index_cast %swap3A_862 : i32 to index
      %swap3A_864 = arith.index_cast %add3A_684 : i32 to index
      %swap3A_865 = arith.constant 112 : index
      %swap3A_866 = tpu.vector_load %arg8[%swap3A_863, %swap3A_864, %swap3A_865] {strides = array<i32>} : memref<2x64x128xf32, #tpu.memory_space<vmem>>, vector<1x1x16xf32>,
      %swap3A_867 = vector.shape_cast %swap3A_866 : vector<1x1x16xf32> to vector<16xf32>
      %swap3A_868 = vector.shape_cast %get3A_861 : vector<16xf32> to vector<1x1x16xf32>
      tpu.vector_store %arg8[%swap3A_863, %swap3A_864, %swap3A_865], %swap3A_868 {strides = array<i32>} : memref<2x64x128xf32, #tpu.memory_space<vmem>>, vector<1x1x16xf32>,
      %get3A_869 = arith.constant 1 : i32
      %get3A_870 = arith.index_cast %get3A_869 : i32 to index
      %get3A_871 = arith.index_cast %mul3A_686 : i32 to index
      %get3A_872 = arith.constant 112 : index
      %get3A_873 = tpu.vector_load %arg7[%get3A_870, %get3A_871, %get3A_872] {strides = array<i32>} : memref<2x128x128xf32, #tpu.memory_space<vmem>>, vector<1x1x16xf32>,
      %get3A_874 = vector.shape_cast %get3A_873 : vector<1x1x16xf32> to vector<16xf32>
      %swap3A_875 = arith.constant 1 : i32
      %swap3A_876 = arith.index_cast %swap3A_875 : i32 to index
      %swap3A_877 = arith.index_cast %add3A_684 : i32 to index
      %swap3A_878 = arith.constant 48 : index
      %swap3A_879 = tpu.vector_load %arg9[%swap3A_876, %swap3A_877, %swap3A_878] {strides = array<i32>} : memref<2x64x128xf32, #tpu.memory_space<vmem>>, vector<1x1x16xf32>,
      %swap3A_880 = vector.shape_cast %swap3A_879 : vector<1x1x16xf32> to vector<16xf32>
      %swap3A_881 = vector.shape_cast %get3A_874 : vector<16xf32> to vector<1x1x16xf32>
      tpu.vector_store %arg9[%swap3A_876, %swap3A_877, %swap3A_878], %swap3A_881 {strides = array<i32>} : memref<2x64x128xf32, #tpu.memory_space<vmem>>, vector<1x1x16xf32>,
      %get3A_882 = arith.constant 1 : i32
      %get3A_883 = arith.index_cast %get3A_882 : i32 to index
      %get3A_884 = arith.index_cast %add3A_688 : i32 to index
      %get3A_885 = arith.constant 112 : index
      %get3A_886 = tpu.vector_load %arg7[%get3A_883, %get3A_884, %get3A_885] {strides = array<i32>} : memref<2x128x128xf32, #tpu.memory_space<vmem>>, vector<1x1x16xf32>,
      %get3A_887 = vector.shape_cast %get3A_886 : vector<1x1x16xf32> to vector<16xf32>
      %swap3A_888 = arith.constant 1 : i32
      %swap3A_889 = arith.index_cast %swap3A_888 : i32 to index
      %swap3A_890 = arith.index_cast %add3A_684 : i32 to index
      %swap3A_891 = arith.constant 112 : index
      %swap3A_892 = tpu.vector_load %arg9[%swap3A_889, %swap3A_890, %swap3A_891] {strides = array<i32>} : memref<2x64x128xf32, #tpu.memory_space<vmem>>, vector<1x1x16xf32>,
      %swap3A_893 = vector.shape_cast %swap3A_892 : vector<1x1x16xf32> to vector<16xf32>
      %swap3A_894 = vector.shape_cast %get3A_887 : vector<16xf32> to vector<1x1x16xf32>
      tpu.vector_store %arg9[%swap3A_889, %swap3A_890, %swap3A_891], %swap3A_894 {strides = array<i32>} : memref<2x64x128xf32, #tpu.memory_space<vmem>>, vector<1x1x16xf32>,
    }
    %scan3A_269 = arith.constant 64 : i32
    %add3A_270 = arith.constant 3 : i32
    %add3A_271 = arith.addi %mul3A_2, %add3A_270 : i32
    %mul3A_272 = arith.constant 64 : i32
    %mul3A_273 = arith.muli %add3A_271, %mul3A_272 : i32
    %dma_start3A_274 = arith.constant 1 : i32
    %dma_start3A_275 = arith.constant 0 : i32
    %dma_start3A_276 = arith.constant 0 : i32
    %dma_start3A_277 = tpu.memref_slice %arg8[%dma_start3A_274, %dma_start3A_275, %dma_start3A_276] : memref<2x64x128xf32, #tpu.memory_space<vmem>> -> memref<1x64x128xf32, #tpu.memory_space<vmem>>
    %dma_start3A_278 = tpu.memref_squeeze %dma_start3A_277 : memref<1x64x128xf32, #tpu.memory_space<vmem>> -> memref<64x128xf32, #tpu.memory_space<vmem>>
    %dma_start3A_279 = arith.constant 0 : i32
    %dma_start3A_280 = tpu.memref_slice %arg4[%mul3A_273, %dma_start3A_279] : memref<16384x128xf32, #tpu.memory_space<hbm>> -> memref<64x128xf32, #tpu.memory_space<hbm>>
    %dma_start3A_281 = arith.constant 0 : i32
    %dma_start3A_282 = tpu.memref_slice %arg4[%mul3A_273, %dma_start3A_281] : memref<16384x128xf32, #tpu.memory_space<hbm>> -> memref<64x128xf32, #tpu.memory_space<hbm>>
    %dma_start3A_283 = arith.constant 0 : i32
    %dma_start3A_284 = arith.constant 0 : i32
    %dma_start3A_285 = tpu.memref_slice %arg8[%dma_start3A_274, %dma_start3A_283, %dma_start3A_284] : memref<2x64x128xf32, #tpu.memory_space<vmem>> -> memref<1x64x128xf32, #tpu.memory_space<vmem>>
    %dma_start3A_286 = tpu.memref_squeeze %dma_start3A_285 : memref<1x64x128xf32, #tpu.memory_space<vmem>> -> memref<64x128xf32, #tpu.memory_space<vmem>>
    tpu.enqueue_dma source(%dma_start3A_286 : memref<64x128xf32, #tpu.memory_space<vmem>>) target(%dma_start3A_282 : memref<64x128xf32, #tpu.memory_space<hbm>>) target_semaphore(%arg11 : memref<!tpu.dma_semaphore, #tpu.memory_space<semaphore_mem>>)
    %dma_start3A_287 = arith.constant 1 : i32
    %dma_start3A_288 = arith.constant 0 : i32
    %dma_start3A_289 = arith.constant 0 : i32
    %dma_start3A_290 = tpu.memref_slice %arg9[%dma_start3A_287, %dma_start3A_288, %dma_start3A_289] : memref<2x64x128xf32, #tpu.memory_space<vmem>> -> memref<1x64x128xf32, #tpu.memory_space<vmem>>
    %dma_start3A_291 = tpu.memref_squeeze %dma_start3A_290 : memref<1x64x128xf32, #tpu.memory_space<vmem>> -> memref<64x128xf32, #tpu.memory_space<vmem>>
    %dma_start3A_292 = arith.constant 0 : i32
    %dma_start3A_293 = tpu.memref_slice %arg5[%mul3A_273, %dma_start3A_292] : memref<16384x128xf32, #tpu.memory_space<hbm>> -> memref<64x128xf32, #tpu.memory_space<hbm>>
    %dma_start3A_294 = arith.constant 0 : i32
    %dma_start3A_295 = tpu.memref_slice %arg5[%mul3A_273, %dma_start3A_294] : memref<16384x128xf32, #tpu.memory_space<hbm>> -> memref<64x128xf32, #tpu.memory_space<hbm>>
    %dma_start3A_296 = arith.constant 0 : i32
    %dma_start3A_297 = arith.constant 0 : i32
    %dma_start3A_298 = tpu.memref_slice %arg9[%dma_start3A_287, %dma_start3A_296, %dma_start3A_297] : memref<2x64x128xf32, #tpu.memory_space<vmem>> -> memref<1x64x128xf32, #tpu.memory_space<vmem>>
    %dma_start3A_299 = tpu.memref_squeeze %dma_start3A_298 : memref<1x64x128xf32, #tpu.memory_space<vmem>> -> memref<64x128xf32, #tpu.memory_space<vmem>>
    tpu.enqueue_dma source(%dma_start3A_299 : memref<64x128xf32, #tpu.memory_space<vmem>>) target(%dma_start3A_295 : memref<64x128xf32, #tpu.memory_space<hbm>>) target_semaphore(%arg12 : memref<!tpu.dma_semaphore, #tpu.memory_space<semaphore_mem>>)
    %dma_wait3A_300 = arith.constant 4 : i32
    %dma_wait3A_301 = arith.constant 0 : i32
    %dma_wait3A_302 = arith.constant 0 : i32
    %dma_wait3A_303 = arith.constant 0 : i32
    %dma_wait3A_304 = tpu.memref_slice %arg7[%dma_wait3A_301, %dma_wait3A_302, %dma_wait3A_303] : memref<2x128x128xf32, #tpu.memory_space<vmem>> -> memref<1x128x128xf32, #tpu.memory_space<vmem>>
    %dma_wait3A_305 = tpu.memref_squeeze %dma_wait3A_304 : memref<1x128x128xf32, #tpu.memory_space<vmem>> -> memref<128x128xf32, #tpu.memory_space<vmem>>
    %dma_wait3A_306 = arith.constant 0 : i32
    %dma_wait3A_307 = tpu.memref_slice %arg6[%dma_wait3A_300, %dma_wait3A_306] : memref<8x128xi32, #tpu.memory_space<vmem>> -> memref<1x128xi32, #tpu.memory_space<vmem>>
    %dma_wait3A_308 = tpu.memref_squeeze %dma_wait3A_307 : memref<1x128xi32, #tpu.memory_space<vmem>> -> memref<128xi32, #tpu.memory_space<vmem>>
    %dma_wait3A_309 = arith.constant 0 : i32
    %dma_wait3A_310 = arith.constant 0 : i32
    %dma_wait3A_311 = tpu.memref_slice %arg3[%dma_wait3A_309, %dma_wait3A_310] : memref<8192x128xf32, #tpu.memory_space<hbm>> -> memref<8192x128xf32, #tpu.memory_space<hbm>>
    tpu.wait_indirect_dma semaphore(%arg10 : memref<!tpu.dma_semaphore, #tpu.memory_space<semaphore_mem>>) src(%dma_wait3A_311 : memref<8192x128xf32, #tpu.memory_space<hbm>>) dst(%dma_wait3A_305 : memref<128x128xf32, #tpu.memory_space<vmem>>)
    %dma_start3A_312 = arith.constant 5 : i32
    %dma_start3A_313 = arith.constant 1 : i32
    %dma_start3A_314 = arith.constant 0 : i32
    %dma_start3A_315 = arith.constant 0 : i32
    %dma_start3A_316 = tpu.memref_slice %arg7[%dma_start3A_313, %dma_start3A_314, %dma_start3A_315] : memref<2x128x128xf32, #tpu.memory_space<vmem>> -> memref<1x128x128xf32, #tpu.memory_space<vmem>>
    %dma_start3A_317 = tpu.memref_squeeze %dma_start3A_316 : memref<1x128x128xf32, #tpu.memory_space<vmem>> -> memref<128x128xf32, #tpu.memory_space<vmem>>
    %dma_start3A_318 = arith.constant 0 : i32
    %dma_start3A_319 = tpu.memref_slice %arg6[%dma_start3A_312, %dma_start3A_318] : memref<8x128xi32, #tpu.memory_space<vmem>> -> memref<1x128xi32, #tpu.memory_space<vmem>>
    %dma_start3A_320 = tpu.memref_squeeze %dma_start3A_319 : memref<1x128xi32, #tpu.memory_space<vmem>> -> memref<128xi32, #tpu.memory_space<vmem>>
    %dma_start3A_321 = arith.constant 0 : i32
    %dma_start3A_322 = arith.constant 0 : i32
    %dma_start3A_323 = tpu.memref_slice %arg3[%dma_start3A_321, %dma_start3A_322] : memref<8192x128xf32, #tpu.memory_space<hbm>> -> memref<8192x128xf32, #tpu.memory_space<hbm>>
    tpu.enqueue_indirect_dma source(%dma_start3A_323 : memref<8192x128xf32, #tpu.memory_space<hbm>>) target(%dma_start3A_317 : memref<128x128xf32, #tpu.memory_space<vmem>>) offsets(%dma_start3A_320 : memref<128xi32, #tpu.memory_space<vmem>>) semaphore(%arg10 : memref<!tpu.dma_semaphore, #tpu.memory_space<semaphore_mem>>)
    %dma_wait3A_324 = arith.constant 0 : i32
    %dma_wait3A_325 = arith.constant 0 : i32
    %dma_wait3A_326 = arith.constant 0 : i32
    %dma_wait3A_327 = tpu.memref_slice %arg8[%dma_wait3A_324, %dma_wait3A_325, %dma_wait3A_326] : memref<2x64x128xf32, #tpu.memory_space<vmem>> -> memref<1x64x128xf32, #tpu.memory_space<vmem>>
    %dma_wait3A_328 = tpu.memref_squeeze %dma_wait3A_327 : memref<1x64x128xf32, #tpu.memory_space<vmem>> -> memref<64x128xf32, #tpu.memory_space<vmem>>
    %dma_wait3A_329 = arith.constant 0 : i32
    %dma_wait3A_330 = tpu.memref_slice %arg4[%mul3A_188, %dma_wait3A_329] : memref<16384x128xf32, #tpu.memory_space<hbm>> -> memref<64x128xf32, #tpu.memory_space<hbm>>
    %dma_wait3A_331 = arith.constant 0 : i32
    %dma_wait3A_332 = tpu.memref_slice %arg4[%mul3A_188, %dma_wait3A_331] : memref<16384x128xf32, #tpu.memory_space<hbm>> -> memref<64x128xf32, #tpu.memory_space<hbm>>
    %dma_wait3A_333 = arith.constant 0 : i32
    %dma_wait3A_334 = arith.constant 0 : i32
    %dma_wait3A_335 = tpu.memref_slice %arg8[%dma_wait3A_324, %dma_wait3A_333, %dma_wait3A_334] : memref<2x64x128xf32, #tpu.memory_space<vmem>> -> memref<1x64x128xf32, #tpu.memory_space<vmem>>
    %dma_wait3A_336 = tpu.memref_squeeze %dma_wait3A_335 : memref<1x64x128xf32, #tpu.memory_space<vmem>> -> memref<64x128xf32, #tpu.memory_space<vmem>>
    tpu.wait_dma2 semaphore(%arg11 : memref<!tpu.dma_semaphore, #tpu.memory_space<semaphore_mem>>) src(%dma_wait3A_336 : memref<64x128xf32, #tpu.memory_space<vmem>>) dst(%dma_wait3A_332 : memref<64x128xf32, #tpu.memory_space<hbm>>)
    %dma_wait3A_337 = arith.constant 0 : i32
    %dma_wait3A_338 = arith.constant 0 : i32
    %dma_wait3A_339 = arith.constant 0 : i32
    %dma_wait3A_340 = tpu.memref_slice %arg9[%dma_wait3A_337, %dma_wait3A_338, %dma_wait3A_339] : memref<2x64x128xf32, #tpu.memory_space<vmem>> -> memref<1x64x128xf32, #tpu.memory_space<vmem>>
    %dma_wait3A_341 = tpu.memref_squeeze %dma_wait3A_340 : memref<1x64x128xf32, #tpu.memory_space<vmem>> -> memref<64x128xf32, #tpu.memory_space<vmem>>
    %dma_wait3A_342 = arith.constant 0 : i32
    %dma_wait3A_343 = tpu.memref_slice %arg5[%mul3A_188, %dma_wait3A_342] : memref<16384x128xf32, #tpu.memory_space<hbm>> -> memref<64x128xf32, #tpu.memory_space<hbm>>
    %dma_wait3A_344 = arith.constant 0 : i32
    %dma_wait3A_345 = tpu.memref_slice %arg5[%mul3A_188, %dma_wait3A_344] : memref<16384x128xf32, #tpu.memory_space<hbm>> -> memref<64x128xf32, #tpu.memory_space<hbm>>
    %dma_wait3A_346 = arith.constant 0 : i32
    %dma_wait3A_347 = arith.constant 0 : i32
    %dma_wait3A_348 = tpu.memref_slice %arg9[%dma_wait3A_337, %dma_wait3A_346, %dma_wait3A_347] : memref<2x64x128xf32, #tpu.memory_space<vmem>> -> memref<1x64x128xf32, #tpu.memory_space<vmem>>
    %dma_wait3A_349 = tpu.memref_squeeze %dma_wait3A_348 : memref<1x64x128xf32, #tpu.memory_space<vmem>> -> memref<64x128xf32, #tpu.memory_space<vmem>>
    tpu.wait_dma2 semaphore(%arg12 : memref<!tpu.dma_semaphore, #tpu.memory_space<semaphore_mem>>) src(%dma_wait3A_349 : memref<64x128xf32, #tpu.memory_space<vmem>>) dst(%dma_wait3A_345 : memref<64x128xf32, #tpu.memory_space<hbm>>)
    %scan3A_350 = arith.constant 0 : i32
    %scan3A_351 = arith.constant 64 : i32
    %scan3A_352 = arith.addi %scan3A_350, %scan3A_351 : i32
    %scan3A_353 = arith.constant 1 : i32
    scf.for %scan3A_680 = %scan3A_350 to %scan3A_352 step %scan3A_353  : i32 {
      %mul3A_681 = arith.constant 1 : i32
      %mul3A_682 = arith.muli %scan3A_680, %mul3A_681 : i32
      %add3A_683 = arith.constant 0 : i32
      %add3A_684 = arith.addi %add3A_683, %mul3A_682 : i32
      %mul3A_685 = arith.constant 2 : i32
      %mul3A_686 = arith.muli %mul3A_685, %add3A_684 : i32
      %add3A_687 = arith.constant 1 : i32
      %add3A_688 = arith.addi %mul3A_686, %add3A_687 : i32
      %get3A = arith.constant 0 : i32
      %get3A_689 = arith.index_cast %get3A : i32 to index
      %get3A_690 = arith.index_cast %mul3A_686 : i32 to index
      %get3A_691 = arith.constant 0 : index
      %get3A_692 = tpu.vector_load %arg7[%get3A_689, %get3A_690, %get3A_691] {strides = array<i32>} : memref<2x128x128xf32, #tpu.memory_space<vmem>>, vector<1x1x16xf32>,
      %get3A_693 = vector.shape_cast %get3A_692 : vector<1x1x16xf32> to vector<16xf32>
      %swap3A = arith.constant 0 : i32
      %swap3A_694 = arith.index_cast %swap3A : i32 to index
      %swap3A_695 = arith.index_cast %add3A_684 : i32 to index
      %swap3A_696 = arith.constant 0 : index
      %swap3A_697 = tpu.vector_load %arg8[%swap3A_694, %swap3A_695, %swap3A_696] {strides = array<i32>} : memref<2x64x128xf32, #tpu.memory_space<vmem>>, vector<1x1x16xf32>,
      %swap3A_698 = vector.shape_cast %swap3A_697 : vector<1x1x16xf32> to vector<16xf32>
      %swap3A_699 = vector.shape_cast %get3A_693 : vector<16xf32> to vector<1x1x16xf32>
      tpu.vector_store %arg8[%swap3A_694, %swap3A_695, %swap3A_696], %swap3A_699 {strides = array<i32>} : memref<2x64x128xf32, #tpu.memory_space<vmem>>, vector<1x1x16xf32>,
      %get3A_700 = arith.constant 0 : i32
      %get3A_701 = arith.index_cast %get3A_700 : i32 to index
      %get3A_702 = arith.index_cast %add3A_688 : i32 to index
      %get3A_703 = arith.constant 0 : index
      %get3A_704 = tpu.vector_load %arg7[%get3A_701, %get3A_702, %get3A_703] {strides = array<i32>} : memref<2x128x128xf32, #tpu.memory_space<vmem>>, vector<1x1x16xf32>,
      %get3A_705 = vector.shape_cast %get3A_704 : vector<1x1x16xf32> to vector<16xf32>
      %swap3A_706 = arith.constant 0 : i32
      %swap3A_707 = arith.index_cast %swap3A_706 : i32 to index
      %swap3A_708 = arith.index_cast %add3A_684 : i32 to index
      %swap3A_709 = arith.constant 64 : index
      %swap3A_710 = tpu.vector_load %arg8[%swap3A_707, %swap3A_708, %swap3A_709] {strides = array<i32>} : memref<2x64x128xf32, #tpu.memory_space<vmem>>, vector<1x1x16xf32>,
      %swap3A_711 = vector.shape_cast %swap3A_710 : vector<1x1x16xf32> to vector<16xf32>
      %swap3A_712 = vector.shape_cast %get3A_705 : vector<16xf32> to vector<1x1x16xf32>
      tpu.vector_store %arg8[%swap3A_707, %swap3A_708, %swap3A_709], %swap3A_712 {strides = array<i32>} : memref<2x64x128xf32, #tpu.memory_space<vmem>>, vector<1x1x16xf32>,
      %get3A_713 = arith.constant 0 : i32
      %get3A_714 = arith.index_cast %get3A_713 : i32 to index
      %get3A_715 = arith.index_cast %mul3A_686 : i32 to index
      %get3A_716 = arith.constant 64 : index
      %get3A_717 = tpu.vector_load %arg7[%get3A_714, %get3A_715, %get3A_716] {strides = array<i32>} : memref<2x128x128xf32, #tpu.memory_space<vmem>>, vector<1x1x16xf32>,
      %get3A_718 = vector.shape_cast %get3A_717 : vector<1x1x16xf32> to vector<16xf32>
      %swap3A_719 = arith.constant 0 : i32
      %swap3A_720 = arith.index_cast %swap3A_719 : i32 to index
      %swap3A_721 = arith.index_cast %add3A_684 : i32 to index
      %swap3A_722 = arith.constant 0 : index
      %swap3A_723 = tpu.vector_load %arg9[%swap3A_720, %swap3A_721, %swap3A_722] {strides = array<i32>} : memref<2x64x128xf32, #tpu.memory_space<vmem>>, vector<1x1x16xf32>,
      %swap3A_724 = vector.shape_cast %swap3A_723 : vector<1x1x16xf32> to vector<16xf32>
      %swap3A_725 = vector.shape_cast %get3A_718 : vector<16xf32> to vector<1x1x16xf32>
      tpu.vector_store %arg9[%swap3A_720, %swap3A_721, %swap3A_722], %swap3A_725 {strides = array<i32>} : memref<2x64x128xf32, #tpu.memory_space<vmem>>, vector<1x1x16xf32>,
      %get3A_726 = arith.constant 0 : i32
      %get3A_727 = arith.index_cast %get3A_726 : i32 to index
      %get3A_728 = arith.index_cast %add3A_688 : i32 to index
      %get3A_729 = arith.constant 64 : index
      %get3A_730 = tpu.vector_load %arg7[%get3A_727, %get3A_728, %get3A_729] {strides = array<i32>} : memref<2x128x128xf32, #tpu.memory_space<vmem>>, vector<1x1x16xf32>,
      %get3A_731 = vector.shape_cast %get3A_730 : vector<1x1x16xf32> to vector<16xf32>
      %swap3A_732 = arith.constant 0 : i32
      %swap3A_733 = arith.index_cast %swap3A_732 : i32 to index
      %swap3A_734 = arith.index_cast %add3A_684 : i32 to index
      %swap3A_735 = arith.constant 64 : index
      %swap3A_736 = tpu.vector_load %arg9[%swap3A_733, %swap3A_734, %swap3A_735] {strides = array<i32>} : memref<2x64x128xf32, #tpu.memory_space<vmem>>, vector<1x1x16xf32>,
      %swap3A_737 = vector.shape_cast %swap3A_736 : vector<1x1x16xf32> to vector<16xf32>
      %swap3A_738 = vector.shape_cast %get3A_731 : vector<16xf32> to vector<1x1x16xf32>
      tpu.vector_store %arg9[%swap3A_733, %swap3A_734, %swap3A_735], %swap3A_738 {strides = array<i32>} : memref<2x64x128xf32, #tpu.memory_space<vmem>>, vector<1x1x16xf32>,
      %get3A_739 = arith.constant 0 : i32
      %get3A_740 = arith.index_cast %get3A_739 : i32 to index
      %get3A_741 = arith.index_cast %mul3A_686 : i32 to index
      %get3A_742 = arith.constant 16 : index
      %get3A_743 = tpu.vector_load %arg7[%get3A_740, %get3A_741, %get3A_742] {strides = array<i32>} : memref<2x128x128xf32, #tpu.memory_space<vmem>>, vector<1x1x16xf32>,
      %get3A_744 = vector.shape_cast %get3A_743 : vector<1x1x16xf32> to vector<16xf32>
      %swap3A_745 = arith.constant 0 : i32
      %swap3A_746 = arith.index_cast %swap3A_745 : i32 to index
      %swap3A_747 = arith.index_cast %add3A_684 : i32 to index
      %swap3A_748 = arith.constant 16 : index
      %swap3A_749 = tpu.vector_load %arg8[%swap3A_746, %swap3A_747, %swap3A_748] {strides = array<i32>} : memref<2x64x128xf32, #tpu.memory_space<vmem>>, vector<1x1x16xf32>,
      %swap3A_750 = vector.shape_cast %swap3A_749 : vector<1x1x16xf32> to vector<16xf32>
      %swap3A_751 = vector.shape_cast %get3A_744 : vector<16xf32> to vector<1x1x16xf32>
      tpu.vector_store %arg8[%swap3A_746, %swap3A_747, %swap3A_748], %swap3A_751 {strides = array<i32>} : memref<2x64x128xf32, #tpu.memory_space<vmem>>, vector<1x1x16xf32>,
      %get3A_752 = arith.constant 0 : i32
      %get3A_753 = arith.index_cast %get3A_752 : i32 to index
      %get3A_754 = arith.index_cast %add3A_688 : i32 to index
      %get3A_755 = arith.constant 16 : index
      %get3A_756 = tpu.vector_load %arg7[%get3A_753, %get3A_754, %get3A_755] {strides = array<i32>} : memref<2x128x128xf32, #tpu.memory_space<vmem>>, vector<1x1x16xf32>,
      %get3A_757 = vector.shape_cast %get3A_756 : vector<1x1x16xf32> to vector<16xf32>
      %swap3A_758 = arith.constant 0 : i32
      %swap3A_759 = arith.index_cast %swap3A_758 : i32 to index
      %swap3A_760 = arith.index_cast %add3A_684 : i32 to index
      %swap3A_761 = arith.constant 80 : index
      %swap3A_762 = tpu.vector_load %arg8[%swap3A_759, %swap3A_760, %swap3A_761] {strides = array<i32>} : memref<2x64x128xf32, #tpu.memory_space<vmem>>, vector<1x1x16xf32>,
      %swap3A_763 = vector.shape_cast %swap3A_762 : vector<1x1x16xf32> to vector<16xf32>
      %swap3A_764 = vector.shape_cast %get3A_757 : vector<16xf32> to vector<1x1x16xf32>
      tpu.vector_store %arg8[%swap3A_759, %swap3A_760, %swap3A_761], %swap3A_764 {strides = array<i32>} : memref<2x64x128xf32, #tpu.memory_space<vmem>>, vector<1x1x16xf32>,
      %get3A_765 = arith.constant 0 : i32
      %get3A_766 = arith.index_cast %get3A_765 : i32 to index
      %get3A_767 = arith.index_cast %mul3A_686 : i32 to index
      %get3A_768 = arith.constant 80 : index
      %get3A_769 = tpu.vector_load %arg7[%get3A_766, %get3A_767, %get3A_768] {strides = array<i32>} : memref<2x128x128xf32, #tpu.memory_space<vmem>>, vector<1x1x16xf32>,
      %get3A_770 = vector.shape_cast %get3A_769 : vector<1x1x16xf32> to vector<16xf32>
      %swap3A_771 = arith.constant 0 : i32
      %swap3A_772 = arith.index_cast %swap3A_771 : i32 to index
      %swap3A_773 = arith.index_cast %add3A_684 : i32 to index
      %swap3A_774 = arith.constant 16 : index
      %swap3A_775 = tpu.vector_load %arg9[%swap3A_772, %swap3A_773, %swap3A_774] {strides = array<i32>} : memref<2x64x128xf32, #tpu.memory_space<vmem>>, vector<1x1x16xf32>,
      %swap3A_776 = vector.shape_cast %swap3A_775 : vector<1x1x16xf32> to vector<16xf32>
      %swap3A_777 = vector.shape_cast %get3A_770 : vector<16xf32> to vector<1x1x16xf32>
      tpu.vector_store %arg9[%swap3A_772, %swap3A_773, %swap3A_774], %swap3A_777 {strides = array<i32>} : memref<2x64x128xf32, #tpu.memory_space<vmem>>, vector<1x1x16xf32>,
      %get3A_778 = arith.constant 0 : i32
      %get3A_779 = arith.index_cast %get3A_778 : i32 to index
      %get3A_780 = arith.index_cast %add3A_688 : i32 to index
      %get3A_781 = arith.constant 80 : index
      %get3A_782 = tpu.vector_load %arg7[%get3A_779, %get3A_780, %get3A_781] {strides = array<i32>} : memref<2x128x128xf32, #tpu.memory_space<vmem>>, vector<1x1x16xf32>,
      %get3A_783 = vector.shape_cast %get3A_782 : vector<1x1x16xf32> to vector<16xf32>
      %swap3A_784 = arith.constant 0 : i32
      %swap3A_785 = arith.index_cast %swap3A_784 : i32 to index
      %swap3A_786 = arith.index_cast %add3A_684 : i32 to index
      %swap3A_787 = arith.constant 80 : index
      %swap3A_788 = tpu.vector_load %arg9[%swap3A_785, %swap3A_786, %swap3A_787] {strides = array<i32>} : memref<2x64x128xf32, #tpu.memory_space<vmem>>, vector<1x1x16xf32>,
      %swap3A_789 = vector.shape_cast %swap3A_788 : vector<1x1x16xf32> to vector<16xf32>
      %swap3A_790 = vector.shape_cast %get3A_783 : vector<16xf32> to vector<1x1x16xf32>
      tpu.vector_store %arg9[%swap3A_785, %swap3A_786, %swap3A_787], %swap3A_790 {strides = array<i32>} : memref<2x64x128xf32, #tpu.memory_space<vmem>>, vector<1x1x16xf32>,
      %get3A_791 = arith.constant 0 : i32
      %get3A_792 = arith.index_cast %get3A_791 : i32 to index
      %get3A_793 = arith.index_cast %mul3A_686 : i32 to index
      %get3A_794 = arith.constant 32 : index
      %get3A_795 = tpu.vector_load %arg7[%get3A_792, %get3A_793, %get3A_794] {strides = array<i32>} : memref<2x128x128xf32, #tpu.memory_space<vmem>>, vector<1x1x16xf32>,
      %get3A_796 = vector.shape_cast %get3A_795 : vector<1x1x16xf32> to vector<16xf32>
      %swap3A_797 = arith.constant 0 : i32
      %swap3A_798 = arith.index_cast %swap3A_797 : i32 to index
      %swap3A_799 = arith.index_cast %add3A_684 : i32 to index
      %swap3A_800 = arith.constant 32 : index
      %swap3A_801 = tpu.vector_load %arg8[%swap3A_798, %swap3A_799, %swap3A_800] {strides = array<i32>} : memref<2x64x128xf32, #tpu.memory_space<vmem>>, vector<1x1x16xf32>,
      %swap3A_802 = vector.shape_cast %swap3A_801 : vector<1x1x16xf32> to vector<16xf32>
      %swap3A_803 = vector.shape_cast %get3A_796 : vector<16xf32> to vector<1x1x16xf32>
      tpu.vector_store %arg8[%swap3A_798, %swap3A_799, %swap3A_800], %swap3A_803 {strides = array<i32>} : memref<2x64x128xf32, #tpu.memory_space<vmem>>, vector<1x1x16xf32>,
      %get3A_804 = arith.constant 0 : i32
      %get3A_805 = arith.index_cast %get3A_804 : i32 to index
      %get3A_806 = arith.index_cast %add3A_688 : i32 to index
      %get3A_807 = arith.constant 32 : index
      %get3A_808 = tpu.vector_load %arg7[%get3A_805, %get3A_806, %get3A_807] {strides = array<i32>} : memref<2x128x128xf32, #tpu.memory_space<vmem>>, vector<1x1x16xf32>,
      %get3A_809 = vector.shape_cast %get3A_808 : vector<1x1x16xf32> to vector<16xf32>
      %swap3A_810 = arith.constant 0 : i32
      %swap3A_811 = arith.index_cast %swap3A_810 : i32 to index
      %swap3A_812 = arith.index_cast %add3A_684 : i32 to index
      %swap3A_813 = arith.constant 96 : index
      %swap3A_814 = tpu.vector_load %arg8[%swap3A_811, %swap3A_812, %swap3A_813] {strides = array<i32>} : memref<2x64x128xf32, #tpu.memory_space<vmem>>, vector<1x1x16xf32>,
      %swap3A_815 = vector.shape_cast %swap3A_814 : vector<1x1x16xf32> to vector<16xf32>
      %swap3A_816 = vector.shape_cast %get3A_809 : vector<16xf32> to vector<1x1x16xf32>
      tpu.vector_store %arg8[%swap3A_811, %swap3A_812, %swap3A_813], %swap3A_816 {strides = array<i32>} : memref<2x64x128xf32, #tpu.memory_space<vmem>>, vector<1x1x16xf32>,
      %get3A_817 = arith.constant 0 : i32
      %get3A_818 = arith.index_cast %get3A_817 : i32 to index
      %get3A_819 = arith.index_cast %mul3A_686 : i32 to index
      %get3A_820 = arith.constant 96 : index
      %get3A_821 = tpu.vector_load %arg7[%get3A_818, %get3A_819, %get3A_820] {strides = array<i32>} : memref<2x128x128xf32, #tpu.memory_space<vmem>>, vector<1x1x16xf32>,
      %get3A_822 = vector.shape_cast %get3A_821 : vector<1x1x16xf32> to vector<16xf32>
      %swap3A_823 = arith.constant 0 : i32
      %swap3A_824 = arith.index_cast %swap3A_823 : i32 to index
      %swap3A_825 = arith.index_cast %add3A_684 : i32 to index
      %swap3A_826 = arith.constant 32 : index
      %swap3A_827 = tpu.vector_load %arg9[%swap3A_824, %swap3A_825, %swap3A_826] {strides = array<i32>} : memref<2x64x128xf32, #tpu.memory_space<vmem>>, vector<1x1x16xf32>,
      %swap3A_828 = vector.shape_cast %swap3A_827 : vector<1x1x16xf32> to vector<16xf32>
      %swap3A_829 = vector.shape_cast %get3A_822 : vector<16xf32> to vector<1x1x16xf32>
      tpu.vector_store %arg9[%swap3A_824, %swap3A_825, %swap3A_826], %swap3A_829 {strides = array<i32>} : memref<2x64x128xf32, #tpu.memory_space<vmem>>, vector<1x1x16xf32>,
      %get3A_830 = arith.constant 0 : i32
      %get3A_831 = arith.index_cast %get3A_830 : i32 to index
      %get3A_832 = arith.index_cast %add3A_688 : i32 to index
      %get3A_833 = arith.constant 96 : index
      %get3A_834 = tpu.vector_load %arg7[%get3A_831, %get3A_832, %get3A_833] {strides = array<i32>} : memref<2x128x128xf32, #tpu.memory_space<vmem>>, vector<1x1x16xf32>,
      %get3A_835 = vector.shape_cast %get3A_834 : vector<1x1x16xf32> to vector<16xf32>
      %swap3A_836 = arith.constant 0 : i32
      %swap3A_837 = arith.index_cast %swap3A_836 : i32 to index
      %swap3A_838 = arith.index_cast %add3A_684 : i32 to index
      %swap3A_839 = arith.constant 96 : index
      %swap3A_840 = tpu.vector_load %arg9[%swap3A_837, %swap3A_838, %swap3A_839] {strides = array<i32>} : memref<2x64x128xf32, #tpu.memory_space<vmem>>, vector<1x1x16xf32>,
      %swap3A_841 = vector.shape_cast %swap3A_840 : vector<1x1x16xf32> to vector<16xf32>
      %swap3A_842 = vector.shape_cast %get3A_835 : vector<16xf32> to vector<1x1x16xf32>
      tpu.vector_store %arg9[%swap3A_837, %swap3A_838, %swap3A_839], %swap3A_842 {strides = array<i32>} : memref<2x64x128xf32, #tpu.memory_space<vmem>>, vector<1x1x16xf32>,
      %get3A_843 = arith.constant 0 : i32
      %get3A_844 = arith.index_cast %get3A_843 : i32 to index
      %get3A_845 = arith.index_cast %mul3A_686 : i32 to index
      %get3A_846 = arith.constant 48 : index
      %get3A_847 = tpu.vector_load %arg7[%get3A_844, %get3A_845, %get3A_846] {strides = array<i32>} : memref<2x128x128xf32, #tpu.memory_space<vmem>>, vector<1x1x16xf32>,
      %get3A_848 = vector.shape_cast %get3A_847 : vector<1x1x16xf32> to vector<16xf32>
      %swap3A_849 = arith.constant 0 : i32
      %swap3A_850 = arith.index_cast %swap3A_849 : i32 to index
      %swap3A_851 = arith.index_cast %add3A_684 : i32 to index
      %swap3A_852 = arith.constant 48 : index
      %swap3A_853 = tpu.vector_load %arg8[%swap3A_850, %swap3A_851, %swap3A_852] {strides = array<i32>} : memref<2x64x128xf32, #tpu.memory_space<vmem>>, vector<1x1x16xf32>,
      %swap3A_854 = vector.shape_cast %swap3A_853 : vector<1x1x16xf32> to vector<16xf32>
      %swap3A_855 = vector.shape_cast %get3A_848 : vector<16xf32> to vector<1x1x16xf32>
      tpu.vector_store %arg8[%swap3A_850, %swap3A_851, %swap3A_852], %swap3A_855 {strides = array<i32>} : memref<2x64x128xf32, #tpu.memory_space<vmem>>, vector<1x1x16xf32>,
      %get3A_856 = arith.constant 0 : i32
      %get3A_857 = arith.index_cast %get3A_856 : i32 to index
      %get3A_858 = arith.index_cast %add3A_688 : i32 to index
      %get3A_859 = arith.constant 48 : index
      %get3A_860 = tpu.vector_load %arg7[%get3A_857, %get3A_858, %get3A_859] {strides = array<i32>} : memref<2x128x128xf32, #tpu.memory_space<vmem>>, vector<1x1x16xf32>,
      %get3A_861 = vector.shape_cast %get3A_860 : vector<1x1x16xf32> to vector<16xf32>
      %swap3A_862 = arith.constant 0 : i32
      %swap3A_863 = arith.index_cast %swap3A_862 : i32 to index
      %swap3A_864 = arith.index_cast %add3A_684 : i32 to index
      %swap3A_865 = arith.constant 112 : index
      %swap3A_866 = tpu.vector_load %arg8[%swap3A_863, %swap3A_864, %swap3A_865] {strides = array<i32>} : memref<2x64x128xf32, #tpu.memory_space<vmem>>, vector<1x1x16xf32>,
      %swap3A_867 = vector.shape_cast %swap3A_866 : vector<1x1x16xf32> to vector<16xf32>
      %swap3A_868 = vector.shape_cast %get3A_861 : vector<16xf32> to vector<1x1x16xf32>
      tpu.vector_store %arg8[%swap3A_863, %swap3A_864, %swap3A_865], %swap3A_868 {strides = array<i32>} : memref<2x64x128xf32, #tpu.memory_space<vmem>>, vector<1x1x16xf32>,
      %get3A_869 = arith.constant 0 : i32
      %get3A_870 = arith.index_cast %get3A_869 : i32 to index
      %get3A_871 = arith.index_cast %mul3A_686 : i32 to index
      %get3A_872 = arith.constant 112 : index
      %get3A_873 = tpu.vector_load %arg7[%get3A_870, %get3A_871, %get3A_872] {strides = array<i32>} : memref<2x128x128xf32, #tpu.memory_space<vmem>>, vector<1x1x16xf32>,
      %get3A_874 = vector.shape_cast %get3A_873 : vector<1x1x16xf32> to vector<16xf32>
      %swap3A_875 = arith.constant 0 : i32
      %swap3A_876 = arith.index_cast %swap3A_875 : i32 to index
      %swap3A_877 = arith.index_cast %add3A_684 : i32 to index
      %swap3A_878 = arith.constant 48 : index
      %swap3A_879 = tpu.vector_load %arg9[%swap3A_876, %swap3A_877, %swap3A_878] {strides = array<i32>} : memref<2x64x128xf32, #tpu.memory_space<vmem>>, vector<1x1x16xf32>,
      %swap3A_880 = vector.shape_cast %swap3A_879 : vector<1x1x16xf32> to vector<16xf32>
      %swap3A_881 = vector.shape_cast %get3A_874 : vector<16xf32> to vector<1x1x16xf32>
      tpu.vector_store %arg9[%swap3A_876, %swap3A_877, %swap3A_878], %swap3A_881 {strides = array<i32>} : memref<2x64x128xf32, #tpu.memory_space<vmem>>, vector<1x1x16xf32>,
      %get3A_882 = arith.constant 0 : i32
      %get3A_883 = arith.index_cast %get3A_882 : i32 to index
      %get3A_884 = arith.index_cast %add3A_688 : i32 to index
      %get3A_885 = arith.constant 112 : index
      %get3A_886 = tpu.vector_load %arg7[%get3A_883, %get3A_884, %get3A_885] {strides = array<i32>} : memref<2x128x128xf32, #tpu.memory_space<vmem>>, vector<1x1x16xf32>,
      %get3A_887 = vector.shape_cast %get3A_886 : vector<1x1x16xf32> to vector<16xf32>
      %swap3A_888 = arith.constant 0 : i32
      %swap3A_889 = arith.index_cast %swap3A_888 : i32 to index
      %swap3A_890 = arith.index_cast %add3A_684 : i32 to index
      %swap3A_891 = arith.constant 112 : index
      %swap3A_892 = tpu.vector_load %arg9[%swap3A_889, %swap3A_890, %swap3A_891] {strides = array<i32>} : memref<2x64x128xf32, #tpu.memory_space<vmem>>, vector<1x1x16xf32>,
      %swap3A_893 = vector.shape_cast %swap3A_892 : vector<1x1x16xf32> to vector<16xf32>
      %swap3A_894 = vector.shape_cast %get3A_887 : vector<16xf32> to vector<1x1x16xf32>
      tpu.vector_store %arg9[%swap3A_889, %swap3A_890, %swap3A_891], %swap3A_894 {strides = array<i32>} : memref<2x64x128xf32, #tpu.memory_space<vmem>>, vector<1x1x16xf32>,
    }
    %scan3A_354 = arith.constant 64 : i32
    %add3A_355 = arith.constant 4 : i32
    %add3A_356 = arith.addi %mul3A_2, %add3A_355 : i32
    %mul3A_357 = arith.constant 64 : i32
    %mul3A_358 = arith.muli %add3A_356, %mul3A_357 : i32
    %dma_start3A_359 = arith.constant 0 : i32
    %dma_start3A_360 = arith.constant 0 : i32
    %dma_start3A_361 = arith.constant 0 : i32
    %dma_start3A_362 = tpu.memref_slice %arg8[%dma_start3A_359, %dma_start3A_360, %dma_start3A_361] : memref<2x64x128xf32, #tpu.memory_space<vmem>> -> memref<1x64x128xf32, #tpu.memory_space<vmem>>
    %dma_start3A_363 = tpu.memref_squeeze %dma_start3A_362 : memref<1x64x128xf32, #tpu.memory_space<vmem>> -> memref<64x128xf32, #tpu.memory_space<vmem>>
    %dma_start3A_364 = arith.constant 0 : i32
    %dma_start3A_365 = tpu.memref_slice %arg4[%mul3A_358, %dma_start3A_364] : memref<16384x128xf32, #tpu.memory_space<hbm>> -> memref<64x128xf32, #tpu.memory_space<hbm>>
    %dma_start3A_366 = arith.constant 0 : i32
    %dma_start3A_367 = tpu.memref_slice %arg4[%mul3A_358, %dma_start3A_366] : memref<16384x128xf32, #tpu.memory_space<hbm>> -> memref<64x128xf32, #tpu.memory_space<hbm>>
    %dma_start3A_368 = arith.constant 0 : i32
    %dma_start3A_369 = arith.constant 0 : i32
    %dma_start3A_370 = tpu.memref_slice %arg8[%dma_start3A_359, %dma_start3A_368, %dma_start3A_369] : memref<2x64x128xf32, #tpu.memory_space<vmem>> -> memref<1x64x128xf32, #tpu.memory_space<vmem>>
    %dma_start3A_371 = tpu.memref_squeeze %dma_start3A_370 : memref<1x64x128xf32, #tpu.memory_space<vmem>> -> memref<64x128xf32, #tpu.memory_space<vmem>>
    tpu.enqueue_dma source(%dma_start3A_371 : memref<64x128xf32, #tpu.memory_space<vmem>>) target(%dma_start3A_367 : memref<64x128xf32, #tpu.memory_space<hbm>>) target_semaphore(%arg11 : memref<!tpu.dma_semaphore, #tpu.memory_space<semaphore_mem>>)
    %dma_start3A_372 = arith.constant 0 : i32
    %dma_start3A_373 = arith.constant 0 : i32
    %dma_start3A_374 = arith.constant 0 : i32
    %dma_start3A_375 = tpu.memref_slice %arg9[%dma_start3A_372, %dma_start3A_373, %dma_start3A_374] : memref<2x64x128xf32, #tpu.memory_space<vmem>> -> memref<1x64x128xf32, #tpu.memory_space<vmem>>
    %dma_start3A_376 = tpu.memref_squeeze %dma_start3A_375 : memref<1x64x128xf32, #tpu.memory_space<vmem>> -> memref<64x128xf32, #tpu.memory_space<vmem>>
    %dma_start3A_377 = arith.constant 0 : i32
    %dma_start3A_378 = tpu.memref_slice %arg5[%mul3A_358, %dma_start3A_377] : memref<16384x128xf32, #tpu.memory_space<hbm>> -> memref<64x128xf32, #tpu.memory_space<hbm>>
    %dma_start3A_379 = arith.constant 0 : i32
    %dma_start3A_380 = tpu.memref_slice %arg5[%mul3A_358, %dma_start3A_379] : memref<16384x128xf32, #tpu.memory_space<hbm>> -> memref<64x128xf32, #tpu.memory_space<hbm>>
    %dma_start3A_381 = arith.constant 0 : i32
    %dma_start3A_382 = arith.constant 0 : i32
    %dma_start3A_383 = tpu.memref_slice %arg9[%dma_start3A_372, %dma_start3A_381, %dma_start3A_382] : memref<2x64x128xf32, #tpu.memory_space<vmem>> -> memref<1x64x128xf32, #tpu.memory_space<vmem>>
    %dma_start3A_384 = tpu.memref_squeeze %dma_start3A_383 : memref<1x64x128xf32, #tpu.memory_space<vmem>> -> memref<64x128xf32, #tpu.memory_space<vmem>>
    tpu.enqueue_dma source(%dma_start3A_384 : memref<64x128xf32, #tpu.memory_space<vmem>>) target(%dma_start3A_380 : memref<64x128xf32, #tpu.memory_space<hbm>>) target_semaphore(%arg12 : memref<!tpu.dma_semaphore, #tpu.memory_space<semaphore_mem>>)
    %dma_wait3A_385 = arith.constant 5 : i32
    %dma_wait3A_386 = arith.constant 1 : i32
    %dma_wait3A_387 = arith.constant 0 : i32
    %dma_wait3A_388 = arith.constant 0 : i32
    %dma_wait3A_389 = tpu.memref_slice %arg7[%dma_wait3A_386, %dma_wait3A_387, %dma_wait3A_388] : memref<2x128x128xf32, #tpu.memory_space<vmem>> -> memref<1x128x128xf32, #tpu.memory_space<vmem>>
    %dma_wait3A_390 = tpu.memref_squeeze %dma_wait3A_389 : memref<1x128x128xf32, #tpu.memory_space<vmem>> -> memref<128x128xf32, #tpu.memory_space<vmem>>
    %dma_wait3A_391 = arith.constant 0 : i32
    %dma_wait3A_392 = tpu.memref_slice %arg6[%dma_wait3A_385, %dma_wait3A_391] : memref<8x128xi32, #tpu.memory_space<vmem>> -> memref<1x128xi32, #tpu.memory_space<vmem>>
    %dma_wait3A_393 = tpu.memref_squeeze %dma_wait3A_392 : memref<1x128xi32, #tpu.memory_space<vmem>> -> memref<128xi32, #tpu.memory_space<vmem>>
    %dma_wait3A_394 = arith.constant 0 : i32
    %dma_wait3A_395 = arith.constant 0 : i32
    %dma_wait3A_396 = tpu.memref_slice %arg3[%dma_wait3A_394, %dma_wait3A_395] : memref<8192x128xf32, #tpu.memory_space<hbm>> -> memref<8192x128xf32, #tpu.memory_space<hbm>>
    tpu.wait_indirect_dma semaphore(%arg10 : memref<!tpu.dma_semaphore, #tpu.memory_space<semaphore_mem>>) src(%dma_wait3A_396 : memref<8192x128xf32, #tpu.memory_space<hbm>>) dst(%dma_wait3A_390 : memref<128x128xf32, #tpu.memory_space<vmem>>)
    %dma_start3A_397 = arith.constant 6 : i32
    %dma_start3A_398 = arith.constant 0 : i32
    %dma_start3A_399 = arith.constant 0 : i32
    %dma_start3A_400 = arith.constant 0 : i32
    %dma_start3A_401 = tpu.memref_slice %arg7[%dma_start3A_398, %dma_start3A_399, %dma_start3A_400] : memref<2x128x128xf32, #tpu.memory_space<vmem>> -> memref<1x128x128xf32, #tpu.memory_space<vmem>>
    %dma_start3A_402 = tpu.memref_squeeze %dma_start3A_401 : memref<1x128x128xf32, #tpu.memory_space<vmem>> -> memref<128x128xf32, #tpu.memory_space<vmem>>
    %dma_start3A_403 = arith.constant 0 : i32
    %dma_start3A_404 = tpu.memref_slice %arg6[%dma_start3A_397, %dma_start3A_403] : memref<8x128xi32, #tpu.memory_space<vmem>> -> memref<1x128xi32, #tpu.memory_space<vmem>>
    %dma_start3A_405 = tpu.memref_squeeze %dma_start3A_404 : memref<1x128xi32, #tpu.memory_space<vmem>> -> memref<128xi32, #tpu.memory_space<vmem>>
    %dma_start3A_406 = arith.constant 0 : i32
    %dma_start3A_407 = arith.constant 0 : i32
    %dma_start3A_408 = tpu.memref_slice %arg3[%dma_start3A_406, %dma_start3A_407] : memref<8192x128xf32, #tpu.memory_space<hbm>> -> memref<8192x128xf32, #tpu.memory_space<hbm>>
    tpu.enqueue_indirect_dma source(%dma_start3A_408 : memref<8192x128xf32, #tpu.memory_space<hbm>>) target(%dma_start3A_402 : memref<128x128xf32, #tpu.memory_space<vmem>>) offsets(%dma_start3A_405 : memref<128xi32, #tpu.memory_space<vmem>>) semaphore(%arg10 : memref<!tpu.dma_semaphore, #tpu.memory_space<semaphore_mem>>)
    %dma_wait3A_409 = arith.constant 1 : i32
    %dma_wait3A_410 = arith.constant 0 : i32
    %dma_wait3A_411 = arith.constant 0 : i32
    %dma_wait3A_412 = tpu.memref_slice %arg8[%dma_wait3A_409, %dma_wait3A_410, %dma_wait3A_411] : memref<2x64x128xf32, #tpu.memory_space<vmem>> -> memref<1x64x128xf32, #tpu.memory_space<vmem>>
    %dma_wait3A_413 = tpu.memref_squeeze %dma_wait3A_412 : memref<1x64x128xf32, #tpu.memory_space<vmem>> -> memref<64x128xf32, #tpu.memory_space<vmem>>
    %dma_wait3A_414 = arith.constant 0 : i32
    %dma_wait3A_415 = tpu.memref_slice %arg4[%mul3A_273, %dma_wait3A_414] : memref<16384x128xf32, #tpu.memory_space<hbm>> -> memref<64x128xf32, #tpu.memory_space<hbm>>
    %dma_wait3A_416 = arith.constant 0 : i32
    %dma_wait3A_417 = tpu.memref_slice %arg4[%mul3A_273, %dma_wait3A_416] : memref<16384x128xf32, #tpu.memory_space<hbm>> -> memref<64x128xf32, #tpu.memory_space<hbm>>
    %dma_wait3A_418 = arith.constant 0 : i32
    %dma_wait3A_419 = arith.constant 0 : i32
    %dma_wait3A_420 = tpu.memref_slice %arg8[%dma_wait3A_409, %dma_wait3A_418, %dma_wait3A_419] : memref<2x64x128xf32, #tpu.memory_space<vmem>> -> memref<1x64x128xf32, #tpu.memory_space<vmem>>
    %dma_wait3A_421 = tpu.memref_squeeze %dma_wait3A_420 : memref<1x64x128xf32, #tpu.memory_space<vmem>> -> memref<64x128xf32, #tpu.memory_space<vmem>>
    tpu.wait_dma2 semaphore(%arg11 : memref<!tpu.dma_semaphore, #tpu.memory_space<semaphore_mem>>) src(%dma_wait3A_421 : memref<64x128xf32, #tpu.memory_space<vmem>>) dst(%dma_wait3A_417 : memref<64x128xf32, #tpu.memory_space<hbm>>)
    %dma_wait3A_422 = arith.constant 1 : i32
    %dma_wait3A_423 = arith.constant 0 : i32
    %dma_wait3A_424 = arith.constant 0 : i32
    %dma_wait3A_425 = tpu.memref_slice %arg9[%dma_wait3A_422, %dma_wait3A_423, %dma_wait3A_424] : memref<2x64x128xf32, #tpu.memory_space<vmem>> -> memref<1x64x128xf32, #tpu.memory_space<vmem>>
    %dma_wait3A_426 = tpu.memref_squeeze %dma_wait3A_425 : memref<1x64x128xf32, #tpu.memory_space<vmem>> -> memref<64x128xf32, #tpu.memory_space<vmem>>
    %dma_wait3A_427 = arith.constant 0 : i32
    %dma_wait3A_428 = tpu.memref_slice %arg5[%mul3A_273, %dma_wait3A_427] : memref<16384x128xf32, #tpu.memory_space<hbm>> -> memref<64x128xf32, #tpu.memory_space<hbm>>
    %dma_wait3A_429 = arith.constant 0 : i32
    %dma_wait3A_430 = tpu.memref_slice %arg5[%mul3A_273, %dma_wait3A_429] : memref<16384x128xf32, #tpu.memory_space<hbm>> -> memref<64x128xf32, #tpu.memory_space<hbm>>
    %dma_wait3A_431 = arith.constant 0 : i32
    %dma_wait3A_432 = arith.constant 0 : i32
    %dma_wait3A_433 = tpu.memref_slice %arg9[%dma_wait3A_422, %dma_wait3A_431, %dma_wait3A_432] : memref<2x64x128xf32, #tpu.memory_space<vmem>> -> memref<1x64x128xf32, #tpu.memory_space<vmem>>
    %dma_wait3A_434 = tpu.memref_squeeze %dma_wait3A_433 : memref<1x64x128xf32, #tpu.memory_space<vmem>> -> memref<64x128xf32, #tpu.memory_space<vmem>>
    tpu.wait_dma2 semaphore(%arg12 : memref<!tpu.dma_semaphore, #tpu.memory_space<semaphore_mem>>) src(%dma_wait3A_434 : memref<64x128xf32, #tpu.memory_space<vmem>>) dst(%dma_wait3A_430 : memref<64x128xf32, #tpu.memory_space<hbm>>)
    %scan3A_435 = arith.constant 0 : i32
    %scan3A_436 = arith.constant 64 : i32
    %scan3A_437 = arith.addi %scan3A_435, %scan3A_436 : i32
    %scan3A_438 = arith.constant 1 : i32
    scf.for %scan3A_680 = %scan3A_435 to %scan3A_437 step %scan3A_438  : i32 {
      %mul3A_681 = arith.constant 1 : i32
      %mul3A_682 = arith.muli %scan3A_680, %mul3A_681 : i32
      %add3A_683 = arith.constant 0 : i32
      %add3A_684 = arith.addi %add3A_683, %mul3A_682 : i32
      %mul3A_685 = arith.constant 2 : i32
      %mul3A_686 = arith.muli %mul3A_685, %add3A_684 : i32
      %add3A_687 = arith.constant 1 : i32
      %add3A_688 = arith.addi %mul3A_686, %add3A_687 : i32
      %get3A = arith.constant 1 : i32
      %get3A_689 = arith.index_cast %get3A : i32 to index
      %get3A_690 = arith.index_cast %mul3A_686 : i32 to index
      %get3A_691 = arith.constant 0 : index
      %get3A_692 = tpu.vector_load %arg7[%get3A_689, %get3A_690, %get3A_691] {strides = array<i32>} : memref<2x128x128xf32, #tpu.memory_space<vmem>>, vector<1x1x16xf32>,
      %get3A_693 = vector.shape_cast %get3A_692 : vector<1x1x16xf32> to vector<16xf32>
      %swap3A = arith.constant 1 : i32
      %swap3A_694 = arith.index_cast %swap3A : i32 to index
      %swap3A_695 = arith.index_cast %add3A_684 : i32 to index
      %swap3A_696 = arith.constant 0 : index
      %swap3A_697 = tpu.vector_load %arg8[%swap3A_694, %swap3A_695, %swap3A_696] {strides = array<i32>} : memref<2x64x128xf32, #tpu.memory_space<vmem>>, vector<1x1x16xf32>,
      %swap3A_698 = vector.shape_cast %swap3A_697 : vector<1x1x16xf32> to vector<16xf32>
      %swap3A_699 = vector.shape_cast %get3A_693 : vector<16xf32> to vector<1x1x16xf32>
      tpu.vector_store %arg8[%swap3A_694, %swap3A_695, %swap3A_696], %swap3A_699 {strides = array<i32>} : memref<2x64x128xf32, #tpu.memory_space<vmem>>, vector<1x1x16xf32>,
      %get3A_700 = arith.constant 1 : i32
      %get3A_701 = arith.index_cast %get3A_700 : i32 to index
      %get3A_702 = arith.index_cast %add3A_688 : i32 to index
      %get3A_703 = arith.constant 0 : index
      %get3A_704 = tpu.vector_load %arg7[%get3A_701, %get3A_702, %get3A_703] {strides = array<i32>} : memref<2x128x128xf32, #tpu.memory_space<vmem>>, vector<1x1x16xf32>,
      %get3A_705 = vector.shape_cast %get3A_704 : vector<1x1x16xf32> to vector<16xf32>
      %swap3A_706 = arith.constant 1 : i32
      %swap3A_707 = arith.index_cast %swap3A_706 : i32 to index
      %swap3A_708 = arith.index_cast %add3A_684 : i32 to index
      %swap3A_709 = arith.constant 64 : index
      %swap3A_710 = tpu.vector_load %arg8[%swap3A_707, %swap3A_708, %swap3A_709] {strides = array<i32>} : memref<2x64x128xf32, #tpu.memory_space<vmem>>, vector<1x1x16xf32>,
      %swap3A_711 = vector.shape_cast %swap3A_710 : vector<1x1x16xf32> to vector<16xf32>
      %swap3A_712 = vector.shape_cast %get3A_705 : vector<16xf32> to vector<1x1x16xf32>
      tpu.vector_store %arg8[%swap3A_707, %swap3A_708, %swap3A_709], %swap3A_712 {strides = array<i32>} : memref<2x64x128xf32, #tpu.memory_space<vmem>>, vector<1x1x16xf32>,
      %get3A_713 = arith.constant 1 : i32
      %get3A_714 = arith.index_cast %get3A_713 : i32 to index
      %get3A_715 = arith.index_cast %mul3A_686 : i32 to index
      %get3A_716 = arith.constant 64 : index
      %get3A_717 = tpu.vector_load %arg7[%get3A_714, %get3A_715, %get3A_716] {strides = array<i32>} : memref<2x128x128xf32, #tpu.memory_space<vmem>>, vector<1x1x16xf32>,
      %get3A_718 = vector.shape_cast %get3A_717 : vector<1x1x16xf32> to vector<16xf32>
      %swap3A_719 = arith.constant 1 : i32
      %swap3A_720 = arith.index_cast %swap3A_719 : i32 to index
      %swap3A_721 = arith.index_cast %add3A_684 : i32 to index
      %swap3A_722 = arith.constant 0 : index
      %swap3A_723 = tpu.vector_load %arg9[%swap3A_720, %swap3A_721, %swap3A_722] {strides = array<i32>} : memref<2x64x128xf32, #tpu.memory_space<vmem>>, vector<1x1x16xf32>,
      %swap3A_724 = vector.shape_cast %swap3A_723 : vector<1x1x16xf32> to vector<16xf32>
      %swap3A_725 = vector.shape_cast %get3A_718 : vector<16xf32> to vector<1x1x16xf32>
      tpu.vector_store %arg9[%swap3A_720, %swap3A_721, %swap3A_722], %swap3A_725 {strides = array<i32>} : memref<2x64x128xf32, #tpu.memory_space<vmem>>, vector<1x1x16xf32>,
      %get3A_726 = arith.constant 1 : i32
      %get3A_727 = arith.index_cast %get3A_726 : i32 to index
      %get3A_728 = arith.index_cast %add3A_688 : i32 to index
      %get3A_729 = arith.constant 64 : index
      %get3A_730 = tpu.vector_load %arg7[%get3A_727, %get3A_728, %get3A_729] {strides = array<i32>} : memref<2x128x128xf32, #tpu.memory_space<vmem>>, vector<1x1x16xf32>,
      %get3A_731 = vector.shape_cast %get3A_730 : vector<1x1x16xf32> to vector<16xf32>
      %swap3A_732 = arith.constant 1 : i32
      %swap3A_733 = arith.index_cast %swap3A_732 : i32 to index
      %swap3A_734 = arith.index_cast %add3A_684 : i32 to index
      %swap3A_735 = arith.constant 64 : index
      %swap3A_736 = tpu.vector_load %arg9[%swap3A_733, %swap3A_734, %swap3A_735] {strides = array<i32>} : memref<2x64x128xf32, #tpu.memory_space<vmem>>, vector<1x1x16xf32>,
      %swap3A_737 = vector.shape_cast %swap3A_736 : vector<1x1x16xf32> to vector<16xf32>
      %swap3A_738 = vector.shape_cast %get3A_731 : vector<16xf32> to vector<1x1x16xf32>
      tpu.vector_store %arg9[%swap3A_733, %swap3A_734, %swap3A_735], %swap3A_738 {strides = array<i32>} : memref<2x64x128xf32, #tpu.memory_space<vmem>>, vector<1x1x16xf32>,
      %get3A_739 = arith.constant 1 : i32
      %get3A_740 = arith.index_cast %get3A_739 : i32 to index
      %get3A_741 = arith.index_cast %mul3A_686 : i32 to index
      %get3A_742 = arith.constant 16 : index
      %get3A_743 = tpu.vector_load %arg7[%get3A_740, %get3A_741, %get3A_742] {strides = array<i32>} : memref<2x128x128xf32, #tpu.memory_space<vmem>>, vector<1x1x16xf32>,
      %get3A_744 = vector.shape_cast %get3A_743 : vector<1x1x16xf32> to vector<16xf32>
      %swap3A_745 = arith.constant 1 : i32
      %swap3A_746 = arith.index_cast %swap3A_745 : i32 to index
      %swap3A_747 = arith.index_cast %add3A_684 : i32 to index
      %swap3A_748 = arith.constant 16 : index
      %swap3A_749 = tpu.vector_load %arg8[%swap3A_746, %swap3A_747, %swap3A_748] {strides = array<i32>} : memref<2x64x128xf32, #tpu.memory_space<vmem>>, vector<1x1x16xf32>,
      %swap3A_750 = vector.shape_cast %swap3A_749 : vector<1x1x16xf32> to vector<16xf32>
      %swap3A_751 = vector.shape_cast %get3A_744 : vector<16xf32> to vector<1x1x16xf32>
      tpu.vector_store %arg8[%swap3A_746, %swap3A_747, %swap3A_748], %swap3A_751 {strides = array<i32>} : memref<2x64x128xf32, #tpu.memory_space<vmem>>, vector<1x1x16xf32>,
      %get3A_752 = arith.constant 1 : i32
      %get3A_753 = arith.index_cast %get3A_752 : i32 to index
      %get3A_754 = arith.index_cast %add3A_688 : i32 to index
      %get3A_755 = arith.constant 16 : index
      %get3A_756 = tpu.vector_load %arg7[%get3A_753, %get3A_754, %get3A_755] {strides = array<i32>} : memref<2x128x128xf32, #tpu.memory_space<vmem>>, vector<1x1x16xf32>,
      %get3A_757 = vector.shape_cast %get3A_756 : vector<1x1x16xf32> to vector<16xf32>
      %swap3A_758 = arith.constant 1 : i32
      %swap3A_759 = arith.index_cast %swap3A_758 : i32 to index
      %swap3A_760 = arith.index_cast %add3A_684 : i32 to index
      %swap3A_761 = arith.constant 80 : index
      %swap3A_762 = tpu.vector_load %arg8[%swap3A_759, %swap3A_760, %swap3A_761] {strides = array<i32>} : memref<2x64x128xf32, #tpu.memory_space<vmem>>, vector<1x1x16xf32>,
      %swap3A_763 = vector.shape_cast %swap3A_762 : vector<1x1x16xf32> to vector<16xf32>
      %swap3A_764 = vector.shape_cast %get3A_757 : vector<16xf32> to vector<1x1x16xf32>
      tpu.vector_store %arg8[%swap3A_759, %swap3A_760, %swap3A_761], %swap3A_764 {strides = array<i32>} : memref<2x64x128xf32, #tpu.memory_space<vmem>>, vector<1x1x16xf32>,
      %get3A_765 = arith.constant 1 : i32
      %get3A_766 = arith.index_cast %get3A_765 : i32 to index
      %get3A_767 = arith.index_cast %mul3A_686 : i32 to index
      %get3A_768 = arith.constant 80 : index
      %get3A_769 = tpu.vector_load %arg7[%get3A_766, %get3A_767, %get3A_768] {strides = array<i32>} : memref<2x128x128xf32, #tpu.memory_space<vmem>>, vector<1x1x16xf32>,
      %get3A_770 = vector.shape_cast %get3A_769 : vector<1x1x16xf32> to vector<16xf32>
      %swap3A_771 = arith.constant 1 : i32
      %swap3A_772 = arith.index_cast %swap3A_771 : i32 to index
      %swap3A_773 = arith.index_cast %add3A_684 : i32 to index
      %swap3A_774 = arith.constant 16 : index
      %swap3A_775 = tpu.vector_load %arg9[%swap3A_772, %swap3A_773, %swap3A_774] {strides = array<i32>} : memref<2x64x128xf32, #tpu.memory_space<vmem>>, vector<1x1x16xf32>,
      %swap3A_776 = vector.shape_cast %swap3A_775 : vector<1x1x16xf32> to vector<16xf32>
      %swap3A_777 = vector.shape_cast %get3A_770 : vector<16xf32> to vector<1x1x16xf32>
      tpu.vector_store %arg9[%swap3A_772, %swap3A_773, %swap3A_774], %swap3A_777 {strides = array<i32>} : memref<2x64x128xf32, #tpu.memory_space<vmem>>, vector<1x1x16xf32>,
      %get3A_778 = arith.constant 1 : i32
      %get3A_779 = arith.index_cast %get3A_778 : i32 to index
      %get3A_780 = arith.index_cast %add3A_688 : i32 to index
      %get3A_781 = arith.constant 80 : index
      %get3A_782 = tpu.vector_load %arg7[%get3A_779, %get3A_780, %get3A_781] {strides = array<i32>} : memref<2x128x128xf32, #tpu.memory_space<vmem>>, vector<1x1x16xf32>,
      %get3A_783 = vector.shape_cast %get3A_782 : vector<1x1x16xf32> to vector<16xf32>
      %swap3A_784 = arith.constant 1 : i32
      %swap3A_785 = arith.index_cast %swap3A_784 : i32 to index
      %swap3A_786 = arith.index_cast %add3A_684 : i32 to index
      %swap3A_787 = arith.constant 80 : index
      %swap3A_788 = tpu.vector_load %arg9[%swap3A_785, %swap3A_786, %swap3A_787] {strides = array<i32>} : memref<2x64x128xf32, #tpu.memory_space<vmem>>, vector<1x1x16xf32>,
      %swap3A_789 = vector.shape_cast %swap3A_788 : vector<1x1x16xf32> to vector<16xf32>
      %swap3A_790 = vector.shape_cast %get3A_783 : vector<16xf32> to vector<1x1x16xf32>
      tpu.vector_store %arg9[%swap3A_785, %swap3A_786, %swap3A_787], %swap3A_790 {strides = array<i32>} : memref<2x64x128xf32, #tpu.memory_space<vmem>>, vector<1x1x16xf32>,
      %get3A_791 = arith.constant 1 : i32
      %get3A_792 = arith.index_cast %get3A_791 : i32 to index
      %get3A_793 = arith.index_cast %mul3A_686 : i32 to index
      %get3A_794 = arith.constant 32 : index
      %get3A_795 = tpu.vector_load %arg7[%get3A_792, %get3A_793, %get3A_794] {strides = array<i32>} : memref<2x128x128xf32, #tpu.memory_space<vmem>>, vector<1x1x16xf32>,
      %get3A_796 = vector.shape_cast %get3A_795 : vector<1x1x16xf32> to vector<16xf32>
      %swap3A_797 = arith.constant 1 : i32
      %swap3A_798 = arith.index_cast %swap3A_797 : i32 to index
      %swap3A_799 = arith.index_cast %add3A_684 : i32 to index
      %swap3A_800 = arith.constant 32 : index
      %swap3A_801 = tpu.vector_load %arg8[%swap3A_798, %swap3A_799, %swap3A_800] {strides = array<i32>} : memref<2x64x128xf32, #tpu.memory_space<vmem>>, vector<1x1x16xf32>,
      %swap3A_802 = vector.shape_cast %swap3A_801 : vector<1x1x16xf32> to vector<16xf32>
      %swap3A_803 = vector.shape_cast %get3A_796 : vector<16xf32> to vector<1x1x16xf32>
      tpu.vector_store %arg8[%swap3A_798, %swap3A_799, %swap3A_800], %swap3A_803 {strides = array<i32>} : memref<2x64x128xf32, #tpu.memory_space<vmem>>, vector<1x1x16xf32>,
      %get3A_804 = arith.constant 1 : i32
      %get3A_805 = arith.index_cast %get3A_804 : i32 to index
      %get3A_806 = arith.index_cast %add3A_688 : i32 to index
      %get3A_807 = arith.constant 32 : index
      %get3A_808 = tpu.vector_load %arg7[%get3A_805, %get3A_806, %get3A_807] {strides = array<i32>} : memref<2x128x128xf32, #tpu.memory_space<vmem>>, vector<1x1x16xf32>,
      %get3A_809 = vector.shape_cast %get3A_808 : vector<1x1x16xf32> to vector<16xf32>
      %swap3A_810 = arith.constant 1 : i32
      %swap3A_811 = arith.index_cast %swap3A_810 : i32 to index
      %swap3A_812 = arith.index_cast %add3A_684 : i32 to index
      %swap3A_813 = arith.constant 96 : index
      %swap3A_814 = tpu.vector_load %arg8[%swap3A_811, %swap3A_812, %swap3A_813] {strides = array<i32>} : memref<2x64x128xf32, #tpu.memory_space<vmem>>, vector<1x1x16xf32>,
      %swap3A_815 = vector.shape_cast %swap3A_814 : vector<1x1x16xf32> to vector<16xf32>
      %swap3A_816 = vector.shape_cast %get3A_809 : vector<16xf32> to vector<1x1x16xf32>
      tpu.vector_store %arg8[%swap3A_811, %swap3A_812, %swap3A_813], %swap3A_816 {strides = array<i32>} : memref<2x64x128xf32, #tpu.memory_space<vmem>>, vector<1x1x16xf32>,
      %get3A_817 = arith.constant 1 : i32
      %get3A_818 = arith.index_cast %get3A_817 : i32 to index
      %get3A_819 = arith.index_cast %mul3A_686 : i32 to index
      %get3A_820 = arith.constant 96 : index
      %get3A_821 = tpu.vector_load %arg7[%get3A_818, %get3A_819, %get3A_820] {strides = array<i32>} : memref<2x128x128xf32, #tpu.memory_space<vmem>>, vector<1x1x16xf32>,
      %get3A_822 = vector.shape_cast %get3A_821 : vector<1x1x16xf32> to vector<16xf32>
      %swap3A_823 = arith.constant 1 : i32
      %swap3A_824 = arith.index_cast %swap3A_823 : i32 to index
      %swap3A_825 = arith.index_cast %add3A_684 : i32 to index
      %swap3A_826 = arith.constant 32 : index
      %swap3A_827 = tpu.vector_load %arg9[%swap3A_824, %swap3A_825, %swap3A_826] {strides = array<i32>} : memref<2x64x128xf32, #tpu.memory_space<vmem>>, vector<1x1x16xf32>,
      %swap3A_828 = vector.shape_cast %swap3A_827 : vector<1x1x16xf32> to vector<16xf32>
      %swap3A_829 = vector.shape_cast %get3A_822 : vector<16xf32> to vector<1x1x16xf32>
      tpu.vector_store %arg9[%swap3A_824, %swap3A_825, %swap3A_826], %swap3A_829 {strides = array<i32>} : memref<2x64x128xf32, #tpu.memory_space<vmem>>, vector<1x1x16xf32>,
      %get3A_830 = arith.constant 1 : i32
      %get3A_831 = arith.index_cast %get3A_830 : i32 to index
      %get3A_832 = arith.index_cast %add3A_688 : i32 to index
      %get3A_833 = arith.constant 96 : index
      %get3A_834 = tpu.vector_load %arg7[%get3A_831, %get3A_832, %get3A_833] {strides = array<i32>} : memref<2x128x128xf32, #tpu.memory_space<vmem>>, vector<1x1x16xf32>,
      %get3A_835 = vector.shape_cast %get3A_834 : vector<1x1x16xf32> to vector<16xf32>
      %swap3A_836 = arith.constant 1 : i32
      %swap3A_837 = arith.index_cast %swap3A_836 : i32 to index
      %swap3A_838 = arith.index_cast %add3A_684 : i32 to index
      %swap3A_839 = arith.constant 96 : index
      %swap3A_840 = tpu.vector_load %arg9[%swap3A_837, %swap3A_838, %swap3A_839] {strides = array<i32>} : memref<2x64x128xf32, #tpu.memory_space<vmem>>, vector<1x1x16xf32>,
      %swap3A_841 = vector.shape_cast %swap3A_840 : vector<1x1x16xf32> to vector<16xf32>
      %swap3A_842 = vector.shape_cast %get3A_835 : vector<16xf32> to vector<1x1x16xf32>
      tpu.vector_store %arg9[%swap3A_837, %swap3A_838, %swap3A_839], %swap3A_842 {strides = array<i32>} : memref<2x64x128xf32, #tpu.memory_space<vmem>>, vector<1x1x16xf32>,
      %get3A_843 = arith.constant 1 : i32
      %get3A_844 = arith.index_cast %get3A_843 : i32 to index
      %get3A_845 = arith.index_cast %mul3A_686 : i32 to index
      %get3A_846 = arith.constant 48 : index
      %get3A_847 = tpu.vector_load %arg7[%get3A_844, %get3A_845, %get3A_846] {strides = array<i32>} : memref<2x128x128xf32, #tpu.memory_space<vmem>>, vector<1x1x16xf32>,
      %get3A_848 = vector.shape_cast %get3A_847 : vector<1x1x16xf32> to vector<16xf32>
      %swap3A_849 = arith.constant 1 : i32
      %swap3A_850 = arith.index_cast %swap3A_849 : i32 to index
      %swap3A_851 = arith.index_cast %add3A_684 : i32 to index
      %swap3A_852 = arith.constant 48 : index
      %swap3A_853 = tpu.vector_load %arg8[%swap3A_850, %swap3A_851, %swap3A_852] {strides = array<i32>} : memref<2x64x128xf32, #tpu.memory_space<vmem>>, vector<1x1x16xf32>,
      %swap3A_854 = vector.shape_cast %swap3A_853 : vector<1x1x16xf32> to vector<16xf32>
      %swap3A_855 = vector.shape_cast %get3A_848 : vector<16xf32> to vector<1x1x16xf32>
      tpu.vector_store %arg8[%swap3A_850, %swap3A_851, %swap3A_852], %swap3A_855 {strides = array<i32>} : memref<2x64x128xf32, #tpu.memory_space<vmem>>, vector<1x1x16xf32>,
      %get3A_856 = arith.constant 1 : i32
      %get3A_857 = arith.index_cast %get3A_856 : i32 to index
      %get3A_858 = arith.index_cast %add3A_688 : i32 to index
      %get3A_859 = arith.constant 48 : index
      %get3A_860 = tpu.vector_load %arg7[%get3A_857, %get3A_858, %get3A_859] {strides = array<i32>} : memref<2x128x128xf32, #tpu.memory_space<vmem>>, vector<1x1x16xf32>,
      %get3A_861 = vector.shape_cast %get3A_860 : vector<1x1x16xf32> to vector<16xf32>
      %swap3A_862 = arith.constant 1 : i32
      %swap3A_863 = arith.index_cast %swap3A_862 : i32 to index
      %swap3A_864 = arith.index_cast %add3A_684 : i32 to index
      %swap3A_865 = arith.constant 112 : index
      %swap3A_866 = tpu.vector_load %arg8[%swap3A_863, %swap3A_864, %swap3A_865] {strides = array<i32>} : memref<2x64x128xf32, #tpu.memory_space<vmem>>, vector<1x1x16xf32>,
      %swap3A_867 = vector.shape_cast %swap3A_866 : vector<1x1x16xf32> to vector<16xf32>
      %swap3A_868 = vector.shape_cast %get3A_861 : vector<16xf32> to vector<1x1x16xf32>
      tpu.vector_store %arg8[%swap3A_863, %swap3A_864, %swap3A_865], %swap3A_868 {strides = array<i32>} : memref<2x64x128xf32, #tpu.memory_space<vmem>>, vector<1x1x16xf32>,
      %get3A_869 = arith.constant 1 : i32
      %get3A_870 = arith.index_cast %get3A_869 : i32 to index
      %get3A_871 = arith.index_cast %mul3A_686 : i32 to index
      %get3A_872 = arith.constant 112 : index
      %get3A_873 = tpu.vector_load %arg7[%get3A_870, %get3A_871, %get3A_872] {strides = array<i32>} : memref<2x128x128xf32, #tpu.memory_space<vmem>>, vector<1x1x16xf32>,
      %get3A_874 = vector.shape_cast %get3A_873 : vector<1x1x16xf32> to vector<16xf32>
      %swap3A_875 = arith.constant 1 : i32
      %swap3A_876 = arith.index_cast %swap3A_875 : i32 to index
      %swap3A_877 = arith.index_cast %add3A_684 : i32 to index
      %swap3A_878 = arith.constant 48 : index
      %swap3A_879 = tpu.vector_load %arg9[%swap3A_876, %swap3A_877, %swap3A_878] {strides = array<i32>} : memref<2x64x128xf32, #tpu.memory_space<vmem>>, vector<1x1x16xf32>,
      %swap3A_880 = vector.shape_cast %swap3A_879 : vector<1x1x16xf32> to vector<16xf32>
      %swap3A_881 = vector.shape_cast %get3A_874 : vector<16xf32> to vector<1x1x16xf32>
      tpu.vector_store %arg9[%swap3A_876, %swap3A_877, %swap3A_878], %swap3A_881 {strides = array<i32>} : memref<2x64x128xf32, #tpu.memory_space<vmem>>, vector<1x1x16xf32>,
      %get3A_882 = arith.constant 1 : i32
      %get3A_883 = arith.index_cast %get3A_882 : i32 to index
      %get3A_884 = arith.index_cast %add3A_688 : i32 to index
      %get3A_885 = arith.constant 112 : index
      %get3A_886 = tpu.vector_load %arg7[%get3A_883, %get3A_884, %get3A_885] {strides = array<i32>} : memref<2x128x128xf32, #tpu.memory_space<vmem>>, vector<1x1x16xf32>,
      %get3A_887 = vector.shape_cast %get3A_886 : vector<1x1x16xf32> to vector<16xf32>
      %swap3A_888 = arith.constant 1 : i32
      %swap3A_889 = arith.index_cast %swap3A_888 : i32 to index
      %swap3A_890 = arith.index_cast %add3A_684 : i32 to index
      %swap3A_891 = arith.constant 112 : index
      %swap3A_892 = tpu.vector_load %arg9[%swap3A_889, %swap3A_890, %swap3A_891] {strides = array<i32>} : memref<2x64x128xf32, #tpu.memory_space<vmem>>, vector<1x1x16xf32>,
      %swap3A_893 = vector.shape_cast %swap3A_892 : vector<1x1x16xf32> to vector<16xf32>
      %swap3A_894 = vector.shape_cast %get3A_887 : vector<16xf32> to vector<1x1x16xf32>
      tpu.vector_store %arg9[%swap3A_889, %swap3A_890, %swap3A_891], %swap3A_894 {strides = array<i32>} : memref<2x64x128xf32, #tpu.memory_space<vmem>>, vector<1x1x16xf32>,
    }
    %scan3A_439 = arith.constant 64 : i32
    %add3A_440 = arith.constant 5 : i32
    %add3A_441 = arith.addi %mul3A_2, %add3A_440 : i32
    %mul3A_442 = arith.constant 64 : i32
    %mul3A_443 = arith.muli %add3A_441, %mul3A_442 : i32
    %dma_start3A_444 = arith.constant 1 : i32
    %dma_start3A_445 = arith.constant 0 : i32
    %dma_start3A_446 = arith.constant 0 : i32
    %dma_start3A_447 = tpu.memref_slice %arg8[%dma_start3A_444, %dma_start3A_445, %dma_start3A_446] : memref<2x64x128xf32, #tpu.memory_space<vmem>> -> memref<1x64x128xf32, #tpu.memory_space<vmem>>
    %dma_start3A_448 = tpu.memref_squeeze %dma_start3A_447 : memref<1x64x128xf32, #tpu.memory_space<vmem>> -> memref<64x128xf32, #tpu.memory_space<vmem>>
    %dma_start3A_449 = arith.constant 0 : i32
    %dma_start3A_450 = tpu.memref_slice %arg4[%mul3A_443, %dma_start3A_449] : memref<16384x128xf32, #tpu.memory_space<hbm>> -> memref<64x128xf32, #tpu.memory_space<hbm>>
    %dma_start3A_451 = arith.constant 0 : i32
    %dma_start3A_452 = tpu.memref_slice %arg4[%mul3A_443, %dma_start3A_451] : memref<16384x128xf32, #tpu.memory_space<hbm>> -> memref<64x128xf32, #tpu.memory_space<hbm>>
    %dma_start3A_453 = arith.constant 0 : i32
    %dma_start3A_454 = arith.constant 0 : i32
    %dma_start3A_455 = tpu.memref_slice %arg8[%dma_start3A_444, %dma_start3A_453, %dma_start3A_454] : memref<2x64x128xf32, #tpu.memory_space<vmem>> -> memref<1x64x128xf32, #tpu.memory_space<vmem>>
    %dma_start3A_456 = tpu.memref_squeeze %dma_start3A_455 : memref<1x64x128xf32, #tpu.memory_space<vmem>> -> memref<64x128xf32, #tpu.memory_space<vmem>>
    tpu.enqueue_dma source(%dma_start3A_456 : memref<64x128xf32, #tpu.memory_space<vmem>>) target(%dma_start3A_452 : memref<64x128xf32, #tpu.memory_space<hbm>>) target_semaphore(%arg11 : memref<!tpu.dma_semaphore, #tpu.memory_space<semaphore_mem>>)
    %dma_start3A_457 = arith.constant 1 : i32
    %dma_start3A_458 = arith.constant 0 : i32
    %dma_start3A_459 = arith.constant 0 : i32
    %dma_start3A_460 = tpu.memref_slice %arg9[%dma_start3A_457, %dma_start3A_458, %dma_start3A_459] : memref<2x64x128xf32, #tpu.memory_space<vmem>> -> memref<1x64x128xf32, #tpu.memory_space<vmem>>
    %dma_start3A_461 = tpu.memref_squeeze %dma_start3A_460 : memref<1x64x128xf32, #tpu.memory_space<vmem>> -> memref<64x128xf32, #tpu.memory_space<vmem>>
    %dma_start3A_462 = arith.constant 0 : i32
    %dma_start3A_463 = tpu.memref_slice %arg5[%mul3A_443, %dma_start3A_462] : memref<16384x128xf32, #tpu.memory_space<hbm>> -> memref<64x128xf32, #tpu.memory_space<hbm>>
    %dma_start3A_464 = arith.constant 0 : i32
    %dma_start3A_465 = tpu.memref_slice %arg5[%mul3A_443, %dma_start3A_464] : memref<16384x128xf32, #tpu.memory_space<hbm>> -> memref<64x128xf32, #tpu.memory_space<hbm>>
    %dma_start3A_466 = arith.constant 0 : i32
    %dma_start3A_467 = arith.constant 0 : i32
    %dma_start3A_468 = tpu.memref_slice %arg9[%dma_start3A_457, %dma_start3A_466, %dma_start3A_467] : memref<2x64x128xf32, #tpu.memory_space<vmem>> -> memref<1x64x128xf32, #tpu.memory_space<vmem>>
    %dma_start3A_469 = tpu.memref_squeeze %dma_start3A_468 : memref<1x64x128xf32, #tpu.memory_space<vmem>> -> memref<64x128xf32, #tpu.memory_space<vmem>>
    tpu.enqueue_dma source(%dma_start3A_469 : memref<64x128xf32, #tpu.memory_space<vmem>>) target(%dma_start3A_465 : memref<64x128xf32, #tpu.memory_space<hbm>>) target_semaphore(%arg12 : memref<!tpu.dma_semaphore, #tpu.memory_space<semaphore_mem>>)
    %dma_wait3A_470 = arith.constant 6 : i32
    %dma_wait3A_471 = arith.constant 0 : i32
    %dma_wait3A_472 = arith.constant 0 : i32
    %dma_wait3A_473 = arith.constant 0 : i32
    %dma_wait3A_474 = tpu.memref_slice %arg7[%dma_wait3A_471, %dma_wait3A_472, %dma_wait3A_473] : memref<2x128x128xf32, #tpu.memory_space<vmem>> -> memref<1x128x128xf32, #tpu.memory_space<vmem>>
    %dma_wait3A_475 = tpu.memref_squeeze %dma_wait3A_474 : memref<1x128x128xf32, #tpu.memory_space<vmem>> -> memref<128x128xf32, #tpu.memory_space<vmem>>
    %dma_wait3A_476 = arith.constant 0 : i32
    %dma_wait3A_477 = tpu.memref_slice %arg6[%dma_wait3A_470, %dma_wait3A_476] : memref<8x128xi32, #tpu.memory_space<vmem>> -> memref<1x128xi32, #tpu.memory_space<vmem>>
    %dma_wait3A_478 = tpu.memref_squeeze %dma_wait3A_477 : memref<1x128xi32, #tpu.memory_space<vmem>> -> memref<128xi32, #tpu.memory_space<vmem>>
    %dma_wait3A_479 = arith.constant 0 : i32
    %dma_wait3A_480 = arith.constant 0 : i32
    %dma_wait3A_481 = tpu.memref_slice %arg3[%dma_wait3A_479, %dma_wait3A_480] : memref<8192x128xf32, #tpu.memory_space<hbm>> -> memref<8192x128xf32, #tpu.memory_space<hbm>>
    tpu.wait_indirect_dma semaphore(%arg10 : memref<!tpu.dma_semaphore, #tpu.memory_space<semaphore_mem>>) src(%dma_wait3A_481 : memref<8192x128xf32, #tpu.memory_space<hbm>>) dst(%dma_wait3A_475 : memref<128x128xf32, #tpu.memory_space<vmem>>)
    %dma_start3A_482 = arith.constant 7 : i32
    %dma_start3A_483 = arith.constant 1 : i32
    %dma_start3A_484 = arith.constant 0 : i32
    %dma_start3A_485 = arith.constant 0 : i32
    %dma_start3A_486 = tpu.memref_slice %arg7[%dma_start3A_483, %dma_start3A_484, %dma_start3A_485] : memref<2x128x128xf32, #tpu.memory_space<vmem>> -> memref<1x128x128xf32, #tpu.memory_space<vmem>>
    %dma_start3A_487 = tpu.memref_squeeze %dma_start3A_486 : memref<1x128x128xf32, #tpu.memory_space<vmem>> -> memref<128x128xf32, #tpu.memory_space<vmem>>
    %dma_start3A_488 = arith.constant 0 : i32
    %dma_start3A_489 = tpu.memref_slice %arg6[%dma_start3A_482, %dma_start3A_488] : memref<8x128xi32, #tpu.memory_space<vmem>> -> memref<1x128xi32, #tpu.memory_space<vmem>>
    %dma_start3A_490 = tpu.memref_squeeze %dma_start3A_489 : memref<1x128xi32, #tpu.memory_space<vmem>> -> memref<128xi32, #tpu.memory_space<vmem>>
    %dma_start3A_491 = arith.constant 0 : i32
    %dma_start3A_492 = arith.constant 0 : i32
    %dma_start3A_493 = tpu.memref_slice %arg3[%dma_start3A_491, %dma_start3A_492] : memref<8192x128xf32, #tpu.memory_space<hbm>> -> memref<8192x128xf32, #tpu.memory_space<hbm>>
    tpu.enqueue_indirect_dma source(%dma_start3A_493 : memref<8192x128xf32, #tpu.memory_space<hbm>>) target(%dma_start3A_487 : memref<128x128xf32, #tpu.memory_space<vmem>>) offsets(%dma_start3A_490 : memref<128xi32, #tpu.memory_space<vmem>>) semaphore(%arg10 : memref<!tpu.dma_semaphore, #tpu.memory_space<semaphore_mem>>)
    %dma_wait3A_494 = arith.constant 0 : i32
    %dma_wait3A_495 = arith.constant 0 : i32
    %dma_wait3A_496 = arith.constant 0 : i32
    %dma_wait3A_497 = tpu.memref_slice %arg8[%dma_wait3A_494, %dma_wait3A_495, %dma_wait3A_496] : memref<2x64x128xf32, #tpu.memory_space<vmem>> -> memref<1x64x128xf32, #tpu.memory_space<vmem>>
    %dma_wait3A_498 = tpu.memref_squeeze %dma_wait3A_497 : memref<1x64x128xf32, #tpu.memory_space<vmem>> -> memref<64x128xf32, #tpu.memory_space<vmem>>
    %dma_wait3A_499 = arith.constant 0 : i32
    %dma_wait3A_500 = tpu.memref_slice %arg4[%mul3A_358, %dma_wait3A_499] : memref<16384x128xf32, #tpu.memory_space<hbm>> -> memref<64x128xf32, #tpu.memory_space<hbm>>
    %dma_wait3A_501 = arith.constant 0 : i32
    %dma_wait3A_502 = tpu.memref_slice %arg4[%mul3A_358, %dma_wait3A_501] : memref<16384x128xf32, #tpu.memory_space<hbm>> -> memref<64x128xf32, #tpu.memory_space<hbm>>
    %dma_wait3A_503 = arith.constant 0 : i32
    %dma_wait3A_504 = arith.constant 0 : i32
    %dma_wait3A_505 = tpu.memref_slice %arg8[%dma_wait3A_494, %dma_wait3A_503, %dma_wait3A_504] : memref<2x64x128xf32, #tpu.memory_space<vmem>> -> memref<1x64x128xf32, #tpu.memory_space<vmem>>
    %dma_wait3A_506 = tpu.memref_squeeze %dma_wait3A_505 : memref<1x64x128xf32, #tpu.memory_space<vmem>> -> memref<64x128xf32, #tpu.memory_space<vmem>>
    tpu.wait_dma2 semaphore(%arg11 : memref<!tpu.dma_semaphore, #tpu.memory_space<semaphore_mem>>) src(%dma_wait3A_506 : memref<64x128xf32, #tpu.memory_space<vmem>>) dst(%dma_wait3A_502 : memref<64x128xf32, #tpu.memory_space<hbm>>)
    %dma_wait3A_507 = arith.constant 0 : i32
    %dma_wait3A_508 = arith.constant 0 : i32
    %dma_wait3A_509 = arith.constant 0 : i32
    %dma_wait3A_510 = tpu.memref_slice %arg9[%dma_wait3A_507, %dma_wait3A_508, %dma_wait3A_509] : memref<2x64x128xf32, #tpu.memory_space<vmem>> -> memref<1x64x128xf32, #tpu.memory_space<vmem>>
    %dma_wait3A_511 = tpu.memref_squeeze %dma_wait3A_510 : memref<1x64x128xf32, #tpu.memory_space<vmem>> -> memref<64x128xf32, #tpu.memory_space<vmem>>
    %dma_wait3A_512 = arith.constant 0 : i32
    %dma_wait3A_513 = tpu.memref_slice %arg5[%mul3A_358, %dma_wait3A_512] : memref<16384x128xf32, #tpu.memory_space<hbm>> -> memref<64x128xf32, #tpu.memory_space<hbm>>
    %dma_wait3A_514 = arith.constant 0 : i32
    %dma_wait3A_515 = tpu.memref_slice %arg5[%mul3A_358, %dma_wait3A_514] : memref<16384x128xf32, #tpu.memory_space<hbm>> -> memref<64x128xf32, #tpu.memory_space<hbm>>
    %dma_wait3A_516 = arith.constant 0 : i32
    %dma_wait3A_517 = arith.constant 0 : i32
    %dma_wait3A_518 = tpu.memref_slice %arg9[%dma_wait3A_507, %dma_wait3A_516, %dma_wait3A_517] : memref<2x64x128xf32, #tpu.memory_space<vmem>> -> memref<1x64x128xf32, #tpu.memory_space<vmem>>
    %dma_wait3A_519 = tpu.memref_squeeze %dma_wait3A_518 : memref<1x64x128xf32, #tpu.memory_space<vmem>> -> memref<64x128xf32, #tpu.memory_space<vmem>>
    tpu.wait_dma2 semaphore(%arg12 : memref<!tpu.dma_semaphore, #tpu.memory_space<semaphore_mem>>) src(%dma_wait3A_519 : memref<64x128xf32, #tpu.memory_space<vmem>>) dst(%dma_wait3A_515 : memref<64x128xf32, #tpu.memory_space<hbm>>)
    %scan3A_520 = arith.constant 0 : i32
    %scan3A_521 = arith.constant 64 : i32
    %scan3A_522 = arith.addi %scan3A_520, %scan3A_521 : i32
    %scan3A_523 = arith.constant 1 : i32
    scf.for %scan3A_680 = %scan3A_520 to %scan3A_522 step %scan3A_523  : i32 {
      %mul3A_681 = arith.constant 1 : i32
      %mul3A_682 = arith.muli %scan3A_680, %mul3A_681 : i32
      %add3A_683 = arith.constant 0 : i32
      %add3A_684 = arith.addi %add3A_683, %mul3A_682 : i32
      %mul3A_685 = arith.constant 2 : i32
      %mul3A_686 = arith.muli %mul3A_685, %add3A_684 : i32
      %add3A_687 = arith.constant 1 : i32
      %add3A_688 = arith.addi %mul3A_686, %add3A_687 : i32
      %get3A = arith.constant 0 : i32
      %get3A_689 = arith.index_cast %get3A : i32 to index
      %get3A_690 = arith.index_cast %mul3A_686 : i32 to index
      %get3A_691 = arith.constant 0 : index
      %get3A_692 = tpu.vector_load %arg7[%get3A_689, %get3A_690, %get3A_691] {strides = array<i32>} : memref<2x128x128xf32, #tpu.memory_space<vmem>>, vector<1x1x16xf32>,
      %get3A_693 = vector.shape_cast %get3A_692 : vector<1x1x16xf32> to vector<16xf32>
      %swap3A = arith.constant 0 : i32
      %swap3A_694 = arith.index_cast %swap3A : i32 to index
      %swap3A_695 = arith.index_cast %add3A_684 : i32 to index
      %swap3A_696 = arith.constant 0 : index
      %swap3A_697 = tpu.vector_load %arg8[%swap3A_694, %swap3A_695, %swap3A_696] {strides = array<i32>} : memref<2x64x128xf32, #tpu.memory_space<vmem>>, vector<1x1x16xf32>,
      %swap3A_698 = vector.shape_cast %swap3A_697 : vector<1x1x16xf32> to vector<16xf32>
      %swap3A_699 = vector.shape_cast %get3A_693 : vector<16xf32> to vector<1x1x16xf32>
      tpu.vector_store %arg8[%swap3A_694, %swap3A_695, %swap3A_696], %swap3A_699 {strides = array<i32>} : memref<2x64x128xf32, #tpu.memory_space<vmem>>, vector<1x1x16xf32>,
      %get3A_700 = arith.constant 0 : i32
      %get3A_701 = arith.index_cast %get3A_700 : i32 to index
      %get3A_702 = arith.index_cast %add3A_688 : i32 to index
      %get3A_703 = arith.constant 0 : index
      %get3A_704 = tpu.vector_load %arg7[%get3A_701, %get3A_702, %get3A_703] {strides = array<i32>} : memref<2x128x128xf32, #tpu.memory_space<vmem>>, vector<1x1x16xf32>,
      %get3A_705 = vector.shape_cast %get3A_704 : vector<1x1x16xf32> to vector<16xf32>
      %swap3A_706 = arith.constant 0 : i32
      %swap3A_707 = arith.index_cast %swap3A_706 : i32 to index
      %swap3A_708 = arith.index_cast %add3A_684 : i32 to index
      %swap3A_709 = arith.constant 64 : index
      %swap3A_710 = tpu.vector_load %arg8[%swap3A_707, %swap3A_708, %swap3A_709] {strides = array<i32>} : memref<2x64x128xf32, #tpu.memory_space<vmem>>, vector<1x1x16xf32>,
      %swap3A_711 = vector.shape_cast %swap3A_710 : vector<1x1x16xf32> to vector<16xf32>
      %swap3A_712 = vector.shape_cast %get3A_705 : vector<16xf32> to vector<1x1x16xf32>
      tpu.vector_store %arg8[%swap3A_707, %swap3A_708, %swap3A_709], %swap3A_712 {strides = array<i32>} : memref<2x64x128xf32, #tpu.memory_space<vmem>>, vector<1x1x16xf32>,
      %get3A_713 = arith.constant 0 : i32
      %get3A_714 = arith.index_cast %get3A_713 : i32 to index
      %get3A_715 = arith.index_cast %mul3A_686 : i32 to index
      %get3A_716 = arith.constant 64 : index
      %get3A_717 = tpu.vector_load %arg7[%get3A_714, %get3A_715, %get3A_716] {strides = array<i32>} : memref<2x128x128xf32, #tpu.memory_space<vmem>>, vector<1x1x16xf32>,
      %get3A_718 = vector.shape_cast %get3A_717 : vector<1x1x16xf32> to vector<16xf32>
      %swap3A_719 = arith.constant 0 : i32
      %swap3A_720 = arith.index_cast %swap3A_719 : i32 to index
      %swap3A_721 = arith.index_cast %add3A_684 : i32 to index
      %swap3A_722 = arith.constant 0 : index
      %swap3A_723 = tpu.vector_load %arg9[%swap3A_720, %swap3A_721, %swap3A_722] {strides = array<i32>} : memref<2x64x128xf32, #tpu.memory_space<vmem>>, vector<1x1x16xf32>,
      %swap3A_724 = vector.shape_cast %swap3A_723 : vector<1x1x16xf32> to vector<16xf32>
      %swap3A_725 = vector.shape_cast %get3A_718 : vector<16xf32> to vector<1x1x16xf32>
      tpu.vector_store %arg9[%swap3A_720, %swap3A_721, %swap3A_722], %swap3A_725 {strides = array<i32>} : memref<2x64x128xf32, #tpu.memory_space<vmem>>, vector<1x1x16xf32>,
      %get3A_726 = arith.constant 0 : i32
      %get3A_727 = arith.index_cast %get3A_726 : i32 to index
      %get3A_728 = arith.index_cast %add3A_688 : i32 to index
      %get3A_729 = arith.constant 64 : index
      %get3A_730 = tpu.vector_load %arg7[%get3A_727, %get3A_728, %get3A_729] {strides = array<i32>} : memref<2x128x128xf32, #tpu.memory_space<vmem>>, vector<1x1x16xf32>,
      %get3A_731 = vector.shape_cast %get3A_730 : vector<1x1x16xf32> to vector<16xf32>
      %swap3A_732 = arith.constant 0 : i32
      %swap3A_733 = arith.index_cast %swap3A_732 : i32 to index
      %swap3A_734 = arith.index_cast %add3A_684 : i32 to index
      %swap3A_735 = arith.constant 64 : index
      %swap3A_736 = tpu.vector_load %arg9[%swap3A_733, %swap3A_734, %swap3A_735] {strides = array<i32>} : memref<2x64x128xf32, #tpu.memory_space<vmem>>, vector<1x1x16xf32>,
      %swap3A_737 = vector.shape_cast %swap3A_736 : vector<1x1x16xf32> to vector<16xf32>
      %swap3A_738 = vector.shape_cast %get3A_731 : vector<16xf32> to vector<1x1x16xf32>
      tpu.vector_store %arg9[%swap3A_733, %swap3A_734, %swap3A_735], %swap3A_738 {strides = array<i32>} : memref<2x64x128xf32, #tpu.memory_space<vmem>>, vector<1x1x16xf32>,
      %get3A_739 = arith.constant 0 : i32
      %get3A_740 = arith.index_cast %get3A_739 : i32 to index
      %get3A_741 = arith.index_cast %mul3A_686 : i32 to index
      %get3A_742 = arith.constant 16 : index
      %get3A_743 = tpu.vector_load %arg7[%get3A_740, %get3A_741, %get3A_742] {strides = array<i32>} : memref<2x128x128xf32, #tpu.memory_space<vmem>>, vector<1x1x16xf32>,
      %get3A_744 = vector.shape_cast %get3A_743 : vector<1x1x16xf32> to vector<16xf32>
      %swap3A_745 = arith.constant 0 : i32
      %swap3A_746 = arith.index_cast %swap3A_745 : i32 to index
      %swap3A_747 = arith.index_cast %add3A_684 : i32 to index
      %swap3A_748 = arith.constant 16 : index
      %swap3A_749 = tpu.vector_load %arg8[%swap3A_746, %swap3A_747, %swap3A_748] {strides = array<i32>} : memref<2x64x128xf32, #tpu.memory_space<vmem>>, vector<1x1x16xf32>,
      %swap3A_750 = vector.shape_cast %swap3A_749 : vector<1x1x16xf32> to vector<16xf32>
      %swap3A_751 = vector.shape_cast %get3A_744 : vector<16xf32> to vector<1x1x16xf32>
      tpu.vector_store %arg8[%swap3A_746, %swap3A_747, %swap3A_748], %swap3A_751 {strides = array<i32>} : memref<2x64x128xf32, #tpu.memory_space<vmem>>, vector<1x1x16xf32>,
      %get3A_752 = arith.constant 0 : i32
      %get3A_753 = arith.index_cast %get3A_752 : i32 to index
      %get3A_754 = arith.index_cast %add3A_688 : i32 to index
      %get3A_755 = arith.constant 16 : index
      %get3A_756 = tpu.vector_load %arg7[%get3A_753, %get3A_754, %get3A_755] {strides = array<i32>} : memref<2x128x128xf32, #tpu.memory_space<vmem>>, vector<1x1x16xf32>,
      %get3A_757 = vector.shape_cast %get3A_756 : vector<1x1x16xf32> to vector<16xf32>
      %swap3A_758 = arith.constant 0 : i32
      %swap3A_759 = arith.index_cast %swap3A_758 : i32 to index
      %swap3A_760 = arith.index_cast %add3A_684 : i32 to index
      %swap3A_761 = arith.constant 80 : index
      %swap3A_762 = tpu.vector_load %arg8[%swap3A_759, %swap3A_760, %swap3A_761] {strides = array<i32>} : memref<2x64x128xf32, #tpu.memory_space<vmem>>, vector<1x1x16xf32>,
      %swap3A_763 = vector.shape_cast %swap3A_762 : vector<1x1x16xf32> to vector<16xf32>
      %swap3A_764 = vector.shape_cast %get3A_757 : vector<16xf32> to vector<1x1x16xf32>
      tpu.vector_store %arg8[%swap3A_759, %swap3A_760, %swap3A_761], %swap3A_764 {strides = array<i32>} : memref<2x64x128xf32, #tpu.memory_space<vmem>>, vector<1x1x16xf32>,
      %get3A_765 = arith.constant 0 : i32
      %get3A_766 = arith.index_cast %get3A_765 : i32 to index
      %get3A_767 = arith.index_cast %mul3A_686 : i32 to index
      %get3A_768 = arith.constant 80 : index
      %get3A_769 = tpu.vector_load %arg7[%get3A_766, %get3A_767, %get3A_768] {strides = array<i32>} : memref<2x128x128xf32, #tpu.memory_space<vmem>>, vector<1x1x16xf32>,
      %get3A_770 = vector.shape_cast %get3A_769 : vector<1x1x16xf32> to vector<16xf32>
      %swap3A_771 = arith.constant 0 : i32
      %swap3A_772 = arith.index_cast %swap3A_771 : i32 to index
      %swap3A_773 = arith.index_cast %add3A_684 : i32 to index
      %swap3A_774 = arith.constant 16 : index
      %swap3A_775 = tpu.vector_load %arg9[%swap3A_772, %swap3A_773, %swap3A_774] {strides = array<i32>} : memref<2x64x128xf32, #tpu.memory_space<vmem>>, vector<1x1x16xf32>,
      %swap3A_776 = vector.shape_cast %swap3A_775 : vector<1x1x16xf32> to vector<16xf32>
      %swap3A_777 = vector.shape_cast %get3A_770 : vector<16xf32> to vector<1x1x16xf32>
      tpu.vector_store %arg9[%swap3A_772, %swap3A_773, %swap3A_774], %swap3A_777 {strides = array<i32>} : memref<2x64x128xf32, #tpu.memory_space<vmem>>, vector<1x1x16xf32>,
      %get3A_778 = arith.constant 0 : i32
      %get3A_779 = arith.index_cast %get3A_778 : i32 to index
      %get3A_780 = arith.index_cast %add3A_688 : i32 to index
      %get3A_781 = arith.constant 80 : index
      %get3A_782 = tpu.vector_load %arg7[%get3A_779, %get3A_780, %get3A_781] {strides = array<i32>} : memref<2x128x128xf32, #tpu.memory_space<vmem>>, vector<1x1x16xf32>,
      %get3A_783 = vector.shape_cast %get3A_782 : vector<1x1x16xf32> to vector<16xf32>
      %swap3A_784 = arith.constant 0 : i32
      %swap3A_785 = arith.index_cast %swap3A_784 : i32 to index
      %swap3A_786 = arith.index_cast %add3A_684 : i32 to index
      %swap3A_787 = arith.constant 80 : index
      %swap3A_788 = tpu.vector_load %arg9[%swap3A_785, %swap3A_786, %swap3A_787] {strides = array<i32>} : memref<2x64x128xf32, #tpu.memory_space<vmem>>, vector<1x1x16xf32>,
      %swap3A_789 = vector.shape_cast %swap3A_788 : vector<1x1x16xf32> to vector<16xf32>
      %swap3A_790 = vector.shape_cast %get3A_783 : vector<16xf32> to vector<1x1x16xf32>
      tpu.vector_store %arg9[%swap3A_785, %swap3A_786, %swap3A_787], %swap3A_790 {strides = array<i32>} : memref<2x64x128xf32, #tpu.memory_space<vmem>>, vector<1x1x16xf32>,
      %get3A_791 = arith.constant 0 : i32
      %get3A_792 = arith.index_cast %get3A_791 : i32 to index
      %get3A_793 = arith.index_cast %mul3A_686 : i32 to index
      %get3A_794 = arith.constant 32 : index
      %get3A_795 = tpu.vector_load %arg7[%get3A_792, %get3A_793, %get3A_794] {strides = array<i32>} : memref<2x128x128xf32, #tpu.memory_space<vmem>>, vector<1x1x16xf32>,
      %get3A_796 = vector.shape_cast %get3A_795 : vector<1x1x16xf32> to vector<16xf32>
      %swap3A_797 = arith.constant 0 : i32
      %swap3A_798 = arith.index_cast %swap3A_797 : i32 to index
      %swap3A_799 = arith.index_cast %add3A_684 : i32 to index
      %swap3A_800 = arith.constant 32 : index
      %swap3A_801 = tpu.vector_load %arg8[%swap3A_798, %swap3A_799, %swap3A_800] {strides = array<i32>} : memref<2x64x128xf32, #tpu.memory_space<vmem>>, vector<1x1x16xf32>,
      %swap3A_802 = vector.shape_cast %swap3A_801 : vector<1x1x16xf32> to vector<16xf32>
      %swap3A_803 = vector.shape_cast %get3A_796 : vector<16xf32> to vector<1x1x16xf32>
      tpu.vector_store %arg8[%swap3A_798, %swap3A_799, %swap3A_800], %swap3A_803 {strides = array<i32>} : memref<2x64x128xf32, #tpu.memory_space<vmem>>, vector<1x1x16xf32>,
      %get3A_804 = arith.constant 0 : i32
      %get3A_805 = arith.index_cast %get3A_804 : i32 to index
      %get3A_806 = arith.index_cast %add3A_688 : i32 to index
      %get3A_807 = arith.constant 32 : index
      %get3A_808 = tpu.vector_load %arg7[%get3A_805, %get3A_806, %get3A_807] {strides = array<i32>} : memref<2x128x128xf32, #tpu.memory_space<vmem>>, vector<1x1x16xf32>,
      %get3A_809 = vector.shape_cast %get3A_808 : vector<1x1x16xf32> to vector<16xf32>
      %swap3A_810 = arith.constant 0 : i32
      %swap3A_811 = arith.index_cast %swap3A_810 : i32 to index
      %swap3A_812 = arith.index_cast %add3A_684 : i32 to index
      %swap3A_813 = arith.constant 96 : index
      %swap3A_814 = tpu.vector_load %arg8[%swap3A_811, %swap3A_812, %swap3A_813] {strides = array<i32>} : memref<2x64x128xf32, #tpu.memory_space<vmem>>, vector<1x1x16xf32>,
      %swap3A_815 = vector.shape_cast %swap3A_814 : vector<1x1x16xf32> to vector<16xf32>
      %swap3A_816 = vector.shape_cast %get3A_809 : vector<16xf32> to vector<1x1x16xf32>
      tpu.vector_store %arg8[%swap3A_811, %swap3A_812, %swap3A_813], %swap3A_816 {strides = array<i32>} : memref<2x64x128xf32, #tpu.memory_space<vmem>>, vector<1x1x16xf32>,
      %get3A_817 = arith.constant 0 : i32
      %get3A_818 = arith.index_cast %get3A_817 : i32 to index
      %get3A_819 = arith.index_cast %mul3A_686 : i32 to index
      %get3A_820 = arith.constant 96 : index
      %get3A_821 = tpu.vector_load %arg7[%get3A_818, %get3A_819, %get3A_820] {strides = array<i32>} : memref<2x128x128xf32, #tpu.memory_space<vmem>>, vector<1x1x16xf32>,
      %get3A_822 = vector.shape_cast %get3A_821 : vector<1x1x16xf32> to vector<16xf32>
      %swap3A_823 = arith.constant 0 : i32
      %swap3A_824 = arith.index_cast %swap3A_823 : i32 to index
      %swap3A_825 = arith.index_cast %add3A_684 : i32 to index
      %swap3A_826 = arith.constant 32 : index
      %swap3A_827 = tpu.vector_load %arg9[%swap3A_824, %swap3A_825, %swap3A_826] {strides = array<i32>} : memref<2x64x128xf32, #tpu.memory_space<vmem>>, vector<1x1x16xf32>,
      %swap3A_828 = vector.shape_cast %swap3A_827 : vector<1x1x16xf32> to vector<16xf32>
      %swap3A_829 = vector.shape_cast %get3A_822 : vector<16xf32> to vector<1x1x16xf32>
      tpu.vector_store %arg9[%swap3A_824, %swap3A_825, %swap3A_826], %swap3A_829 {strides = array<i32>} : memref<2x64x128xf32, #tpu.memory_space<vmem>>, vector<1x1x16xf32>,
      %get3A_830 = arith.constant 0 : i32
      %get3A_831 = arith.index_cast %get3A_830 : i32 to index
      %get3A_832 = arith.index_cast %add3A_688 : i32 to index
      %get3A_833 = arith.constant 96 : index
      %get3A_834 = tpu.vector_load %arg7[%get3A_831, %get3A_832, %get3A_833] {strides = array<i32>} : memref<2x128x128xf32, #tpu.memory_space<vmem>>, vector<1x1x16xf32>,
      %get3A_835 = vector.shape_cast %get3A_834 : vector<1x1x16xf32> to vector<16xf32>
      %swap3A_836 = arith.constant 0 : i32
      %swap3A_837 = arith.index_cast %swap3A_836 : i32 to index
      %swap3A_838 = arith.index_cast %add3A_684 : i32 to index
      %swap3A_839 = arith.constant 96 : index
      %swap3A_840 = tpu.vector_load %arg9[%swap3A_837, %swap3A_838, %swap3A_839] {strides = array<i32>} : memref<2x64x128xf32, #tpu.memory_space<vmem>>, vector<1x1x16xf32>,
      %swap3A_841 = vector.shape_cast %swap3A_840 : vector<1x1x16xf32> to vector<16xf32>
      %swap3A_842 = vector.shape_cast %get3A_835 : vector<16xf32> to vector<1x1x16xf32>
      tpu.vector_store %arg9[%swap3A_837, %swap3A_838, %swap3A_839], %swap3A_842 {strides = array<i32>} : memref<2x64x128xf32, #tpu.memory_space<vmem>>, vector<1x1x16xf32>,
      %get3A_843 = arith.constant 0 : i32
      %get3A_844 = arith.index_cast %get3A_843 : i32 to index
      %get3A_845 = arith.index_cast %mul3A_686 : i32 to index
      %get3A_846 = arith.constant 48 : index
      %get3A_847 = tpu.vector_load %arg7[%get3A_844, %get3A_845, %get3A_846] {strides = array<i32>} : memref<2x128x128xf32, #tpu.memory_space<vmem>>, vector<1x1x16xf32>,
      %get3A_848 = vector.shape_cast %get3A_847 : vector<1x1x16xf32> to vector<16xf32>
      %swap3A_849 = arith.constant 0 : i32
      %swap3A_850 = arith.index_cast %swap3A_849 : i32 to index
      %swap3A_851 = arith.index_cast %add3A_684 : i32 to index
      %swap3A_852 = arith.constant 48 : index
      %swap3A_853 = tpu.vector_load %arg8[%swap3A_850, %swap3A_851, %swap3A_852] {strides = array<i32>} : memref<2x64x128xf32, #tpu.memory_space<vmem>>, vector<1x1x16xf32>,
      %swap3A_854 = vector.shape_cast %swap3A_853 : vector<1x1x16xf32> to vector<16xf32>
      %swap3A_855 = vector.shape_cast %get3A_848 : vector<16xf32> to vector<1x1x16xf32>
      tpu.vector_store %arg8[%swap3A_850, %swap3A_851, %swap3A_852], %swap3A_855 {strides = array<i32>} : memref<2x64x128xf32, #tpu.memory_space<vmem>>, vector<1x1x16xf32>,
      %get3A_856 = arith.constant 0 : i32
      %get3A_857 = arith.index_cast %get3A_856 : i32 to index
      %get3A_858 = arith.index_cast %add3A_688 : i32 to index
      %get3A_859 = arith.constant 48 : index
      %get3A_860 = tpu.vector_load %arg7[%get3A_857, %get3A_858, %get3A_859] {strides = array<i32>} : memref<2x128x128xf32, #tpu.memory_space<vmem>>, vector<1x1x16xf32>,
      %get3A_861 = vector.shape_cast %get3A_860 : vector<1x1x16xf32> to vector<16xf32>
      %swap3A_862 = arith.constant 0 : i32
      %swap3A_863 = arith.index_cast %swap3A_862 : i32 to index
      %swap3A_864 = arith.index_cast %add3A_684 : i32 to index
      %swap3A_865 = arith.constant 112 : index
      %swap3A_866 = tpu.vector_load %arg8[%swap3A_863, %swap3A_864, %swap3A_865] {strides = array<i32>} : memref<2x64x128xf32, #tpu.memory_space<vmem>>, vector<1x1x16xf32>,
      %swap3A_867 = vector.shape_cast %swap3A_866 : vector<1x1x16xf32> to vector<16xf32>
      %swap3A_868 = vector.shape_cast %get3A_861 : vector<16xf32> to vector<1x1x16xf32>
      tpu.vector_store %arg8[%swap3A_863, %swap3A_864, %swap3A_865], %swap3A_868 {strides = array<i32>} : memref<2x64x128xf32, #tpu.memory_space<vmem>>, vector<1x1x16xf32>,
      %get3A_869 = arith.constant 0 : i32
      %get3A_870 = arith.index_cast %get3A_869 : i32 to index
      %get3A_871 = arith.index_cast %mul3A_686 : i32 to index
      %get3A_872 = arith.constant 112 : index
      %get3A_873 = tpu.vector_load %arg7[%get3A_870, %get3A_871, %get3A_872] {strides = array<i32>} : memref<2x128x128xf32, #tpu.memory_space<vmem>>, vector<1x1x16xf32>,
      %get3A_874 = vector.shape_cast %get3A_873 : vector<1x1x16xf32> to vector<16xf32>
      %swap3A_875 = arith.constant 0 : i32
      %swap3A_876 = arith.index_cast %swap3A_875 : i32 to index
      %swap3A_877 = arith.index_cast %add3A_684 : i32 to index
      %swap3A_878 = arith.constant 48 : index
      %swap3A_879 = tpu.vector_load %arg9[%swap3A_876, %swap3A_877, %swap3A_878] {strides = array<i32>} : memref<2x64x128xf32, #tpu.memory_space<vmem>>, vector<1x1x16xf32>,
      %swap3A_880 = vector.shape_cast %swap3A_879 : vector<1x1x16xf32> to vector<16xf32>
      %swap3A_881 = vector.shape_cast %get3A_874 : vector<16xf32> to vector<1x1x16xf32>
      tpu.vector_store %arg9[%swap3A_876, %swap3A_877, %swap3A_878], %swap3A_881 {strides = array<i32>} : memref<2x64x128xf32, #tpu.memory_space<vmem>>, vector<1x1x16xf32>,
      %get3A_882 = arith.constant 0 : i32
      %get3A_883 = arith.index_cast %get3A_882 : i32 to index
      %get3A_884 = arith.index_cast %add3A_688 : i32 to index
      %get3A_885 = arith.constant 112 : index
      %get3A_886 = tpu.vector_load %arg7[%get3A_883, %get3A_884, %get3A_885] {strides = array<i32>} : memref<2x128x128xf32, #tpu.memory_space<vmem>>, vector<1x1x16xf32>,
      %get3A_887 = vector.shape_cast %get3A_886 : vector<1x1x16xf32> to vector<16xf32>
      %swap3A_888 = arith.constant 0 : i32
      %swap3A_889 = arith.index_cast %swap3A_888 : i32 to index
      %swap3A_890 = arith.index_cast %add3A_684 : i32 to index
      %swap3A_891 = arith.constant 112 : index
      %swap3A_892 = tpu.vector_load %arg9[%swap3A_889, %swap3A_890, %swap3A_891] {strides = array<i32>} : memref<2x64x128xf32, #tpu.memory_space<vmem>>, vector<1x1x16xf32>,
      %swap3A_893 = vector.shape_cast %swap3A_892 : vector<1x1x16xf32> to vector<16xf32>
      %swap3A_894 = vector.shape_cast %get3A_887 : vector<16xf32> to vector<1x1x16xf32>
      tpu.vector_store %arg9[%swap3A_889, %swap3A_890, %swap3A_891], %swap3A_894 {strides = array<i32>} : memref<2x64x128xf32, #tpu.memory_space<vmem>>, vector<1x1x16xf32>,
    }
    %scan3A_524 = arith.constant 64 : i32
    %add3A_525 = arith.constant 6 : i32
    %add3A_526 = arith.addi %mul3A_2, %add3A_525 : i32
    %mul3A_527 = arith.constant 64 : i32
    %mul3A_528 = arith.muli %add3A_526, %mul3A_527 : i32
    %dma_start3A_529 = arith.constant 0 : i32
    %dma_start3A_530 = arith.constant 0 : i32
    %dma_start3A_531 = arith.constant 0 : i32
    %dma_start3A_532 = tpu.memref_slice %arg8[%dma_start3A_529, %dma_start3A_530, %dma_start3A_531] : memref<2x64x128xf32, #tpu.memory_space<vmem>> -> memref<1x64x128xf32, #tpu.memory_space<vmem>>
    %dma_start3A_533 = tpu.memref_squeeze %dma_start3A_532 : memref<1x64x128xf32, #tpu.memory_space<vmem>> -> memref<64x128xf32, #tpu.memory_space<vmem>>
    %dma_start3A_534 = arith.constant 0 : i32
    %dma_start3A_535 = tpu.memref_slice %arg4[%mul3A_528, %dma_start3A_534] : memref<16384x128xf32, #tpu.memory_space<hbm>> -> memref<64x128xf32, #tpu.memory_space<hbm>>
    %dma_start3A_536 = arith.constant 0 : i32
    %dma_start3A_537 = tpu.memref_slice %arg4[%mul3A_528, %dma_start3A_536] : memref<16384x128xf32, #tpu.memory_space<hbm>> -> memref<64x128xf32, #tpu.memory_space<hbm>>
    %dma_start3A_538 = arith.constant 0 : i32
    %dma_start3A_539 = arith.constant 0 : i32
    %dma_start3A_540 = tpu.memref_slice %arg8[%dma_start3A_529, %dma_start3A_538, %dma_start3A_539] : memref<2x64x128xf32, #tpu.memory_space<vmem>> -> memref<1x64x128xf32, #tpu.memory_space<vmem>>
    %dma_start3A_541 = tpu.memref_squeeze %dma_start3A_540 : memref<1x64x128xf32, #tpu.memory_space<vmem>> -> memref<64x128xf32, #tpu.memory_space<vmem>>
    tpu.enqueue_dma source(%dma_start3A_541 : memref<64x128xf32, #tpu.memory_space<vmem>>) target(%dma_start3A_537 : memref<64x128xf32, #tpu.memory_space<hbm>>) target_semaphore(%arg11 : memref<!tpu.dma_semaphore, #tpu.memory_space<semaphore_mem>>)
    %dma_start3A_542 = arith.constant 0 : i32
    %dma_start3A_543 = arith.constant 0 : i32
    %dma_start3A_544 = arith.constant 0 : i32
    %dma_start3A_545 = tpu.memref_slice %arg9[%dma_start3A_542, %dma_start3A_543, %dma_start3A_544] : memref<2x64x128xf32, #tpu.memory_space<vmem>> -> memref<1x64x128xf32, #tpu.memory_space<vmem>>
    %dma_start3A_546 = tpu.memref_squeeze %dma_start3A_545 : memref<1x64x128xf32, #tpu.memory_space<vmem>> -> memref<64x128xf32, #tpu.memory_space<vmem>>
    %dma_start3A_547 = arith.constant 0 : i32
    %dma_start3A_548 = tpu.memref_slice %arg5[%mul3A_528, %dma_start3A_547] : memref<16384x128xf32, #tpu.memory_space<hbm>> -> memref<64x128xf32, #tpu.memory_space<hbm>>
    %dma_start3A_549 = arith.constant 0 : i32
    %dma_start3A_550 = tpu.memref_slice %arg5[%mul3A_528, %dma_start3A_549] : memref<16384x128xf32, #tpu.memory_space<hbm>> -> memref<64x128xf32, #tpu.memory_space<hbm>>
    %dma_start3A_551 = arith.constant 0 : i32
    %dma_start3A_552 = arith.constant 0 : i32
    %dma_start3A_553 = tpu.memref_slice %arg9[%dma_start3A_542, %dma_start3A_551, %dma_start3A_552] : memref<2x64x128xf32, #tpu.memory_space<vmem>> -> memref<1x64x128xf32, #tpu.memory_space<vmem>>
    %dma_start3A_554 = tpu.memref_squeeze %dma_start3A_553 : memref<1x64x128xf32, #tpu.memory_space<vmem>> -> memref<64x128xf32, #tpu.memory_space<vmem>>
    tpu.enqueue_dma source(%dma_start3A_554 : memref<64x128xf32, #tpu.memory_space<vmem>>) target(%dma_start3A_550 : memref<64x128xf32, #tpu.memory_space<hbm>>) target_semaphore(%arg12 : memref<!tpu.dma_semaphore, #tpu.memory_space<semaphore_mem>>)
    %dma_wait3A_555 = arith.constant 7 : i32
    %dma_wait3A_556 = arith.constant 1 : i32
    %dma_wait3A_557 = arith.constant 0 : i32
    %dma_wait3A_558 = arith.constant 0 : i32
    %dma_wait3A_559 = tpu.memref_slice %arg7[%dma_wait3A_556, %dma_wait3A_557, %dma_wait3A_558] : memref<2x128x128xf32, #tpu.memory_space<vmem>> -> memref<1x128x128xf32, #tpu.memory_space<vmem>>
    %dma_wait3A_560 = tpu.memref_squeeze %dma_wait3A_559 : memref<1x128x128xf32, #tpu.memory_space<vmem>> -> memref<128x128xf32, #tpu.memory_space<vmem>>
    %dma_wait3A_561 = arith.constant 0 : i32
    %dma_wait3A_562 = tpu.memref_slice %arg6[%dma_wait3A_555, %dma_wait3A_561] : memref<8x128xi32, #tpu.memory_space<vmem>> -> memref<1x128xi32, #tpu.memory_space<vmem>>
    %dma_wait3A_563 = tpu.memref_squeeze %dma_wait3A_562 : memref<1x128xi32, #tpu.memory_space<vmem>> -> memref<128xi32, #tpu.memory_space<vmem>>
    %dma_wait3A_564 = arith.constant 0 : i32
    %dma_wait3A_565 = arith.constant 0 : i32
    %dma_wait3A_566 = tpu.memref_slice %arg3[%dma_wait3A_564, %dma_wait3A_565] : memref<8192x128xf32, #tpu.memory_space<hbm>> -> memref<8192x128xf32, #tpu.memory_space<hbm>>
    tpu.wait_indirect_dma semaphore(%arg10 : memref<!tpu.dma_semaphore, #tpu.memory_space<semaphore_mem>>) src(%dma_wait3A_566 : memref<8192x128xf32, #tpu.memory_space<hbm>>) dst(%dma_wait3A_560 : memref<128x128xf32, #tpu.memory_space<vmem>>)
    %dma_wait3A_567 = arith.constant 1 : i32
    %dma_wait3A_568 = arith.constant 0 : i32
    %dma_wait3A_569 = arith.constant 0 : i32
    %dma_wait3A_570 = tpu.memref_slice %arg8[%dma_wait3A_567, %dma_wait3A_568, %dma_wait3A_569] : memref<2x64x128xf32, #tpu.memory_space<vmem>> -> memref<1x64x128xf32, #tpu.memory_space<vmem>>
    %dma_wait3A_571 = tpu.memref_squeeze %dma_wait3A_570 : memref<1x64x128xf32, #tpu.memory_space<vmem>> -> memref<64x128xf32, #tpu.memory_space<vmem>>
    %dma_wait3A_572 = arith.constant 0 : i32
    %dma_wait3A_573 = tpu.memref_slice %arg4[%mul3A_443, %dma_wait3A_572] : memref<16384x128xf32, #tpu.memory_space<hbm>> -> memref<64x128xf32, #tpu.memory_space<hbm>>
    %dma_wait3A_574 = arith.constant 0 : i32
    %dma_wait3A_575 = tpu.memref_slice %arg4[%mul3A_443, %dma_wait3A_574] : memref<16384x128xf32, #tpu.memory_space<hbm>> -> memref<64x128xf32, #tpu.memory_space<hbm>>
    %dma_wait3A_576 = arith.constant 0 : i32
    %dma_wait3A_577 = arith.constant 0 : i32
    %dma_wait3A_578 = tpu.memref_slice %arg8[%dma_wait3A_567, %dma_wait3A_576, %dma_wait3A_577] : memref<2x64x128xf32, #tpu.memory_space<vmem>> -> memref<1x64x128xf32, #tpu.memory_space<vmem>>
    %dma_wait3A_579 = tpu.memref_squeeze %dma_wait3A_578 : memref<1x64x128xf32, #tpu.memory_space<vmem>> -> memref<64x128xf32, #tpu.memory_space<vmem>>
    tpu.wait_dma2 semaphore(%arg11 : memref<!tpu.dma_semaphore, #tpu.memory_space<semaphore_mem>>) src(%dma_wait3A_579 : memref<64x128xf32, #tpu.memory_space<vmem>>) dst(%dma_wait3A_575 : memref<64x128xf32, #tpu.memory_space<hbm>>)
    %dma_wait3A_580 = arith.constant 1 : i32
    %dma_wait3A_581 = arith.constant 0 : i32
    %dma_wait3A_582 = arith.constant 0 : i32
    %dma_wait3A_583 = tpu.memref_slice %arg9[%dma_wait3A_580, %dma_wait3A_581, %dma_wait3A_582] : memref<2x64x128xf32, #tpu.memory_space<vmem>> -> memref<1x64x128xf32, #tpu.memory_space<vmem>>
    %dma_wait3A_584 = tpu.memref_squeeze %dma_wait3A_583 : memref<1x64x128xf32, #tpu.memory_space<vmem>> -> memref<64x128xf32, #tpu.memory_space<vmem>>
    %dma_wait3A_585 = arith.constant 0 : i32
    %dma_wait3A_586 = tpu.memref_slice %arg5[%mul3A_443, %dma_wait3A_585] : memref<16384x128xf32, #tpu.memory_space<hbm>> -> memref<64x128xf32, #tpu.memory_space<hbm>>
    %dma_wait3A_587 = arith.constant 0 : i32
    %dma_wait3A_588 = tpu.memref_slice %arg5[%mul3A_443, %dma_wait3A_587] : memref<16384x128xf32, #tpu.memory_space<hbm>> -> memref<64x128xf32, #tpu.memory_space<hbm>>
    %dma_wait3A_589 = arith.constant 0 : i32
    %dma_wait3A_590 = arith.constant 0 : i32
    %dma_wait3A_591 = tpu.memref_slice %arg9[%dma_wait3A_580, %dma_wait3A_589, %dma_wait3A_590] : memref<2x64x128xf32, #tpu.memory_space<vmem>> -> memref<1x64x128xf32, #tpu.memory_space<vmem>>
    %dma_wait3A_592 = tpu.memref_squeeze %dma_wait3A_591 : memref<1x64x128xf32, #tpu.memory_space<vmem>> -> memref<64x128xf32, #tpu.memory_space<vmem>>
    tpu.wait_dma2 semaphore(%arg12 : memref<!tpu.dma_semaphore, #tpu.memory_space<semaphore_mem>>) src(%dma_wait3A_592 : memref<64x128xf32, #tpu.memory_space<vmem>>) dst(%dma_wait3A_588 : memref<64x128xf32, #tpu.memory_space<hbm>>)
    %scan3A_593 = arith.constant 0 : i32
    %scan3A_594 = arith.constant 64 : i32
    %scan3A_595 = arith.addi %scan3A_593, %scan3A_594 : i32
    %scan3A_596 = arith.constant 1 : i32
    scf.for %scan3A_680 = %scan3A_593 to %scan3A_595 step %scan3A_596  : i32 {
      %mul3A_681 = arith.constant 1 : i32
      %mul3A_682 = arith.muli %scan3A_680, %mul3A_681 : i32
      %add3A_683 = arith.constant 0 : i32
      %add3A_684 = arith.addi %add3A_683, %mul3A_682 : i32
      %mul3A_685 = arith.constant 2 : i32
      %mul3A_686 = arith.muli %mul3A_685, %add3A_684 : i32
      %add3A_687 = arith.constant 1 : i32
      %add3A_688 = arith.addi %mul3A_686, %add3A_687 : i32
      %get3A = arith.constant 1 : i32
      %get3A_689 = arith.index_cast %get3A : i32 to index
      %get3A_690 = arith.index_cast %mul3A_686 : i32 to index
      %get3A_691 = arith.constant 0 : index
      %get3A_692 = tpu.vector_load %arg7[%get3A_689, %get3A_690, %get3A_691] {strides = array<i32>} : memref<2x128x128xf32, #tpu.memory_space<vmem>>, vector<1x1x16xf32>,
      %get3A_693 = vector.shape_cast %get3A_692 : vector<1x1x16xf32> to vector<16xf32>
      %swap3A = arith.constant 1 : i32
      %swap3A_694 = arith.index_cast %swap3A : i32 to index
      %swap3A_695 = arith.index_cast %add3A_684 : i32 to index
      %swap3A_696 = arith.constant 0 : index
      %swap3A_697 = tpu.vector_load %arg8[%swap3A_694, %swap3A_695, %swap3A_696] {strides = array<i32>} : memref<2x64x128xf32, #tpu.memory_space<vmem>>, vector<1x1x16xf32>,
      %swap3A_698 = vector.shape_cast %swap3A_697 : vector<1x1x16xf32> to vector<16xf32>
      %swap3A_699 = vector.shape_cast %get3A_693 : vector<16xf32> to vector<1x1x16xf32>
      tpu.vector_store %arg8[%swap3A_694, %swap3A_695, %swap3A_696], %swap3A_699 {strides = array<i32>} : memref<2x64x128xf32, #tpu.memory_space<vmem>>, vector<1x1x16xf32>,
      %get3A_700 = arith.constant 1 : i32
      %get3A_701 = arith.index_cast %get3A_700 : i32 to index
      %get3A_702 = arith.index_cast %add3A_688 : i32 to index
      %get3A_703 = arith.constant 0 : index
      %get3A_704 = tpu.vector_load %arg7[%get3A_701, %get3A_702, %get3A_703] {strides = array<i32>} : memref<2x128x128xf32, #tpu.memory_space<vmem>>, vector<1x1x16xf32>,
      %get3A_705 = vector.shape_cast %get3A_704 : vector<1x1x16xf32> to vector<16xf32>
      %swap3A_706 = arith.constant 1 : i32
      %swap3A_707 = arith.index_cast %swap3A_706 : i32 to index
      %swap3A_708 = arith.index_cast %add3A_684 : i32 to index
      %swap3A_709 = arith.constant 64 : index
      %swap3A_710 = tpu.vector_load %arg8[%swap3A_707, %swap3A_708, %swap3A_709] {strides = array<i32>} : memref<2x64x128xf32, #tpu.memory_space<vmem>>, vector<1x1x16xf32>,
      %swap3A_711 = vector.shape_cast %swap3A_710 : vector<1x1x16xf32> to vector<16xf32>
      %swap3A_712 = vector.shape_cast %get3A_705 : vector<16xf32> to vector<1x1x16xf32>
      tpu.vector_store %arg8[%swap3A_707, %swap3A_708, %swap3A_709], %swap3A_712 {strides = array<i32>} : memref<2x64x128xf32, #tpu.memory_space<vmem>>, vector<1x1x16xf32>,
      %get3A_713 = arith.constant 1 : i32
      %get3A_714 = arith.index_cast %get3A_713 : i32 to index
      %get3A_715 = arith.index_cast %mul3A_686 : i32 to index
      %get3A_716 = arith.constant 64 : index
      %get3A_717 = tpu.vector_load %arg7[%get3A_714, %get3A_715, %get3A_716] {strides = array<i32>} : memref<2x128x128xf32, #tpu.memory_space<vmem>>, vector<1x1x16xf32>,
      %get3A_718 = vector.shape_cast %get3A_717 : vector<1x1x16xf32> to vector<16xf32>
      %swap3A_719 = arith.constant 1 : i32
      %swap3A_720 = arith.index_cast %swap3A_719 : i32 to index
      %swap3A_721 = arith.index_cast %add3A_684 : i32 to index
      %swap3A_722 = arith.constant 0 : index
      %swap3A_723 = tpu.vector_load %arg9[%swap3A_720, %swap3A_721, %swap3A_722] {strides = array<i32>} : memref<2x64x128xf32, #tpu.memory_space<vmem>>, vector<1x1x16xf32>,
      %swap3A_724 = vector.shape_cast %swap3A_723 : vector<1x1x16xf32> to vector<16xf32>
      %swap3A_725 = vector.shape_cast %get3A_718 : vector<16xf32> to vector<1x1x16xf32>
      tpu.vector_store %arg9[%swap3A_720, %swap3A_721, %swap3A_722], %swap3A_725 {strides = array<i32>} : memref<2x64x128xf32, #tpu.memory_space<vmem>>, vector<1x1x16xf32>,
      %get3A_726 = arith.constant 1 : i32
      %get3A_727 = arith.index_cast %get3A_726 : i32 to index
      %get3A_728 = arith.index_cast %add3A_688 : i32 to index
      %get3A_729 = arith.constant 64 : index
      %get3A_730 = tpu.vector_load %arg7[%get3A_727, %get3A_728, %get3A_729] {strides = array<i32>} : memref<2x128x128xf32, #tpu.memory_space<vmem>>, vector<1x1x16xf32>,
      %get3A_731 = vector.shape_cast %get3A_730 : vector<1x1x16xf32> to vector<16xf32>
      %swap3A_732 = arith.constant 1 : i32
      %swap3A_733 = arith.index_cast %swap3A_732 : i32 to index
      %swap3A_734 = arith.index_cast %add3A_684 : i32 to index
      %swap3A_735 = arith.constant 64 : index
      %swap3A_736 = tpu.vector_load %arg9[%swap3A_733, %swap3A_734, %swap3A_735] {strides = array<i32>} : memref<2x64x128xf32, #tpu.memory_space<vmem>>, vector<1x1x16xf32>,
      %swap3A_737 = vector.shape_cast %swap3A_736 : vector<1x1x16xf32> to vector<16xf32>
      %swap3A_738 = vector.shape_cast %get3A_731 : vector<16xf32> to vector<1x1x16xf32>
      tpu.vector_store %arg9[%swap3A_733, %swap3A_734, %swap3A_735], %swap3A_738 {strides = array<i32>} : memref<2x64x128xf32, #tpu.memory_space<vmem>>, vector<1x1x16xf32>,
      %get3A_739 = arith.constant 1 : i32
      %get3A_740 = arith.index_cast %get3A_739 : i32 to index
      %get3A_741 = arith.index_cast %mul3A_686 : i32 to index
      %get3A_742 = arith.constant 16 : index
      %get3A_743 = tpu.vector_load %arg7[%get3A_740, %get3A_741, %get3A_742] {strides = array<i32>} : memref<2x128x128xf32, #tpu.memory_space<vmem>>, vector<1x1x16xf32>,
      %get3A_744 = vector.shape_cast %get3A_743 : vector<1x1x16xf32> to vector<16xf32>
      %swap3A_745 = arith.constant 1 : i32
      %swap3A_746 = arith.index_cast %swap3A_745 : i32 to index
      %swap3A_747 = arith.index_cast %add3A_684 : i32 to index
      %swap3A_748 = arith.constant 16 : index
      %swap3A_749 = tpu.vector_load %arg8[%swap3A_746, %swap3A_747, %swap3A_748] {strides = array<i32>} : memref<2x64x128xf32, #tpu.memory_space<vmem>>, vector<1x1x16xf32>,
      %swap3A_750 = vector.shape_cast %swap3A_749 : vector<1x1x16xf32> to vector<16xf32>
      %swap3A_751 = vector.shape_cast %get3A_744 : vector<16xf32> to vector<1x1x16xf32>
      tpu.vector_store %arg8[%swap3A_746, %swap3A_747, %swap3A_748], %swap3A_751 {strides = array<i32>} : memref<2x64x128xf32, #tpu.memory_space<vmem>>, vector<1x1x16xf32>,
      %get3A_752 = arith.constant 1 : i32
      %get3A_753 = arith.index_cast %get3A_752 : i32 to index
      %get3A_754 = arith.index_cast %add3A_688 : i32 to index
      %get3A_755 = arith.constant 16 : index
      %get3A_756 = tpu.vector_load %arg7[%get3A_753, %get3A_754, %get3A_755] {strides = array<i32>} : memref<2x128x128xf32, #tpu.memory_space<vmem>>, vector<1x1x16xf32>,
      %get3A_757 = vector.shape_cast %get3A_756 : vector<1x1x16xf32> to vector<16xf32>
      %swap3A_758 = arith.constant 1 : i32
      %swap3A_759 = arith.index_cast %swap3A_758 : i32 to index
      %swap3A_760 = arith.index_cast %add3A_684 : i32 to index
      %swap3A_761 = arith.constant 80 : index
      %swap3A_762 = tpu.vector_load %arg8[%swap3A_759, %swap3A_760, %swap3A_761] {strides = array<i32>} : memref<2x64x128xf32, #tpu.memory_space<vmem>>, vector<1x1x16xf32>,
      %swap3A_763 = vector.shape_cast %swap3A_762 : vector<1x1x16xf32> to vector<16xf32>
      %swap3A_764 = vector.shape_cast %get3A_757 : vector<16xf32> to vector<1x1x16xf32>
      tpu.vector_store %arg8[%swap3A_759, %swap3A_760, %swap3A_761], %swap3A_764 {strides = array<i32>} : memref<2x64x128xf32, #tpu.memory_space<vmem>>, vector<1x1x16xf32>,
      %get3A_765 = arith.constant 1 : i32
      %get3A_766 = arith.index_cast %get3A_765 : i32 to index
      %get3A_767 = arith.index_cast %mul3A_686 : i32 to index
      %get3A_768 = arith.constant 80 : index
      %get3A_769 = tpu.vector_load %arg7[%get3A_766, %get3A_767, %get3A_768] {strides = array<i32>} : memref<2x128x128xf32, #tpu.memory_space<vmem>>, vector<1x1x16xf32>,
      %get3A_770 = vector.shape_cast %get3A_769 : vector<1x1x16xf32> to vector<16xf32>
      %swap3A_771 = arith.constant 1 : i32
      %swap3A_772 = arith.index_cast %swap3A_771 : i32 to index
      %swap3A_773 = arith.index_cast %add3A_684 : i32 to index
      %swap3A_774 = arith.constant 16 : index
      %swap3A_775 = tpu.vector_load %arg9[%swap3A_772, %swap3A_773, %swap3A_774] {strides = array<i32>} : memref<2x64x128xf32, #tpu.memory_space<vmem>>, vector<1x1x16xf32>,
      %swap3A_776 = vector.shape_cast %swap3A_775 : vector<1x1x16xf32> to vector<16xf32>
      %swap3A_777 = vector.shape_cast %get3A_770 : vector<16xf32> to vector<1x1x16xf32>
      tpu.vector_store %arg9[%swap3A_772, %swap3A_773, %swap3A_774], %swap3A_777 {strides = array<i32>} : memref<2x64x128xf32, #tpu.memory_space<vmem>>, vector<1x1x16xf32>,
      %get3A_778 = arith.constant 1 : i32
      %get3A_779 = arith.index_cast %get3A_778 : i32 to index
      %get3A_780 = arith.index_cast %add3A_688 : i32 to index
      %get3A_781 = arith.constant 80 : index
      %get3A_782 = tpu.vector_load %arg7[%get3A_779, %get3A_780, %get3A_781] {strides = array<i32>} : memref<2x128x128xf32, #tpu.memory_space<vmem>>, vector<1x1x16xf32>,
      %get3A_783 = vector.shape_cast %get3A_782 : vector<1x1x16xf32> to vector<16xf32>
      %swap3A_784 = arith.constant 1 : i32
      %swap3A_785 = arith.index_cast %swap3A_784 : i32 to index
      %swap3A_786 = arith.index_cast %add3A_684 : i32 to index
      %swap3A_787 = arith.constant 80 : index
      %swap3A_788 = tpu.vector_load %arg9[%swap3A_785, %swap3A_786, %swap3A_787] {strides = array<i32>} : memref<2x64x128xf32, #tpu.memory_space<vmem>>, vector<1x1x16xf32>,
      %swap3A_789 = vector.shape_cast %swap3A_788 : vector<1x1x16xf32> to vector<16xf32>
      %swap3A_790 = vector.shape_cast %get3A_783 : vector<16xf32> to vector<1x1x16xf32>
      tpu.vector_store %arg9[%swap3A_785, %swap3A_786, %swap3A_787], %swap3A_790 {strides = array<i32>} : memref<2x64x128xf32, #tpu.memory_space<vmem>>, vector<1x1x16xf32>,
      %get3A_791 = arith.constant 1 : i32
      %get3A_792 = arith.index_cast %get3A_791 : i32 to index
      %get3A_793 = arith.index_cast %mul3A_686 : i32 to index
      %get3A_794 = arith.constant 32 : index
      %get3A_795 = tpu.vector_load %arg7[%get3A_792, %get3A_793, %get3A_794] {strides = array<i32>} : memref<2x128x128xf32, #tpu.memory_space<vmem>>, vector<1x1x16xf32>,
      %get3A_796 = vector.shape_cast %get3A_795 : vector<1x1x16xf32> to vector<16xf32>
      %swap3A_797 = arith.constant 1 : i32
      %swap3A_798 = arith.index_cast %swap3A_797 : i32 to index
      %swap3A_799 = arith.index_cast %add3A_684 : i32 to index
      %swap3A_800 = arith.constant 32 : index
      %swap3A_801 = tpu.vector_load %arg8[%swap3A_798, %swap3A_799, %swap3A_800] {strides = array<i32>} : memref<2x64x128xf32, #tpu.memory_space<vmem>>, vector<1x1x16xf32>,
      %swap3A_802 = vector.shape_cast %swap3A_801 : vector<1x1x16xf32> to vector<16xf32>
      %swap3A_803 = vector.shape_cast %get3A_796 : vector<16xf32> to vector<1x1x16xf32>
      tpu.vector_store %arg8[%swap3A_798, %swap3A_799, %swap3A_800], %swap3A_803 {strides = array<i32>} : memref<2x64x128xf32, #tpu.memory_space<vmem>>, vector<1x1x16xf32>,
      %get3A_804 = arith.constant 1 : i32
      %get3A_805 = arith.index_cast %get3A_804 : i32 to index
      %get3A_806 = arith.index_cast %add3A_688 : i32 to index
      %get3A_807 = arith.constant 32 : index
      %get3A_808 = tpu.vector_load %arg7[%get3A_805, %get3A_806, %get3A_807] {strides = array<i32>} : memref<2x128x128xf32, #tpu.memory_space<vmem>>, vector<1x1x16xf32>,
      %get3A_809 = vector.shape_cast %get3A_808 : vector<1x1x16xf32> to vector<16xf32>
      %swap3A_810 = arith.constant 1 : i32
      %swap3A_811 = arith.index_cast %swap3A_810 : i32 to index
      %swap3A_812 = arith.index_cast %add3A_684 : i32 to index
      %swap3A_813 = arith.constant 96 : index
      %swap3A_814 = tpu.vector_load %arg8[%swap3A_811, %swap3A_812, %swap3A_813] {strides = array<i32>} : memref<2x64x128xf32, #tpu.memory_space<vmem>>, vector<1x1x16xf32>,
      %swap3A_815 = vector.shape_cast %swap3A_814 : vector<1x1x16xf32> to vector<16xf32>
      %swap3A_816 = vector.shape_cast %get3A_809 : vector<16xf32> to vector<1x1x16xf32>
      tpu.vector_store %arg8[%swap3A_811, %swap3A_812, %swap3A_813], %swap3A_816 {strides = array<i32>} : memref<2x64x128xf32, #tpu.memory_space<vmem>>, vector<1x1x16xf32>,
      %get3A_817 = arith.constant 1 : i32
      %get3A_818 = arith.index_cast %get3A_817 : i32 to index
      %get3A_819 = arith.index_cast %mul3A_686 : i32 to index
      %get3A_820 = arith.constant 96 : index
      %get3A_821 = tpu.vector_load %arg7[%get3A_818, %get3A_819, %get3A_820] {strides = array<i32>} : memref<2x128x128xf32, #tpu.memory_space<vmem>>, vector<1x1x16xf32>,
      %get3A_822 = vector.shape_cast %get3A_821 : vector<1x1x16xf32> to vector<16xf32>
      %swap3A_823 = arith.constant 1 : i32
      %swap3A_824 = arith.index_cast %swap3A_823 : i32 to index
      %swap3A_825 = arith.index_cast %add3A_684 : i32 to index
      %swap3A_826 = arith.constant 32 : index
      %swap3A_827 = tpu.vector_load %arg9[%swap3A_824, %swap3A_825, %swap3A_826] {strides = array<i32>} : memref<2x64x128xf32, #tpu.memory_space<vmem>>, vector<1x1x16xf32>,
      %swap3A_828 = vector.shape_cast %swap3A_827 : vector<1x1x16xf32> to vector<16xf32>
      %swap3A_829 = vector.shape_cast %get3A_822 : vector<16xf32> to vector<1x1x16xf32>
      tpu.vector_store %arg9[%swap3A_824, %swap3A_825, %swap3A_826], %swap3A_829 {strides = array<i32>} : memref<2x64x128xf32, #tpu.memory_space<vmem>>, vector<1x1x16xf32>,
      %get3A_830 = arith.constant 1 : i32
      %get3A_831 = arith.index_cast %get3A_830 : i32 to index
      %get3A_832 = arith.index_cast %add3A_688 : i32 to index
      %get3A_833 = arith.constant 96 : index
      %get3A_834 = tpu.vector_load %arg7[%get3A_831, %get3A_832, %get3A_833] {strides = array<i32>} : memref<2x128x128xf32, #tpu.memory_space<vmem>>, vector<1x1x16xf32>,
      %get3A_835 = vector.shape_cast %get3A_834 : vector<1x1x16xf32> to vector<16xf32>
      %swap3A_836 = arith.constant 1 : i32
      %swap3A_837 = arith.index_cast %swap3A_836 : i32 to index
      %swap3A_838 = arith.index_cast %add3A_684 : i32 to index
      %swap3A_839 = arith.constant 96 : index
      %swap3A_840 = tpu.vector_load %arg9[%swap3A_837, %swap3A_838, %swap3A_839] {strides = array<i32>} : memref<2x64x128xf32, #tpu.memory_space<vmem>>, vector<1x1x16xf32>,
      %swap3A_841 = vector.shape_cast %swap3A_840 : vector<1x1x16xf32> to vector<16xf32>
      %swap3A_842 = vector.shape_cast %get3A_835 : vector<16xf32> to vector<1x1x16xf32>
      tpu.vector_store %arg9[%swap3A_837, %swap3A_838, %swap3A_839], %swap3A_842 {strides = array<i32>} : memref<2x64x128xf32, #tpu.memory_space<vmem>>, vector<1x1x16xf32>,
      %get3A_843 = arith.constant 1 : i32
      %get3A_844 = arith.index_cast %get3A_843 : i32 to index
      %get3A_845 = arith.index_cast %mul3A_686 : i32 to index
      %get3A_846 = arith.constant 48 : index
      %get3A_847 = tpu.vector_load %arg7[%get3A_844, %get3A_845, %get3A_846] {strides = array<i32>} : memref<2x128x128xf32, #tpu.memory_space<vmem>>, vector<1x1x16xf32>,
      %get3A_848 = vector.shape_cast %get3A_847 : vector<1x1x16xf32> to vector<16xf32>
      %swap3A_849 = arith.constant 1 : i32
      %swap3A_850 = arith.index_cast %swap3A_849 : i32 to index
      %swap3A_851 = arith.index_cast %add3A_684 : i32 to index
      %swap3A_852 = arith.constant 48 : index
      %swap3A_853 = tpu.vector_load %arg8[%swap3A_850, %swap3A_851, %swap3A_852] {strides = array<i32>} : memref<2x64x128xf32, #tpu.memory_space<vmem>>, vector<1x1x16xf32>,
      %swap3A_854 = vector.shape_cast %swap3A_853 : vector<1x1x16xf32> to vector<16xf32>
      %swap3A_855 = vector.shape_cast %get3A_848 : vector<16xf32> to vector<1x1x16xf32>
      tpu.vector_store %arg8[%swap3A_850, %swap3A_851, %swap3A_852], %swap3A_855 {strides = array<i32>} : memref<2x64x128xf32, #tpu.memory_space<vmem>>, vector<1x1x16xf32>,
      %get3A_856 = arith.constant 1 : i32
      %get3A_857 = arith.index_cast %get3A_856 : i32 to index
      %get3A_858 = arith.index_cast %add3A_688 : i32 to index
      %get3A_859 = arith.constant 48 : index
      %get3A_860 = tpu.vector_load %arg7[%get3A_857, %get3A_858, %get3A_859] {strides = array<i32>} : memref<2x128x128xf32, #tpu.memory_space<vmem>>, vector<1x1x16xf32>,
      %get3A_861 = vector.shape_cast %get3A_860 : vector<1x1x16xf32> to vector<16xf32>
      %swap3A_862 = arith.constant 1 : i32
      %swap3A_863 = arith.index_cast %swap3A_862 : i32 to index
      %swap3A_864 = arith.index_cast %add3A_684 : i32 to index
      %swap3A_865 = arith.constant 112 : index
      %swap3A_866 = tpu.vector_load %arg8[%swap3A_863, %swap3A_864, %swap3A_865] {strides = array<i32>} : memref<2x64x128xf32, #tpu.memory_space<vmem>>, vector<1x1x16xf32>,
      %swap3A_867 = vector.shape_cast %swap3A_866 : vector<1x1x16xf32> to vector<16xf32>
      %swap3A_868 = vector.shape_cast %get3A_861 : vector<16xf32> to vector<1x1x16xf32>
      tpu.vector_store %arg8[%swap3A_863, %swap3A_864, %swap3A_865], %swap3A_868 {strides = array<i32>} : memref<2x64x128xf32, #tpu.memory_space<vmem>>, vector<1x1x16xf32>,
      %get3A_869 = arith.constant 1 : i32
      %get3A_870 = arith.index_cast %get3A_869 : i32 to index
      %get3A_871 = arith.index_cast %mul3A_686 : i32 to index
      %get3A_872 = arith.constant 112 : index
      %get3A_873 = tpu.vector_load %arg7[%get3A_870, %get3A_871, %get3A_872] {strides = array<i32>} : memref<2x128x128xf32, #tpu.memory_space<vmem>>, vector<1x1x16xf32>,
      %get3A_874 = vector.shape_cast %get3A_873 : vector<1x1x16xf32> to vector<16xf32>
      %swap3A_875 = arith.constant 1 : i32
      %swap3A_876 = arith.index_cast %swap3A_875 : i32 to index
      %swap3A_877 = arith.index_cast %add3A_684 : i32 to index
      %swap3A_878 = arith.constant 48 : index
      %swap3A_879 = tpu.vector_load %arg9[%swap3A_876, %swap3A_877, %swap3A_878] {strides = array<i32>} : memref<2x64x128xf32, #tpu.memory_space<vmem>>, vector<1x1x16xf32>,
      %swap3A_880 = vector.shape_cast %swap3A_879 : vector<1x1x16xf32> to vector<16xf32>
      %swap3A_881 = vector.shape_cast %get3A_874 : vector<16xf32> to vector<1x1x16xf32>
      tpu.vector_store %arg9[%swap3A_876, %swap3A_877, %swap3A_878], %swap3A_881 {strides = array<i32>} : memref<2x64x128xf32, #tpu.memory_space<vmem>>, vector<1x1x16xf32>,
      %get3A_882 = arith.constant 1 : i32
      %get3A_883 = arith.index_cast %get3A_882 : i32 to index
      %get3A_884 = arith.index_cast %add3A_688 : i32 to index
      %get3A_885 = arith.constant 112 : index
      %get3A_886 = tpu.vector_load %arg7[%get3A_883, %get3A_884, %get3A_885] {strides = array<i32>} : memref<2x128x128xf32, #tpu.memory_space<vmem>>, vector<1x1x16xf32>,
      %get3A_887 = vector.shape_cast %get3A_886 : vector<1x1x16xf32> to vector<16xf32>
      %swap3A_888 = arith.constant 1 : i32
      %swap3A_889 = arith.index_cast %swap3A_888 : i32 to index
      %swap3A_890 = arith.index_cast %add3A_684 : i32 to index
      %swap3A_891 = arith.constant 112 : index
      %swap3A_892 = tpu.vector_load %arg9[%swap3A_889, %swap3A_890, %swap3A_891] {strides = array<i32>} : memref<2x64x128xf32, #tpu.memory_space<vmem>>, vector<1x1x16xf32>,
      %swap3A_893 = vector.shape_cast %swap3A_892 : vector<1x1x16xf32> to vector<16xf32>
      %swap3A_894 = vector.shape_cast %get3A_887 : vector<16xf32> to vector<1x1x16xf32>
      tpu.vector_store %arg9[%swap3A_889, %swap3A_890, %swap3A_891], %swap3A_894 {strides = array<i32>} : memref<2x64x128xf32, #tpu.memory_space<vmem>>, vector<1x1x16xf32>,
    }
    %scan3A_597 = arith.constant 64 : i32
    %add3A_598 = arith.constant 7 : i32
    %add3A_599 = arith.addi %mul3A_2, %add3A_598 : i32
    %mul3A_600 = arith.constant 64 : i32
    %mul3A_601 = arith.muli %add3A_599, %mul3A_600 : i32
    %dma_start3A_602 = arith.constant 1 : i32
    %dma_start3A_603 = arith.constant 0 : i32
    %dma_start3A_604 = arith.constant 0 : i32
    %dma_start3A_605 = tpu.memref_slice %arg8[%dma_start3A_602, %dma_start3A_603, %dma_start3A_604] : memref<2x64x128xf32, #tpu.memory_space<vmem>> -> memref<1x64x128xf32, #tpu.memory_space<vmem>>
    %dma_start3A_606 = tpu.memref_squeeze %dma_start3A_605 : memref<1x64x128xf32, #tpu.memory_space<vmem>> -> memref<64x128xf32, #tpu.memory_space<vmem>>
    %dma_start3A_607 = arith.constant 0 : i32
    %dma_start3A_608 = tpu.memref_slice %arg4[%mul3A_601, %dma_start3A_607] : memref<16384x128xf32, #tpu.memory_space<hbm>> -> memref<64x128xf32, #tpu.memory_space<hbm>>
    %dma_start3A_609 = arith.constant 0 : i32
    %dma_start3A_610 = tpu.memref_slice %arg4[%mul3A_601, %dma_start3A_609] : memref<16384x128xf32, #tpu.memory_space<hbm>> -> memref<64x128xf32, #tpu.memory_space<hbm>>
    %dma_start3A_611 = arith.constant 0 : i32
    %dma_start3A_612 = arith.constant 0 : i32
    %dma_start3A_613 = tpu.memref_slice %arg8[%dma_start3A_602, %dma_start3A_611, %dma_start3A_612] : memref<2x64x128xf32, #tpu.memory_space<vmem>> -> memref<1x64x128xf32, #tpu.memory_space<vmem>>
    %dma_start3A_614 = tpu.memref_squeeze %dma_start3A_613 : memref<1x64x128xf32, #tpu.memory_space<vmem>> -> memref<64x128xf32, #tpu.memory_space<vmem>>
    tpu.enqueue_dma source(%dma_start3A_614 : memref<64x128xf32, #tpu.memory_space<vmem>>) target(%dma_start3A_610 : memref<64x128xf32, #tpu.memory_space<hbm>>) target_semaphore(%arg11 : memref<!tpu.dma_semaphore, #tpu.memory_space<semaphore_mem>>)
    %dma_start3A_615 = arith.constant 1 : i32
    %dma_start3A_616 = arith.constant 0 : i32
    %dma_start3A_617 = arith.constant 0 : i32
    %dma_start3A_618 = tpu.memref_slice %arg9[%dma_start3A_615, %dma_start3A_616, %dma_start3A_617] : memref<2x64x128xf32, #tpu.memory_space<vmem>> -> memref<1x64x128xf32, #tpu.memory_space<vmem>>
    %dma_start3A_619 = tpu.memref_squeeze %dma_start3A_618 : memref<1x64x128xf32, #tpu.memory_space<vmem>> -> memref<64x128xf32, #tpu.memory_space<vmem>>
    %dma_start3A_620 = arith.constant 0 : i32
    %dma_start3A_621 = tpu.memref_slice %arg5[%mul3A_601, %dma_start3A_620] : memref<16384x128xf32, #tpu.memory_space<hbm>> -> memref<64x128xf32, #tpu.memory_space<hbm>>
    %dma_start3A_622 = arith.constant 0 : i32
    %dma_start3A_623 = tpu.memref_slice %arg5[%mul3A_601, %dma_start3A_622] : memref<16384x128xf32, #tpu.memory_space<hbm>> -> memref<64x128xf32, #tpu.memory_space<hbm>>
    %dma_start3A_624 = arith.constant 0 : i32
    %dma_start3A_625 = arith.constant 0 : i32
    %dma_start3A_626 = tpu.memref_slice %arg9[%dma_start3A_615, %dma_start3A_624, %dma_start3A_625] : memref<2x64x128xf32, #tpu.memory_space<vmem>> -> memref<1x64x128xf32, #tpu.memory_space<vmem>>
    %dma_start3A_627 = tpu.memref_squeeze %dma_start3A_626 : memref<1x64x128xf32, #tpu.memory_space<vmem>> -> memref<64x128xf32, #tpu.memory_space<vmem>>
    tpu.enqueue_dma source(%dma_start3A_627 : memref<64x128xf32, #tpu.memory_space<vmem>>) target(%dma_start3A_623 : memref<64x128xf32, #tpu.memory_space<hbm>>) target_semaphore(%arg12 : memref<!tpu.dma_semaphore, #tpu.memory_space<semaphore_mem>>)
    %dma_wait3A_628 = arith.constant 0 : i32
    %dma_wait3A_629 = arith.constant 0 : i32
    %dma_wait3A_630 = arith.constant 0 : i32
    %dma_wait3A_631 = tpu.memref_slice %arg8[%dma_wait3A_628, %dma_wait3A_629, %dma_wait3A_630] : memref<2x64x128xf32, #tpu.memory_space<vmem>> -> memref<1x64x128xf32, #tpu.memory_space<vmem>>
    %dma_wait3A_632 = tpu.memref_squeeze %dma_wait3A_631 : memref<1x64x128xf32, #tpu.memory_space<vmem>> -> memref<64x128xf32, #tpu.memory_space<vmem>>
    %dma_wait3A_633 = arith.constant 0 : i32
    %dma_wait3A_634 = tpu.memref_slice %arg4[%mul3A_528, %dma_wait3A_633] : memref<16384x128xf32, #tpu.memory_space<hbm>> -> memref<64x128xf32, #tpu.memory_space<hbm>>
    %dma_wait3A_635 = arith.constant 0 : i32
    %dma_wait3A_636 = tpu.memref_slice %arg4[%mul3A_528, %dma_wait3A_635] : memref<16384x128xf32, #tpu.memory_space<hbm>> -> memref<64x128xf32, #tpu.memory_space<hbm>>
    %dma_wait3A_637 = arith.constant 0 : i32
    %dma_wait3A_638 = arith.constant 0 : i32
    %dma_wait3A_639 = tpu.memref_slice %arg8[%dma_wait3A_628, %dma_wait3A_637, %dma_wait3A_638] : memref<2x64x128xf32, #tpu.memory_space<vmem>> -> memref<1x64x128xf32, #tpu.memory_space<vmem>>
    %dma_wait3A_640 = tpu.memref_squeeze %dma_wait3A_639 : memref<1x64x128xf32, #tpu.memory_space<vmem>> -> memref<64x128xf32, #tpu.memory_space<vmem>>
    tpu.wait_dma2 semaphore(%arg11 : memref<!tpu.dma_semaphore, #tpu.memory_space<semaphore_mem>>) src(%dma_wait3A_640 : memref<64x128xf32, #tpu.memory_space<vmem>>) dst(%dma_wait3A_636 : memref<64x128xf32, #tpu.memory_space<hbm>>)
    %dma_wait3A_641 = arith.constant 0 : i32
    %dma_wait3A_642 = arith.constant 0 : i32
    %dma_wait3A_643 = arith.constant 0 : i32
    %dma_wait3A_644 = tpu.memref_slice %arg9[%dma_wait3A_641, %dma_wait3A_642, %dma_wait3A_643] : memref<2x64x128xf32, #tpu.memory_space<vmem>> -> memref<1x64x128xf32, #tpu.memory_space<vmem>>
    %dma_wait3A_645 = tpu.memref_squeeze %dma_wait3A_644 : memref<1x64x128xf32, #tpu.memory_space<vmem>> -> memref<64x128xf32, #tpu.memory_space<vmem>>
    %dma_wait3A_646 = arith.constant 0 : i32
    %dma_wait3A_647 = tpu.memref_slice %arg5[%mul3A_528, %dma_wait3A_646] : memref<16384x128xf32, #tpu.memory_space<hbm>> -> memref<64x128xf32, #tpu.memory_space<hbm>>
    %dma_wait3A_648 = arith.constant 0 : i32
    %dma_wait3A_649 = tpu.memref_slice %arg5[%mul3A_528, %dma_wait3A_648] : memref<16384x128xf32, #tpu.memory_space<hbm>> -> memref<64x128xf32, #tpu.memory_space<hbm>>
    %dma_wait3A_650 = arith.constant 0 : i32
    %dma_wait3A_651 = arith.constant 0 : i32
    %dma_wait3A_652 = tpu.memref_slice %arg9[%dma_wait3A_641, %dma_wait3A_650, %dma_wait3A_651] : memref<2x64x128xf32, #tpu.memory_space<vmem>> -> memref<1x64x128xf32, #tpu.memory_space<vmem>>
    %dma_wait3A_653 = tpu.memref_squeeze %dma_wait3A_652 : memref<1x64x128xf32, #tpu.memory_space<vmem>> -> memref<64x128xf32, #tpu.memory_space<vmem>>
    tpu.wait_dma2 semaphore(%arg12 : memref<!tpu.dma_semaphore, #tpu.memory_space<semaphore_mem>>) src(%dma_wait3A_653 : memref<64x128xf32, #tpu.memory_space<vmem>>) dst(%dma_wait3A_649 : memref<64x128xf32, #tpu.memory_space<hbm>>)
    %dma_wait3A_654 = arith.constant 1 : i32
    %dma_wait3A_655 = arith.constant 0 : i32
    %dma_wait3A_656 = arith.constant 0 : i32
    %dma_wait3A_657 = tpu.memref_slice %arg8[%dma_wait3A_654, %dma_wait3A_655, %dma_wait3A_656] : memref<2x64x128xf32, #tpu.memory_space<vmem>> -> memref<1x64x128xf32, #tpu.memory_space<vmem>>
    %dma_wait3A_658 = tpu.memref_squeeze %dma_wait3A_657 : memref<1x64x128xf32, #tpu.memory_space<vmem>> -> memref<64x128xf32, #tpu.memory_space<vmem>>
    %dma_wait3A_659 = arith.constant 0 : i32
    %dma_wait3A_660 = tpu.memref_slice %arg4[%mul3A_601, %dma_wait3A_659] : memref<16384x128xf32, #tpu.memory_space<hbm>> -> memref<64x128xf32, #tpu.memory_space<hbm>>
    %dma_wait3A_661 = arith.constant 0 : i32
    %dma_wait3A_662 = tpu.memref_slice %arg4[%mul3A_601, %dma_wait3A_661] : memref<16384x128xf32, #tpu.memory_space<hbm>> -> memref<64x128xf32, #tpu.memory_space<hbm>>
    %dma_wait3A_663 = arith.constant 0 : i32
    %dma_wait3A_664 = arith.constant 0 : i32
    %dma_wait3A_665 = tpu.memref_slice %arg8[%dma_wait3A_654, %dma_wait3A_663, %dma_wait3A_664] : memref<2x64x128xf32, #tpu.memory_space<vmem>> -> memref<1x64x128xf32, #tpu.memory_space<vmem>>
    %dma_wait3A_666 = tpu.memref_squeeze %dma_wait3A_665 : memref<1x64x128xf32, #tpu.memory_space<vmem>> -> memref<64x128xf32, #tpu.memory_space<vmem>>
    tpu.wait_dma2 semaphore(%arg11 : memref<!tpu.dma_semaphore, #tpu.memory_space<semaphore_mem>>) src(%dma_wait3A_666 : memref<64x128xf32, #tpu.memory_space<vmem>>) dst(%dma_wait3A_662 : memref<64x128xf32, #tpu.memory_space<hbm>>)
    %dma_wait3A_667 = arith.constant 1 : i32
    %dma_wait3A_668 = arith.constant 0 : i32
    %dma_wait3A_669 = arith.constant 0 : i32
    %dma_wait3A_670 = tpu.memref_slice %arg9[%dma_wait3A_667, %dma_wait3A_668, %dma_wait3A_669] : memref<2x64x128xf32, #tpu.memory_space<vmem>> -> memref<1x64x128xf32, #tpu.memory_space<vmem>>
    %dma_wait3A_671 = tpu.memref_squeeze %dma_wait3A_670 : memref<1x64x128xf32, #tpu.memory_space<vmem>> -> memref<64x128xf32, #tpu.memory_space<vmem>>
    %dma_wait3A_672 = arith.constant 0 : i32
    %dma_wait3A_673 = tpu.memref_slice %arg5[%mul3A_601, %dma_wait3A_672] : memref<16384x128xf32, #tpu.memory_space<hbm>> -> memref<64x128xf32, #tpu.memory_space<hbm>>
    %dma_wait3A_674 = arith.constant 0 : i32
    %dma_wait3A_675 = tpu.memref_slice %arg5[%mul3A_601, %dma_wait3A_674] : memref<16384x128xf32, #tpu.memory_space<hbm>> -> memref<64x128xf32, #tpu.memory_space<hbm>>
    %dma_wait3A_676 = arith.constant 0 : i32
    %dma_wait3A_677 = arith.constant 0 : i32
    %dma_wait3A_678 = tpu.memref_slice %arg9[%dma_wait3A_667, %dma_wait3A_676, %dma_wait3A_677] : memref<2x64x128xf32, #tpu.memory_space<vmem>> -> memref<1x64x128xf32, #tpu.memory_space<vmem>>
    %dma_wait3A_679 = tpu.memref_squeeze %dma_wait3A_678 : memref<1x64x128xf32, #tpu.memory_space<vmem>> -> memref<64x128xf32, #tpu.memory_space<vmem>>
    tpu.wait_dma2 semaphore(%arg12 : memref<!tpu.dma_semaphore, #tpu.memory_space<semaphore_mem>>) src(%dma_wait3A_679 : memref<64x128xf32, #tpu.memory_space<vmem>>) dst(%dma_wait3A_675 : memref<64x128xf32, #tpu.memory_space<hbm>>)
    return
  }
}

</mosaic_0001>

<sc_bundles>
// kernel: kernel.3.cloned.1.call-start
scs
__scs_entry_jumppad:
0x0: {  	(pc) =	sbr.rel $0x88, $3  }
0x1: {  	(tag) =	ssettag $0x0;
	lr =	simm.s32 $0x1  }
0x2: {  	[smem:$0x3F9F] =	sst lr;
	_ =	strace $0xD0000000  }
0x3: {  	_ = 	snop  }
0x4: {  	_ = 	snop  }
0x5: {  	_ = 	snop  }
0x6: {  	_ = 	snop  }
0x7: {  	_ = 	snop  }
__scs_overlays_trampoline_lowered:
0x8: {  	[smem:$0x3FAE] =	sst s0  }
0x9: {  	[smem:$0x3FAF] =	sst s1  }
0xa: {  	[smem:$0x3FB0] =	sst s2  }
0xb: {  	[smem:$0x3FB1] =	sst s3  }
0xc: {  	[smem:$0x3FB2] =	sst s4  }
0xd: {  	[smem:$0x3FB3] =	sst s5  }
0xe: {  	[smem:$0x3FB4] =	sst s6  }
0xf: {  	[smem:$0x3FB5] =	sst s7  }
0x10: {  	[smem:$0x3FB6] =	sst s8  }
0x11: {  	[smem:$0x3FB7] =	sst s9;
	s0 =	simm.s32 @!p0 $0x0  }
0x12: {  	s1 =	sld [smem:$0x3F9D];
	s0 =	simm.s32 @p0 $0x1  }
0x13: {  	[smem:$0x3FB8] =	sst s0;
	s0 =	simm.s32 @!p1 $0x0  }
0x14: {  	s2 =	sld [smem:$0x3F9C];
	s0 =	simm.s32 @p1 $0x1  }
0x15: {  	[smem:$0x3FB9] =	sst s0;
	s0 =	simm.s32 @!p2 $0x0  }
0x16: {  	s3 =	sld [smem:$0x3FDB];
	s0 =	simm.s32 @p2 $0x1  }
0x17: {  	s4 =	simm.s32 $0x1BF5;
	[smem:$0x3FBB] =	sst s0  }
0x18: {  	s0 =	sld [smem:$0x3F9E];
	_ =	swait.ge [sflag:s4], $0x0  }
0x19: {  	s7 =	sld [smem:$0x3F9F]  }
0x1a: {  	s8 =	sadd.s32 $0xFFFFE003, lr  }
0x1b: {  	s9 =	sadd.s32 $0xFFFFFEF7, lr;
	s5 =	simm.s32 $0xFFFFFFFF;
	p2 =	slt.u32 s8, $0xFFFFF086  }
0x1c: {  	p1 =	slt.u32 s9, $0xF7A;
	s5 =	simm.s32 @!p2 $0x0  }
0x1d: {  	s5 =	simm.s32 @p1 $0x1;
	p0 =	seq.s32 s7, s2  }
0x1e: {  	s7 =	smul.u32 @!p0 $0xF7A, s2;
	p2 =	seq.s32 @!p0 s5, $0x0  }
0x1f: {  	s9 =	smul.u32 $0xF7A, s1;
	s8 =	simm.s32 @!p0 $0x1BF5;
	p2 =	por !p2, p0  }
0x20: {  	[sflag:s8] =	ssyncset.s32 @!p0 $0xFFFFF086;
	s6 =	sadd.s32 @!p0 s3, s7;
	s7 =	simm.s32 @!p0 $0x108  }
0x21: {  	s3 =	sadd.s32 s3, s9;
	s6 =	sadd.s32 @!p0 $0x88, s6;
	s7 =	simm.s32 @p2 $0x1082  }
0x22: {  	[simem:s7], [sflag:s8] =	dma.local @!p0 [hbm:s6], $0xF7A  }
0x23: {  	s9 =	sor.u32 $0xD0000000, s2;
	s6 =	simm.s32 $0x108;
	_ =	swait.ge @!p0 [sflag:s8], $0x0  }
0x24: {  	s3 =	sadd.s32 $0x88, s3;
	s6 =	simm.s32 @!p1 $0x1082;
	[sflag:s4] =	ssyncset.s32 $0xFFFFF086  }
0x25: {  	[simem:s6], [sflag:s4] =	dma.local [hbm:s3], $0xF7A  }
0x26: {  	[smem:$0x3F9F] =	sst s1;
	(tag) =	ssettag s2;
	_ =	strace s9  }
0x27: {  	s1 =	sld [smem:$0x3FAF]  }
0x28: {  	s2 =	sld [smem:$0x3FB0]  }
0x29: {  	s4 =	sld [smem:$0x3FB2]  }
0x2a: {  	p0 =	seq.s32 s5, $0x0;
	s5 =	sld [smem:$0x3FB3]  }
0x2b: {  	s6 =	sld [smem:$0x3FB4]  }
0x2c: {  	s7 =	sld [smem:$0x3FB5]  }
0x2d: {  	s3 =	simm.s32 $0x108;
	s8 =	sld [smem:$0x3FB6]  }
0x2e: {  	s3 =	simm.s32 @!p0 $0x1082;
	s9 =	sld [smem:$0x3FB7]  }
0x2f: {  	lr =	sadd.s32 s0, s3;
	s0 =	sld [smem:$0x3FAE]  }
0x30: {  	s3 =	sld [smem:$0x3FB1]  }
0x31: {  	[smem:$0x3FBA] =	sst s10  }
0x32: {  	s10 =	sld [smem:$0x3FB8];
	_ =	sdelay $0x3  }
0x33: {  	p0 =	seq.s32 s10, $0x1;
	s10 =	sld [smem:$0x3FBA];
	_ =	sdelay $0x3  }
0x34: {  	[smem:$0x3FBA] =	sst s10  }
0x35: {  	s10 =	sld [smem:$0x3FB9];
	_ =	sdelay $0x3  }
0x36: {  	p1 =	seq.s32 s10, $0x1;
	s10 =	sld [smem:$0x3FBA];
	_ =	sdelay $0x3  }
0x37: {  	[smem:$0x3FBA] =	sst s10  }
0x38: {  	s10 =	sld [smem:$0x3FBB]  }
0x39: {  	_ = 	snop;
	(pc) =	sbr.ind lr, $3  }
0x3a: {  	_ = 	snop  }
0x3b: {  	_ = 	snop  }
0x3c: {  	p2 =	seq.s32 s10, $0x1;
	s10 =	sld [smem:$0x3FBA]  }
0x3d: {  	_ =	shalt  }
0x3e: {  	_ =	shalt  }
0x3f: {  	_ =	shalt  }
0x40: {  	_ =	shalt  }
0x41: {  	_ =	shalt  }
0x42: {  	_ =	shalt  }
0x43: {  	_ =	shalt  }
0x44: {  	_ =	shalt  }
0x45: {  	_ =	shalt  }
0x46: {  	_ =	shalt  }
0x47: {  	_ =	shalt  }
0x48: {  	_ =	shalt  }
0x49: {  	_ =	shalt  }
0x4a: {  	_ =	shalt  }
0x4b: {  	_ =	shalt  }
0x4c: {  	_ =	shalt  }
0x4d: {  	_ =	shalt  }
0x4e: {  	_ =	shalt  }
0x4f: {  	_ =	shalt  }
0x50: {  	_ =	shalt  }
0x51: {  	_ =	shalt  }
0x52: {  	_ =	shalt  }
0x53: {  	_ =	shalt  }
0x54: {  	_ =	shalt  }
0x55: {  	_ =	shalt  }
0x56: {  	_ =	shalt  }
0x57: {  	_ =	shalt  }
0x58: {  	_ =	shalt  }
0x59: {  	_ =	shalt  }
0x5a: {  	_ =	shalt  }
0x5b: {  	_ =	shalt  }
0x5c: {  	_ =	shalt  }
0x5d: {  	_ =	shalt  }
0x5e: {  	_ =	shalt  }
0x5f: {  	_ =	shalt  }
0x60: {  	_ =	shalt  }
0x61: {  	_ =	shalt  }
0x62: {  	_ =	shalt  }
0x63: {  	_ =	shalt  }
0x64: {  	_ =	shalt  }
0x65: {  	_ =	shalt  }
0x66: {  	_ =	shalt  }
0x67: {  	_ =	shalt  }
0x68: {  	_ =	shalt  }
0x69: {  	_ =	shalt  }
0x6a: {  	_ =	shalt  }
0x6b: {  	_ =	shalt  }
0x6c: {  	_ =	shalt  }
0x6d: {  	_ =	shalt  }
0x6e: {  	_ =	shalt  }
0x6f: {  	_ =	shalt  }
0x70: {  	_ =	shalt  }
0x71: {  	_ =	shalt  }
0x72: {  	_ =	shalt  }
0x73: {  	_ =	shalt  }
0x74: {  	_ =	shalt  }
0x75: {  	_ =	shalt  }
0x76: {  	_ =	shalt  }
0x77: {  	_ =	shalt  }
0x78: {  	_ =	shalt  }
0x79: {  	_ =	shalt  }
0x7a: {  	_ =	shalt  }
0x7b: {  	_ =	shalt  }
0x7c: {  	_ =	shalt  }
0x7d: {  	_ =	shalt  }
0x7e: {  	_ =	shalt  }
0x7f: {  	_ =	shalt  }
0x80: {  	_ =	shalt  }
0x81: {  	_ =	shalt  }
0x82: {  	_ =	shalt  }
0x83: {  	_ =	shalt  }
0x84: {  	_ =	shalt  }
0x85: {  	_ =	shalt  }
0x86: {  	_ =	shalt  }
0x87: {  	_ =	shalt  }
.Lfunc_end0:
.L_simem_size_0:
called_computation_lowered:
.L_overlay_start_0:
0x88: {  	s2 =	sld [smem:$0x3FD9]  }
0x89: {  	s3 =	sld [smem:$0x3FFE];
	_ =	sdelay $0x1  }
0x8a: {  	s1 =	srdreg.scid  }
0x8b: {  	s0 =	sand.u32 $0x1, s1  }
0x8c: {  	s14 =	sshll.u32 s0, $0xA;
	s2 =	sadd.s32 s3, s2  }
0x8d: {  	s2 =	sadd.s32 s2, s14  }
0x8e: {  	[smem:$0x3FC6] =	sst s2  }
0x8f: {  	_ = 	snop  }
0x90: {  	s2 =	sld [smem:$0x3FD0];
	_ =	sdelay $0x2  }
0x91: {  	s4 =	simm.s32 $0xA;
	s5 =	simm.s32 $0x10;
	s15 =	sld [smem:$0x3FC8]  }
0x92: {  	[smem:s5], [sflag:s4] =	dma.local [hbm:s2], $0x1  }
0x93: {  	_ =	swait.eq [sflag:s4], $0x1  }
0x94: {  	[sflag:s4] =	ssyncset.done $0x0  }
0x95: {  	s16 =	sld [smem:$0x10];
	[sflag:s4] =	ssyncadd.s32 $0xFFFFFFFF  }
0x96: {  	s17 =	sld [smem:$0x11];
	(tm) =	ssettm $0x1  }
0x97: {  	s18 =	sld [smem:$0x3FFB];
	_ =	sdelay $0x3  }
0x98: {  	_ =	strace s18  }
0x99: {  	s5 =	sld [smem:$0x3FFC];
	_ =	sdelay $0x3  }
0x9a: {  	_ =	strace s5  }
0x9b: {  	s5 =	sld [smem:$0x3FFD];
	_ =	sdelay $0x3  }
0x9c: {  	_ =	strace s5  }
0x9d: {  	_ =	strace $0x8FFFFFFF  }
0x9e: {  	s19 =	sld [smem:$0x3FDB];
	_ =	sdelay $0x1  }
0x9f: {  	s6 =	simm.s32 $_scs_section_size  }
0xa0: {  	s7 =	simm.s32 $_size__tile_overlayer_lowered;
	s8 =	simm.s32 $_tile_overlayer_lowered  }
0xa1: {  	s22 =	simm.s32 $0x1BFF;
	s21 =	sshll.u32 s8, $0x1;
	s5 =	sadd.s32 s6, s19  }
0xa2: {  	s9 =	simm.s32 $0x0;
	s20 =	sshll.u32 s7, $0x1;
	s7 =	sadd.s32 s21, s5  }
0xa3: {  	[timem:s9], [sflag:s22] =	dma.local [hbm:s7], s20  }
0xa4: {  	_ =	swait.ge [sflag:s22], s20  }
0xa5: {  	s6 =	ssub.s32 $0x0, s20;
	[sflag:s22] =	ssyncset.done $0x0  }
0xa6: {  	[sflag:s22] =	ssyncadd.s32 s6;
	_ =	sdelay $0x1  }
0xa7: {  	s23 =	simm.s32 $0x1B8B  }
0xa8: {  	_ =	swait.ge [sflag:s23], $0x1  }
0xa9: {  	[sflag:s23] =	ssyncset.done $0x0  }
0xaa: {  	s25 =	simm.s32 $0x1B8E;
	s24 =	sld [smem:$0x3FFE];
	[sflag:s23] =	ssyncadd.s32 $0xFFFFFFFF  }
0xab: {  	s26 =	simm.s32 $execute0_lowered;
	[smem:$0x3FD2] =	sst s25  }
0xac: {  	s7 =	sshll.u32 s26, $0x1;
	_ =	strace $0x80000046;
	[dreg:$0x1] =	wrdreg $0xFFFFFFFF  }
0xad: {  	s28 =	simm.s32 $_size_execute0_lowered;
	s5 =	sadd.s32 s5, s7;
	[dreg:$0x0] =	wrdreg $0x0  }
0xae: {  	s7 =	sshll.u32 s28, $0x1;
	[dreg:$0x2] =	wrdreg s5  }
0xaf: {  	[dreg:$0x3] =	wrdreg s7  }
0xb0: {  	[dreg:$0x4] =	wrdreg $0xC0  }
0xb1: {  	_ =	task [dreg:s9], $0x5FFFF  }
0xb2: {  	[dreg:$0x1] =	wrdreg $0xFFFFFFFF  }
0xb3: {  	[dreg:$0x0] =	wrdreg $0x60  }
0xb4: {  	[dreg:$0x2] =	wrdreg s16  }
0xb5: {  	[dreg:$0x3] =	wrdreg s15  }
0xb6: {  	[dreg:$0x4] =	wrdreg s17  }
0xb7: {  	[dreg:$0x5] =	wrdreg s24  }
0xb8: {  	[dreg:$0x6] =	wrdreg $0x9  }
0xb9: {  	_ =	task.clear_ibuf [dreg:s9], $0x7FFFF;
	_ =	strace $0x90000046  }
0xba: {  	s29 =	simm.s32 $0x9;
	_ =	strace $0x80000048  }
0xbb: {  	_ =	swait.ge [sflag:s29], $0x1  }
0xbc: {  	[sflag:s29] =	ssyncadd.s32 $0xFFFFFFFF  }
0xbd: {  	_ =	strace $0x90000048  }
0xbe: {  	_ =	sfence  }
0xbf: {  	s30 =	sld [smem:$0x0];
	_ =	sdelay $0x2  }
0xc0: {  	s31 =	sshll.u32 s1, $0xD;
	s1 =	sshrl.u32 s1, $0x2  }
0xc1: {  	s3 =	sand.u32 $0x4000, s31;
	s1 =	sadd.s32 s1, s30  }
0xc2: {  	s0 =	sor.u32 s3, s0;
	s1 =	sshll.u32 s1, $0x11  }
0xc3: {  	s0 =	sor.u32 s1, s0  }
0xc4: {  	s0 =	sadd.s32 $0x8F2B, s0  }
0xc5: {  	[sflag:s0] =	ssyncadd.remote.s32 $0x1  }
0xc6: {  	_ =	sfence.sel $0xFFFF  }
0xc7: {  	[dreg:$0x0] =	wrdreg $0xFFFFFFFF;
	(pc) =	sbr.abs _section_cstart, $3  }
0xc8: {  	[dreg:$0x1] =	wrdreg $0xFFFFFFFF  }
0xc9: {  	_ =	task.clear_ibuf [dreg:s9], $0x2FFFF;
	_ =	strace $0x9FFFFFFF  }
0xca: {  	(tm) =	ssettm $0x7FFFFFFF  }
0xcb: {  	_ =	shalt  }
tec
execute0_lowered:
.L_overlay_start_1:
0x0: {  	(tag) =	ssettag $0x1  }
0x1: {  	s0 =	rddreg [dreg:$0x0]  }
0x2: {  	s1 =	rddreg [dreg:$0x1]  }
0x3: {  	s2 =	rddreg [dreg:$0x2]  }
0x4: {  	s4 =	rddreg [dreg:$0x3];
	s3 =	simm.s32 $0x0;
	s5 =	srdreg.scid  }
0x5: {  	s6 =	stileid.u32;
	s28 =	simm.s32 $0x8400;
	s29 =	simm.s32 $0xC400  }
0x6: {  	s31 =	simm.s32 $0xA400;
	s5 =	sand.u32 $0x1, s5;
	s6 =	sshll.u32 s6, $0x1  }
0x7: {  	s30 =	simm.s32 $0x2;
	s7 =	ssub.s32 $0x2, s5;
	s5 =	sor.u32 s5, s6  }
0x8: {  	[smem:$0x7FF] =	sst s3;
	s4 =	sadd.s32 $0x1000, s4;
	s8 =	sshll.u32 s5, $0x7  }
0x9: {  	_ =	strace $0x80000047;
	s26 =	sshrl.u32 s7, $0x1;
	s0 =	sadd.s32 s0, s8  }
0xa: {  	s6 =	ssub.s32 s7, s26;
	s8 =	sshll.u32 s5, $0xD;
	[dreg:$0x5] =	wrdreg s0  }
0xb: {  	s5 =	sadd.s32 s2, s8;
	s19 =	sadd.s32 s4, s8;
	s20 =	sor.u32 $0x400, s8  }
0xc: {  	s22 =	sor.u32 $0x800, s8;
	s23 =	sor.u32 $0xC00, s8;
	s24 =	sor.u32 $0x1000, s8  }
0xd: {  	s25 =	sor.u32 $0x1400, s8;
	s26 =	sor.u32 $0x1800, s8;
	[dreg:$0x6] =	wrdreg s5  }
0xe: {  	s0 =	sor.u32 $0x1C00, s8;
	[dreg:$0x7] =	wrdreg s19;
	s21 =	sadd.s32 s2, s20  }
0xf: {  	s5 =	sadd.s32 s4, s20;
	s9 =	sadd.s32 s2, s22;
	s10 =	sadd.s32 s4, s22  }
0x10: {  	s11 =	sadd.s32 s2, s23;
	s12 =	sadd.s32 s4, s23;
	s13 =	sadd.s32 s2, s24  }
0x11: {  	s14 =	sadd.s32 s4, s24;
	s15 =	sadd.s32 s2, s25;
	s16 =	sadd.s32 s4, s25  }
0x12: {  	s17 =	sadd.s32 s2, s26;
	s18 =	sadd.s32 s4, s26;
	s19 =	sadd.s32 s2, s0  }
0x13: {  	s20 =	sadd.s32 s4, s0;
	s22 =	simm.s32 $0x4;
	s23 =	simm.s32 $0x80  }
0x14: {  	s24 =	simm.s32 $0x400;
	s25 =	simm.s32 $0x1;
	s26 =	simm.s32 $0x4400  }
0x15: {  	s0 =	simm.s32 $0xE400;
	s2 =	simm.s32 $0x3;
	[dreg:$0x8] =	wrdreg s21  }
0x16: {  	s4 =	simm.s32 $0x0;
	[dreg:$0x9] =	wrdreg s5;
	s21 =	smax.u32 s6, $0x1  }
.LBB2_1:
0x17: {  	s5 =	rddreg [dreg:$0x5]  }
0x18: {  	[tilespmem:s3], [sflag:$0x4] =	stream.linear.gather [hbm4b:s5+s3], $0x400, $0x38;
	[tilespmem:$0x10400] =	vst v63  }
0x19: {  	_ =	swait.ge [sflag:s22], $0x400  }
0x1a: {  	[sflag:s22] =	ssyncset.done $0x0  }
0x1b: {  	[sflag:s22] =	ssyncadd.s32 $0xFFFFFC00  }
0x1c: {  	[tilespmem:s24], [sflag:$0x1] =	stream.indirect.gather [hbm4b:s1+s23], $0x80, s3, s23, $0xb8;
	[tilespmem:$0x10400] =	vst v63  }
0x1d: {  	_ =	swait.ge [sflag:s25], $0x4000  }
0x1e: {  	[sflag:s25] =	ssyncset.done $0x0  }
0x1f: {  	s5 =	simm.s32 $0x480;
	[sflag:s25] =	ssyncadd.s32 $0xFFFFC000  }
0x20: {  	[tilespmem:s26], [sflag:$0x1] =	stream.indirect.gather [hbm4b:s1+s23], $0x80, s23, s23, $0xb8;
	[tilespmem:$0x10400] =	vst v63  }
0x21: {  	s6 =	simm.s32 $0x200;
	s7 =	simm.s32 $0x0;
	v0 =	vld [tilespmem:s5+$0xFFFFFF80]  }
.LBB2_2:
0x22: {  	p0 =	sne.s32 s6, $0x7E00;
	_ =	sdelay $0x2  }
0x23: {  	s8 =	sshra.s32 s7, $0x2;
	s7 =	smov.u32 s6  }
0x24: {  	[tilespmem:s8+$0x8400] =	vst v0  }
0x25: {  	v0 =	vld [tilespmem:s5+$0x0];
	_ =	sdelay $0x4  }
0x26: {  	[tilespmem:s8+$0x8440] =	vst v0  }
0x27: {  	v0 =	vld [tilespmem:s5+$0xFFFFFFC0];
	_ =	sdelay $0x4  }
0x28: {  	[tilespmem:s8+$0xC400] =	vst v0  }
0x29: {  	v0 =	vld [tilespmem:s5+$0x40];
	_ =	sdelay $0x4  }
0x2a: {  	[tilespmem:s8+$0xC440] =	vst v0  }
0x2b: {  	v0 =	vld [tilespmem:s5+$0xFFFFFF90];
	_ =	sdelay $0x4  }
0x2c: {  	[tilespmem:s8+$0x8410] =	vst v0  }
0x2d: {  	v0 =	vld [tilespmem:s5+$0x10];
	_ =	sdelay $0x4  }
0x2e: {  	[tilespmem:s8+$0x8450] =	vst v0  }
0x2f: {  	v0 =	vld [tilespmem:s5+$0xFFFFFFD0];
	_ =	sdelay $0x4  }
0x30: {  	[tilespmem:s8+$0xC410] =	vst v0  }
0x31: {  	v0 =	vld [tilespmem:s5+$0x50];
	_ =	sdelay $0x4  }
0x32: {  	[tilespmem:s8+$0xC450] =	vst v0  }
0x33: {  	v0 =	vld [tilespmem:s5+$0xFFFFFFA0];
	_ =	sdelay $0x4  }
0x34: {  	[tilespmem:s8+$0x8420] =	vst v0  }
0x35: {  	v0 =	vld [tilespmem:s5+$0x20];
	_ =	sdelay $0x4  }
0x36: {  	[tilespmem:s8+$0x8460] =	vst v0  }
0x37: {  	v0 =	vld [tilespmem:s5+$0xFFFFFFE0];
	_ =	sdelay $0x4  }
0x38: {  	[tilespmem:s8+$0xC420] =	vst v0  }
0x39: {  	v0 =	vld [tilespmem:s5+$0x60];
	_ =	sdelay $0x4  }
0x3a: {  	[tilespmem:s8+$0xC460] =	vst v0  }
0x3b: {  	v0 =	vld [tilespmem:s5+$0xFFFFFFB0];
	_ =	sdelay $0x4  }
0x3c: {  	[tilespmem:s8+$0x8430] =	vst v0  }
0x3d: {  	v0 =	vld [tilespmem:s5+$0x30];
	_ =	sdelay $0x4  }
0x3e: {  	[tilespmem:s8+$0x8470] =	vst v0  }
0x3f: {  	v0 =	vld [tilespmem:s5+$0xFFFFFFF0];
	_ =	sdelay $0x4  }
0x40: {  	[tilespmem:s8+$0xC430] =	vst v0  }
0x41: {  	v0 =	vld [tilespmem:s5+$0x70];
	_ =	sdelay $0x1  }
.Ltmp0:
0x42: {  	(pc) =	sbr.rel @p0 .LBB2_2-.Ltmp0, $3  }
0x43: {  	_ =	sdelay $0x1  }
0x44: {  	s5 =	sadd.s32 $0x100, s5;
	[tilespmem:s8+$0xC470] =	vst v0  }
0x45: {  	s6 =	sadd.s32 $0x200, s6;
	v0 =	vld [tilespmem:s5+$0xFFFFFF80]  }
0x46: {  	_ =	sdelay $0x2  }
0x47: {  	s6 =	sshra.s32 s7, $0x2  }
0x48: {  	[tilespmem:s6+$0x8400] =	vst v0  }
0x49: {  	v0 =	vld [tilespmem:s5+$0x0];
	_ =	sdelay $0x4  }
0x4a: {  	[tilespmem:s6+$0x8440] =	vst v0  }
0x4b: {  	v0 =	vld [tilespmem:s5+$0xFFFFFFC0];
	_ =	sdelay $0x4  }
0x4c: {  	[tilespmem:s6+$0xC400] =	vst v0  }
0x4d: {  	v0 =	vld [tilespmem:s5+$0x40];
	_ =	sdelay $0x4  }
0x4e: {  	[tilespmem:s6+$0xC440] =	vst v0  }
0x4f: {  	v0 =	vld [tilespmem:s5+$0xFFFFFF90];
	_ =	sdelay $0x4  }
0x50: {  	[tilespmem:s6+$0x8410] =	vst v0  }
0x51: {  	v0 =	vld [tilespmem:s5+$0x10];
	_ =	sdelay $0x4  }
0x52: {  	[tilespmem:s6+$0x8450] =	vst v0  }
0x53: {  	v0 =	vld [tilespmem:s5+$0xFFFFFFD0];
	_ =	sdelay $0x4  }
0x54: {  	[tilespmem:s6+$0xC410] =	vst v0  }
0x55: {  	v0 =	vld [tilespmem:s5+$0x50];
	_ =	sdelay $0x4  }
0x56: {  	[tilespmem:s6+$0xC450] =	vst v0  }
0x57: {  	v0 =	vld [tilespmem:s5+$0xFFFFFFA0];
	_ =	sdelay $0x4  }
0x58: {  	[tilespmem:s6+$0x8420] =	vst v0  }
0x59: {  	v0 =	vld [tilespmem:s5+$0x20];
	_ =	sdelay $0x4  }
0x5a: {  	[tilespmem:s6+$0x8460] =	vst v0  }
0x5b: {  	v0 =	vld [tilespmem:s5+$0xFFFFFFE0];
	_ =	sdelay $0x4  }
0x5c: {  	[tilespmem:s6+$0xC420] =	vst v0  }
0x5d: {  	v0 =	vld [tilespmem:s5+$0x60];
	_ =	sdelay $0x4  }
0x5e: {  	[tilespmem:s6+$0xC460] =	vst v0  }
0x5f: {  	v0 =	vld [tilespmem:s5+$0xFFFFFFB0];
	_ =	sdelay $0x4  }
0x60: {  	[tilespmem:s6+$0x8430] =	vst v0  }
0x61: {  	v0 =	vld [tilespmem:s5+$0x30];
	_ =	sdelay $0x4  }
0x62: {  	[tilespmem:s6+$0x8470] =	vst v0  }
0x63: {  	v0 =	vld [tilespmem:s5+$0xFFFFFFF0];
	_ =	sdelay $0x4  }
0x64: {  	[tilespmem:s6+$0xC430] =	vst v0  }
0x65: {  	v0 =	vld [tilespmem:s5+$0x70];
	_ =	sdelay $0x4  }
0x66: {  	s7 =	rddreg [dreg:$0x6];
	s5 =	simm.s32 $0x0;
	[tilespmem:s6+$0xC470] =	vst v0  }
0x67: {  	[hbm4b:s7+s5] =	stream.linear.scatter [tilespmem:s28], [sflag:$0x2], $0x2000, $0x38;
	[tilespmem:$0x10400] =	vst v63  }
0x68: {  	s8 =	rddreg [dreg:$0x7]  }
0x69: {  	[hbm4b:s8+s5] =	stream.linear.scatter [tilespmem:s29], [sflag:$0x3], $0x2000, $0x38;
	[tilespmem:$0x10400] =	vst v63  }
0x6a: {  	_ =	swait.ge [sflag:s25], $0x4000  }
0x6b: {  	[sflag:s25] =	ssyncset.done $0x0  }
0x6c: {  	s7 =	simm.s32 $0x100;
	s8 =	simm.s32 $0x0;
	[sflag:s25] =	ssyncadd.s32 $0xFFFFC000  }
0x6d: {  	[tilespmem:s24], [sflag:$0x1] =	stream.indirect.gather [hbm4b:s1+s23], $0x80, s7, s23, $0xb8;
	[tilespmem:$0x10400] =	vst v63  }
0x6e: {  	v63 =	vld [tilespmem:s8+$0x4400];
	_ =	sdelay $0x3  }
0x6f: {  	s5 =	simm.s32 $0xA470  }
0x70: {  	[tilespmem:s5+$0xFFFFFF90] =	vst v63  }
0x71: {  	v0 =	vld [tilespmem:s8+$0x4480];
	_ =	sdelay $0x4  }
0x72: {  	[tilespmem:s5+$0xFFFFFFD0] =	vst v0  }
0x73: {  	v0 =	vld [tilespmem:s8+$0x4440];
	_ =	sdelay $0x3  }
0x74: {  	s6 =	simm.s32 $0xE470  }
0x75: {  	[tilespmem:s6+$0xFFFFFF90] =	vst v0  }
0x76: {  	v0 =	vld [tilespmem:s8+$0x44C0];
	_ =	sdelay $0x4  }
0x77: {  	[tilespmem:s6+$0xFFFFFFD0] =	vst v0  }
0x78: {  	v0 =	vld [tilespmem:s8+$0x4410];
	_ =	sdelay $0x4  }
0x79: {  	[tilespmem:s5+$0xFFFFFFA0] =	vst v0  }
0x7a: {  	v0 =	vld [tilespmem:s8+$0x4490];
	_ =	sdelay $0x4  }
0x7b: {  	[tilespmem:s5+$0xFFFFFFE0] =	vst v0  }
0x7c: {  	v0 =	vld [tilespmem:s8+$0x4450];
	_ =	sdelay $0x4  }
0x7d: {  	[tilespmem:s6+$0xFFFFFFA0] =	vst v0  }
0x7e: {  	v0 =	vld [tilespmem:s8+$0x44D0];
	_ =	sdelay $0x4  }
0x7f: {  	[tilespmem:s6+$0xFFFFFFE0] =	vst v0  }
0x80: {  	v0 =	vld [tilespmem:s8+$0x4420];
	_ =	sdelay $0x4  }
0x81: {  	[tilespmem:s5+$0xFFFFFFB0] =	vst v0  }
0x82: {  	v0 =	vld [tilespmem:s8+$0x44A0];
	_ =	sdelay $0x4  }
0x83: {  	[tilespmem:s5+$0xFFFFFFF0] =	vst v0  }
0x84: {  	v0 =	vld [tilespmem:s8+$0x4460];
	_ =	sdelay $0x4  }
0x85: {  	[tilespmem:s6+$0xFFFFFFB0] =	vst v0  }
0x86: {  	v0 =	vld [tilespmem:s8+$0x44E0];
	_ =	sdelay $0x4  }
0x87: {  	[tilespmem:s6+$0xFFFFFFF0] =	vst v0  }
0x88: {  	v0 =	vld [tilespmem:s8+$0x4430];
	_ =	sdelay $0x4  }
0x89: {  	[tilespmem:s5+$0xFFFFFFC0] =	vst v0  }
0x8a: {  	v0 =	vld [tilespmem:s8+$0x44B0];
	_ =	sdelay $0x4  }
0x8b: {  	[tilespmem:s5+$0x0] =	vst v0  }
0x8c: {  	v0 =	vld [tilespmem:s8+$0x4470];
	_ =	sdelay $0x4  }
0x8d: {  	[tilespmem:s6+$0xFFFFFFC0] =	vst v0  }
0x8e: {  	v0 =	vld [tilespmem:s8+$0x44F0];
	_ =	sdelay $0x4  }
0x8f: {  	s7 =	simm.s32 $0x100;
	s8 =	simm.s32 $0x800;
	[tilespmem:s6+$0x0] =	vst v0  }
.LBB2_4:
0x90: {  	p0 =	sne.s32 s8, $0xFC00;
	v0 =	vld [tilespmem:s7+$0x4400];
	_ =	sdelay $0x3  }
0x91: {  	s5 =	sadd.s32 $0x80, s5  }
0x92: {  	[tilespmem:s5+$0xFFFFFF90] =	vst v0  }
0x93: {  	v0 =	vld [tilespmem:s7+$0x4480];
	_ =	sdelay $0x4  }
0x94: {  	[tilespmem:s5+$0xFFFFFFD0] =	vst v0  }
0x95: {  	v0 =	vld [tilespmem:s7+$0x4440];
	_ =	sdelay $0x3  }
0x96: {  	s6 =	sadd.s32 $0x80, s6  }
0x97: {  	[tilespmem:s6+$0xFFFFFF90] =	vst v0  }
0x98: {  	v0 =	vld [tilespmem:s7+$0x44C0];
	_ =	sdelay $0x4  }
0x99: {  	[tilespmem:s6+$0xFFFFFFD0] =	vst v0  }
0x9a: {  	v0 =	vld [tilespmem:s7+$0x4410];
	_ =	sdelay $0x4  }
0x9b: {  	[tilespmem:s5+$0xFFFFFFA0] =	vst v0  }
0x9c: {  	v0 =	vld [tilespmem:s7+$0x4490];
	_ =	sdelay $0x4  }
0x9d: {  	[tilespmem:s5+$0xFFFFFFE0] =	vst v0  }
0x9e: {  	v0 =	vld [tilespmem:s7+$0x4450];
	_ =	sdelay $0x4  }
0x9f: {  	[tilespmem:s6+$0xFFFFFFA0] =	vst v0  }
0xa0: {  	v0 =	vld [tilespmem:s7+$0x44D0];
	_ =	sdelay $0x4  }
0xa1: {  	[tilespmem:s6+$0xFFFFFFE0] =	vst v0  }
0xa2: {  	v0 =	vld [tilespmem:s7+$0x4420];
	_ =	sdelay $0x4  }
0xa3: {  	[tilespmem:s5+$0xFFFFFFB0] =	vst v0  }
0xa4: {  	v0 =	vld [tilespmem:s7+$0x44A0];
	_ =	sdelay $0x4  }
0xa5: {  	[tilespmem:s5+$0xFFFFFFF0] =	vst v0  }
0xa6: {  	v0 =	vld [tilespmem:s7+$0x4460];
	_ =	sdelay $0x4  }
0xa7: {  	[tilespmem:s6+$0xFFFFFFB0] =	vst v0  }
0xa8: {  	v0 =	vld [tilespmem:s7+$0x44E0];
	_ =	sdelay $0x4  }
0xa9: {  	[tilespmem:s6+$0xFFFFFFF0] =	vst v0  }
0xaa: {  	v0 =	vld [tilespmem:s7+$0x4430];
	_ =	sdelay $0x4  }
0xab: {  	[tilespmem:s5+$0xFFFFFFC0] =	vst v0  }
0xac: {  	v0 =	vld [tilespmem:s7+$0x44B0];
	_ =	sdelay $0x4  }
0xad: {  	[tilespmem:s5+$0x0] =	vst v0  }
0xae: {  	v0 =	vld [tilespmem:s7+$0x4470];
	_ =	sdelay $0x4  }
0xaf: {  	[tilespmem:s6+$0xFFFFFFC0] =	vst v0  }
0xb0: {  	v0 =	vld [tilespmem:s7+$0x44F0]  }
.Ltmp1:
0xb1: {  	(pc) =	sbr.rel @p0 .LBB2_4-.Ltmp1, $2  }
0xb2: {  	_ =	sdelay $0x2  }
0xb3: {  	s7 =	sshra.s32 s8, $0x2;
	s8 =	sadd.s32 $0x400, s8;
	[tilespmem:s6+$0x0] =	vst v0  }
0xb4: {  	v0 =	vld [tilespmem:s7+$0x4400];
	_ =	sdelay $0x3  }
0xb5: {  	s5 =	sadd.s32 $0x80, s5  }
0xb6: {  	[tilespmem:s5+$0xFFFFFF90] =	vst v0  }
0xb7: {  	v0 =	vld [tilespmem:s7+$0x4480];
	_ =	sdelay $0x4  }
0xb8: {  	[tilespmem:s5+$0xFFFFFFD0] =	vst v0  }
0xb9: {  	v0 =	vld [tilespmem:s7+$0x4440];
	_ =	sdelay $0x3  }
0xba: {  	s6 =	sadd.s32 $0x80, s6  }
0xbb: {  	[tilespmem:s6+$0xFFFFFF90] =	vst v0  }
0xbc: {  	v0 =	vld [tilespmem:s7+$0x44C0];
	_ =	sdelay $0x4  }
0xbd: {  	[tilespmem:s6+$0xFFFFFFD0] =	vst v0  }
0xbe: {  	v0 =	vld [tilespmem:s7+$0x4410];
	_ =	sdelay $0x4  }
0xbf: {  	[tilespmem:s5+$0xFFFFFFA0] =	vst v0  }
0xc0: {  	v0 =	vld [tilespmem:s7+$0x4490];
	_ =	sdelay $0x4  }
0xc1: {  	[tilespmem:s5+$0xFFFFFFE0] =	vst v0  }
0xc2: {  	v0 =	vld [tilespmem:s7+$0x4450];
	_ =	sdelay $0x4  }
0xc3: {  	[tilespmem:s6+$0xFFFFFFA0] =	vst v0  }
0xc4: {  	v0 =	vld [tilespmem:s7+$0x44D0];
	_ =	sdelay $0x4  }
0xc5: {  	[tilespmem:s6+$0xFFFFFFE0] =	vst v0  }
0xc6: {  	v0 =	vld [tilespmem:s7+$0x4420];
	_ =	sdelay $0x4  }
0xc7: {  	[tilespmem:s5+$0xFFFFFFB0] =	vst v0  }
0xc8: {  	v0 =	vld [tilespmem:s7+$0x44A0];
	_ =	sdelay $0x4  }
0xc9: {  	[tilespmem:s5+$0xFFFFFFF0] =	vst v0  }
0xca: {  	v0 =	vld [tilespmem:s7+$0x4460];
	_ =	sdelay $0x4  }
0xcb: {  	[tilespmem:s6+$0xFFFFFFB0] =	vst v0  }
0xcc: {  	v0 =	vld [tilespmem:s7+$0x44E0];
	_ =	sdelay $0x4  }
0xcd: {  	[tilespmem:s6+$0xFFFFFFF0] =	vst v0  }
0xce: {  	v0 =	vld [tilespmem:s7+$0x4430];
	_ =	sdelay $0x4  }
0xcf: {  	[tilespmem:s5+$0xFFFFFFC0] =	vst v0  }
0xd0: {  	v0 =	vld [tilespmem:s7+$0x44B0];
	_ =	sdelay $0x4  }
0xd1: {  	[tilespmem:s5+$0x0] =	vst v0  }
0xd2: {  	v0 =	vld [tilespmem:s7+$0x4470];
	_ =	sdelay $0x4  }
0xd3: {  	[tilespmem:s6+$0xFFFFFFC0] =	vst v0  }
0xd4: {  	v0 =	vld [tilespmem:s7+$0x44F0];
	_ =	sdelay $0x4  }
0xd5: {  	s8 =	rddreg [dreg:$0x8];
	[tilespmem:s6+$0x0] =	vst v0;
	s6 =	simm.s32 $0x0  }
0xd6: {  	[hbm4b:s8+s6] =	stream.linear.scatter [tilespmem:s31], [sflag:$0x2], $0x2000, $0x38;
	[tilespmem:$0x10400] =	vst v63  }
0xd7: {  	s7 =	rddreg [dreg:$0x9]  }
0xd8: {  	[hbm4b:s7+s6] =	stream.linear.scatter [tilespmem:s0], [sflag:$0x3], $0x2000, $0x38;
	[tilespmem:$0x10400] =	vst v63  }
0xd9: {  	_ =	swait.ge [sflag:s25], $0x4000  }
0xda: {  	[sflag:s25] =	ssyncset.done $0x0  }
0xdb: {  	s8 =	simm.s32 $0x180;
	[sflag:s25] =	ssyncadd.s32 $0xFFFFC000  }
0xdc: {  	[tilespmem:s26], [sflag:$0x1] =	stream.indirect.gather [hbm4b:s1+s23], $0x80, s8, s23, $0xb8;
	[tilespmem:$0x10400] =	vst v63  }
0xdd: {  	_ =	swait.ge [sflag:s30], $0x2000  }
0xde: {  	[sflag:s30] =	ssyncset.done $0x0  }
0xdf: {  	[sflag:s30] =	ssyncadd.s32 $0xFFFFE000  }
0xe0: {  	_ =	swait.ge [sflag:s2], $0x2000  }
0xe1: {  	[sflag:s2] =	ssyncset.done $0x0  }
0xe2: {  	s5 =	simm.s32 $0x480;
	[sflag:s2] =	ssyncadd.s32 $0xFFFFE000  }
0xe3: {  	s7 =	simm.s32 $0x200;
	v0 =	vld [tilespmem:s5+$0xFFFFFF80]  }
.LBB2_6:
0xe4: {  	p0 =	sne.s32 s7, $0x7E00;
	_ =	sdelay $0x2  }
0xe5: {  	s8 =	sshra.s32 s6, $0x2;
	s6 =	smov.u32 s7  }
0xe6: {  	[tilespmem:s8+$0x8400] =	vst v0  }
0xe7: {  	v0 =	vld [tilespmem:s5+$0x0];
	_ =	sdelay $0x4  }
0xe8: {  	[tilespmem:s8+$0x8440] =	vst v0  }
0xe9: {  	v0 =	vld [tilespmem:s5+$0xFFFFFFC0];
	_ =	sdelay $0x4  }
0xea: {  	[tilespmem:s8+$0xC400] =	vst v0  }
0xeb: {  	v0 =	vld [tilespmem:s5+$0x40];
	_ =	sdelay $0x4  }
0xec: {  	[tilespmem:s8+$0xC440] =	vst v0  }
0xed: {  	v0 =	vld [tilespmem:s5+$0xFFFFFF90];
	_ =	sdelay $0x4  }
0xee: {  	[tilespmem:s8+$0x8410] =	vst v0  }
0xef: {  	v0 =	vld [tilespmem:s5+$0x10];
	_ =	sdelay $0x4  }
0xf0: {  	[tilespmem:s8+$0x8450] =	vst v0  }
0xf1: {  	v0 =	vld [tilespmem:s5+$0xFFFFFFD0];
	_ =	sdelay $0x4  }
0xf2: {  	[tilespmem:s8+$0xC410] =	vst v0  }
0xf3: {  	v0 =	vld [tilespmem:s5+$0x50];
	_ =	sdelay $0x4  }
0xf4: {  	[tilespmem:s8+$0xC450] =	vst v0  }
0xf5: {  	v0 =	vld [tilespmem:s5+$0xFFFFFFA0];
	_ =	sdelay $0x4  }
0xf6: {  	[tilespmem:s8+$0x8420] =	vst v0  }
0xf7: {  	v0 =	vld [tilespmem:s5+$0x20];
	_ =	sdelay $0x4  }
0xf8: {  	[tilespmem:s8+$0x8460] =	vst v0  }
0xf9: {  	v0 =	vld [tilespmem:s5+$0xFFFFFFE0];
	_ =	sdelay $0x4  }
0xfa: {  	[tilespmem:s8+$0xC420] =	vst v0  }
0xfb: {  	v0 =	vld [tilespmem:s5+$0x60];
	_ =	sdelay $0x4  }
0xfc: {  	[tilespmem:s8+$0xC460] =	vst v0  }
0xfd: {  	v0 =	vld [tilespmem:s5+$0xFFFFFFB0];
	_ =	sdelay $0x4  }
0xfe: {  	[tilespmem:s8+$0x8430] =	vst v0  }
0xff: {  	v0 =	vld [tilespmem:s5+$0x30];
	_ =	sdelay $0x4  }
0x100: {  	[tilespmem:s8+$0x8470] =	vst v0  }
0x101: {  	v0 =	vld [tilespmem:s5+$0xFFFFFFF0];
	_ =	sdelay $0x4  }
0x102: {  	[tilespmem:s8+$0xC430] =	vst v0  }
0x103: {  	v0 =	vld [tilespmem:s5+$0x70];
	_ =	sdelay $0x1  }
.Ltmp2:
0x104: {  	(pc) =	sbr.rel @p0 .LBB2_6-.Ltmp2, $3  }
0x105: {  	_ =	sdelay $0x1  }
0x106: {  	s5 =	sadd.s32 $0x100, s5;
	[tilespmem:s8+$0xC470] =	vst v0  }
0x107: {  	s7 =	sadd.s32 $0x200, s7;
	v0 =	vld [tilespmem:s5+$0xFFFFFF80]  }
0x108: {  	_ =	sdelay $0x2  }
0x109: {  	s6 =	sshra.s32 s6, $0x2  }
0x10a: {  	[tilespmem:s6+$0x8400] =	vst v0  }
0x10b: {  	v0 =	vld [tilespmem:s5+$0x0];
	_ =	sdelay $0x4  }
0x10c: {  	[tilespmem:s6+$0x8440] =	vst v0  }
0x10d: {  	v0 =	vld [tilespmem:s5+$0xFFFFFFC0];
	_ =	sdelay $0x4  }
0x10e: {  	[tilespmem:s6+$0xC400] =	vst v0  }
0x10f: {  	v0 =	vld [tilespmem:s5+$0x40];
	_ =	sdelay $0x4  }
0x110: {  	[tilespmem:s6+$0xC440] =	vst v0  }
0x111: {  	v0 =	vld [tilespmem:s5+$0xFFFFFF90];
	_ =	sdelay $0x4  }
0x112: {  	[tilespmem:s6+$0x8410] =	vst v0  }
0x113: {  	v0 =	vld [tilespmem:s5+$0x10];
	_ =	sdelay $0x4  }
0x114: {  	[tilespmem:s6+$0x8450] =	vst v0  }
0x115: {  	v0 =	vld [tilespmem:s5+$0xFFFFFFD0];
	_ =	sdelay $0x4  }
0x116: {  	[tilespmem:s6+$0xC410] =	vst v0  }
0x117: {  	v0 =	vld [tilespmem:s5+$0x50];
	_ =	sdelay $0x4  }
0x118: {  	[tilespmem:s6+$0xC450] =	vst v0  }
0x119: {  	v0 =	vld [tilespmem:s5+$0xFFFFFFA0];
	_ =	sdelay $0x4  }
0x11a: {  	[tilespmem:s6+$0x8420] =	vst v0  }
0x11b: {  	v0 =	vld [tilespmem:s5+$0x20];
	_ =	sdelay $0x4  }
0x11c: {  	[tilespmem:s6+$0x8460] =	vst v0  }
0x11d: {  	v0 =	vld [tilespmem:s5+$0xFFFFFFE0];
	_ =	sdelay $0x4  }
0x11e: {  	[tilespmem:s6+$0xC420] =	vst v0  }
0x11f: {  	v0 =	vld [tilespmem:s5+$0x60];
	_ =	sdelay $0x4  }
0x120: {  	[tilespmem:s6+$0xC460] =	vst v0  }
0x121: {  	v0 =	vld [tilespmem:s5+$0xFFFFFFB0];
	_ =	sdelay $0x4  }
0x122: {  	[tilespmem:s6+$0x8430] =	vst v0  }
0x123: {  	v0 =	vld [tilespmem:s5+$0x30];
	_ =	sdelay $0x4  }
0x124: {  	[tilespmem:s6+$0x8470] =	vst v0  }
0x125: {  	v0 =	vld [tilespmem:s5+$0xFFFFFFF0];
	_ =	sdelay $0x4  }
0x126: {  	[tilespmem:s6+$0xC430] =	vst v0  }
0x127: {  	v0 =	vld [tilespmem:s5+$0x70];
	_ =	sdelay $0x4  }
0x128: {  	s7 =	simm.s32 $0x0;
	[tilespmem:s6+$0xC470] =	vst v0  }
0x129: {  	[hbm4b:s9+s7] =	stream.linear.scatter [tilespmem:s28], [sflag:$0x2], $0x2000, $0x38;
	[tilespmem:$0x10400] =	vst v63  }
0x12a: {  	_ = 	snop  }
0x12b: {  	[hbm4b:s10+s7] =	stream.linear.scatter [tilespmem:s29], [sflag:$0x3], $0x2000, $0x38;
	[tilespmem:$0x10400] =	vst v63  }
0x12c: {  	_ =	swait.ge [sflag:s25], $0x4000  }
0x12d: {  	[sflag:s25] =	ssyncset.done $0x0  }
0x12e: {  	s8 =	simm.s32 $0x200;
	[sflag:s25] =	ssyncadd.s32 $0xFFFFC000  }
0x12f: {  	[tilespmem:s24], [sflag:$0x1] =	stream.indirect.gather [hbm4b:s1+s23], $0x80, s8, s23, $0xb8;
	[tilespmem:$0x10400] =	vst v63  }
0x130: {  	_ =	swait.ge [sflag:s30], $0x2000  }
0x131: {  	[sflag:s30] =	ssyncset.done $0x0  }
0x132: {  	[sflag:s30] =	ssyncadd.s32 $0xFFFFE000  }
0x133: {  	_ =	swait.ge [sflag:s2], $0x2000  }
0x134: {  	[sflag:s2] =	ssyncset.done $0x0  }
0x135: {  	s7 =	simm.s32 $0x0;
	[sflag:s2] =	ssyncadd.s32 $0xFFFFE000  }
0x136: {  	v63 =	vld [tilespmem:s7+$0x4400];
	_ =	sdelay $0x3  }
0x137: {  	s5 =	simm.s32 $0xA470  }
0x138: {  	[tilespmem:s5+$0xFFFFFF90] =	vst v63  }
0x139: {  	v0 =	vld [tilespmem:s7+$0x4480];
	_ =	sdelay $0x4  }
0x13a: {  	[tilespmem:s5+$0xFFFFFFD0] =	vst v0  }
0x13b: {  	v0 =	vld [tilespmem:s7+$0x4440];
	_ =	sdelay $0x3  }
0x13c: {  	s6 =	simm.s32 $0xE470  }
0x13d: {  	[tilespmem:s6+$0xFFFFFF90] =	vst v0  }
0x13e: {  	v0 =	vld [tilespmem:s7+$0x44C0];
	_ =	sdelay $0x4  }
0x13f: {  	[tilespmem:s6+$0xFFFFFFD0] =	vst v0  }
0x140: {  	v0 =	vld [tilespmem:s7+$0x4410];
	_ =	sdelay $0x4  }
0x141: {  	[tilespmem:s5+$0xFFFFFFA0] =	vst v0  }
0x142: {  	v0 =	vld [tilespmem:s7+$0x4490];
	_ =	sdelay $0x4  }
0x143: {  	[tilespmem:s5+$0xFFFFFFE0] =	vst v0  }
0x144: {  	v0 =	vld [tilespmem:s7+$0x4450];
	_ =	sdelay $0x4  }
0x145: {  	[tilespmem:s6+$0xFFFFFFA0] =	vst v0  }
0x146: {  	v0 =	vld [tilespmem:s7+$0x44D0];
	_ =	sdelay $0x4  }
0x147: {  	[tilespmem:s6+$0xFFFFFFE0] =	vst v0  }
0x148: {  	v0 =	vld [tilespmem:s7+$0x4420];
	_ =	sdelay $0x4  }
0x149: {  	[tilespmem:s5+$0xFFFFFFB0] =	vst v0  }
0x14a: {  	v0 =	vld [tilespmem:s7+$0x44A0];
	_ =	sdelay $0x4  }
0x14b: {  	[tilespmem:s5+$0xFFFFFFF0] =	vst v0  }
0x14c: {  	v0 =	vld [tilespmem:s7+$0x4460];
	_ =	sdelay $0x4  }
0x14d: {  	[tilespmem:s6+$0xFFFFFFB0] =	vst v0  }
0x14e: {  	v0 =	vld [tilespmem:s7+$0x44E0];
	_ =	sdelay $0x4  }
0x14f: {  	[tilespmem:s6+$0xFFFFFFF0] =	vst v0  }
0x150: {  	v0 =	vld [tilespmem:s7+$0x4430];
	_ =	sdelay $0x4  }
0x151: {  	[tilespmem:s5+$0xFFFFFFC0] =	vst v0  }
0x152: {  	v0 =	vld [tilespmem:s7+$0x44B0];
	_ =	sdelay $0x4  }
0x153: {  	[tilespmem:s5+$0x0] =	vst v0  }
0x154: {  	v0 =	vld [tilespmem:s7+$0x4470];
	_ =	sdelay $0x4  }
0x155: {  	[tilespmem:s6+$0xFFFFFFC0] =	vst v0  }
0x156: {  	v0 =	vld [tilespmem:s7+$0x44F0];
	_ =	sdelay $0x4  }
0x157: {  	s8 =	simm.s32 $0x800;
	s7 =	simm.s32 $0x100;
	[tilespmem:s6+$0x0] =	vst v0  }
.LBB2_8:
0x158: {  	p0 =	sne.s32 s8, $0xFC00;
	v0 =	vld [tilespmem:s7+$0x4400];
	_ =	sdelay $0x3  }
0x159: {  	s5 =	sadd.s32 $0x80, s5  }
0x15a: {  	[tilespmem:s5+$0xFFFFFF90] =	vst v0  }
0x15b: {  	v0 =	vld [tilespmem:s7+$0x4480];
	_ =	sdelay $0x4  }
0x15c: {  	[tilespmem:s5+$0xFFFFFFD0] =	vst v0  }
0x15d: {  	v0 =	vld [tilespmem:s7+$0x4440];
	_ =	sdelay $0x3  }
0x15e: {  	s6 =	sadd.s32 $0x80, s6  }
0x15f: {  	[tilespmem:s6+$0xFFFFFF90] =	vst v0  }
0x160: {  	v0 =	vld [tilespmem:s7+$0x44C0];
	_ =	sdelay $0x4  }
0x161: {  	[tilespmem:s6+$0xFFFFFFD0] =	vst v0  }
0x162: {  	v0 =	vld [tilespmem:s7+$0x4410];
	_ =	sdelay $0x4  }
0x163: {  	[tilespmem:s5+$0xFFFFFFA0] =	vst v0  }
0x164: {  	v0 =	vld [tilespmem:s7+$0x4490];
	_ =	sdelay $0x4  }
0x165: {  	[tilespmem:s5+$0xFFFFFFE0] =	vst v0  }
0x166: {  	v0 =	vld [tilespmem:s7+$0x4450];
	_ =	sdelay $0x4  }
0x167: {  	[tilespmem:s6+$0xFFFFFFA0] =	vst v0  }
0x168: {  	v0 =	vld [tilespmem:s7+$0x44D0];
	_ =	sdelay $0x4  }
0x169: {  	[tilespmem:s6+$0xFFFFFFE0] =	vst v0  }
0x16a: {  	v0 =	vld [tilespmem:s7+$0x4420];
	_ =	sdelay $0x4  }
0x16b: {  	[tilespmem:s5+$0xFFFFFFB0] =	vst v0  }
0x16c: {  	v0 =	vld [tilespmem:s7+$0x44A0];
	_ =	sdelay $0x4  }
0x16d: {  	[tilespmem:s5+$0xFFFFFFF0] =	vst v0  }
0x16e: {  	v0 =	vld [tilespmem:s7+$0x4460];
	_ =	sdelay $0x4  }
0x16f: {  	[tilespmem:s6+$0xFFFFFFB0] =	vst v0  }
0x170: {  	v0 =	vld [tilespmem:s7+$0x44E0];
	_ =	sdelay $0x4  }
0x171: {  	[tilespmem:s6+$0xFFFFFFF0] =	vst v0  }
0x172: {  	v0 =	vld [tilespmem:s7+$0x4430];
	_ =	sdelay $0x4  }
0x173: {  	[tilespmem:s5+$0xFFFFFFC0] =	vst v0  }
0x174: {  	v0 =	vld [tilespmem:s7+$0x44B0];
	_ =	sdelay $0x4  }
0x175: {  	[tilespmem:s5+$0x0] =	vst v0  }
0x176: {  	v0 =	vld [tilespmem:s7+$0x4470];
	_ =	sdelay $0x4  }
0x177: {  	[tilespmem:s6+$0xFFFFFFC0] =	vst v0  }
0x178: {  	v0 =	vld [tilespmem:s7+$0x44F0]  }
.Ltmp3:
0x179: {  	(pc) =	sbr.rel @p0 .LBB2_8-.Ltmp3, $2  }
0x17a: {  	_ =	sdelay $0x2  }
0x17b: {  	s7 =	sshra.s32 s8, $0x2;
	s8 =	sadd.s32 $0x400, s8;
	[tilespmem:s6+$0x0] =	vst v0  }
0x17c: {  	v0 =	vld [tilespmem:s7+$0x4400];
	_ =	sdelay $0x3  }
0x17d: {  	s5 =	sadd.s32 $0x80, s5  }
0x17e: {  	[tilespmem:s5+$0xFFFFFF90] =	vst v0  }
0x17f: {  	v0 =	vld [tilespmem:s7+$0x4480];
	_ =	sdelay $0x4  }
0x180: {  	[tilespmem:s5+$0xFFFFFFD0] =	vst v0  }
0x181: {  	v0 =	vld [tilespmem:s7+$0x4440];
	_ =	sdelay $0x3  }
0x182: {  	s6 =	sadd.s32 $0x80, s6  }
0x183: {  	[tilespmem:s6+$0xFFFFFF90] =	vst v0  }
0x184: {  	v0 =	vld [tilespmem:s7+$0x44C0];
	_ =	sdelay $0x4  }
0x185: {  	[tilespmem:s6+$0xFFFFFFD0] =	vst v0  }
0x186: {  	v0 =	vld [tilespmem:s7+$0x4410];
	_ =	sdelay $0x4  }
0x187: {  	[tilespmem:s5+$0xFFFFFFA0] =	vst v0  }
0x188: {  	v0 =	vld [tilespmem:s7+$0x4490];
	_ =	sdelay $0x4  }
0x189: {  	[tilespmem:s5+$0xFFFFFFE0] =	vst v0  }
0x18a: {  	v0 =	vld [tilespmem:s7+$0x4450];
	_ =	sdelay $0x4  }
0x18b: {  	[tilespmem:s6+$0xFFFFFFA0] =	vst v0  }
0x18c: {  	v0 =	vld [tilespmem:s7+$0x44D0];
	_ =	sdelay $0x4  }
0x18d: {  	[tilespmem:s6+$0xFFFFFFE0] =	vst v0  }
0x18e: {  	v0 =	vld [tilespmem:s7+$0x4420];
	_ =	sdelay $0x4  }
0x18f: {  	[tilespmem:s5+$0xFFFFFFB0] =	vst v0  }
0x190: {  	v0 =	vld [tilespmem:s7+$0x44A0];
	_ =	sdelay $0x4  }
0x191: {  	[tilespmem:s5+$0xFFFFFFF0] =	vst v0  }
0x192: {  	v0 =	vld [tilespmem:s7+$0x4460];
	_ =	sdelay $0x4  }
0x193: {  	[tilespmem:s6+$0xFFFFFFB0] =	vst v0  }
0x194: {  	v0 =	vld [tilespmem:s7+$0x44E0];
	_ =	sdelay $0x4  }
0x195: {  	[tilespmem:s6+$0xFFFFFFF0] =	vst v0  }
0x196: {  	v0 =	vld [tilespmem:s7+$0x4430];
	_ =	sdelay $0x4  }
0x197: {  	[tilespmem:s5+$0xFFFFFFC0] =	vst v0  }
0x198: {  	v0 =	vld [tilespmem:s7+$0x44B0];
	_ =	sdelay $0x4  }
0x199: {  	[tilespmem:s5+$0x0] =	vst v0  }
0x19a: {  	v0 =	vld [tilespmem:s7+$0x4470];
	_ =	sdelay $0x4  }
0x19b: {  	[tilespmem:s6+$0xFFFFFFC0] =	vst v0  }
0x19c: {  	v0 =	vld [tilespmem:s7+$0x44F0];
	_ =	sdelay $0x4  }
0x19d: {  	[tilespmem:s6+$0x0] =	vst v0;
	s6 =	simm.s32 $0x0  }
0x19e: {  	[hbm4b:s11+s6] =	stream.linear.scatter [tilespmem:s31], [sflag:$0x2], $0x2000, $0x38;
	[tilespmem:$0x10400] =	vst v63  }
0x19f: {  	_ = 	snop  }
0x1a0: {  	[hbm4b:s12+s6] =	stream.linear.scatter [tilespmem:s0], [sflag:$0x3], $0x2000, $0x38;
	[tilespmem:$0x10400] =	vst v63  }
0x1a1: {  	_ =	swait.ge [sflag:s25], $0x4000  }
0x1a2: {  	[sflag:s25] =	ssyncset.done $0x0  }
0x1a3: {  	s8 =	simm.s32 $0x280;
	[sflag:s25] =	ssyncadd.s32 $0xFFFFC000  }
0x1a4: {  	[tilespmem:s26], [sflag:$0x1] =	stream.indirect.gather [hbm4b:s1+s23], $0x80, s8, s23, $0xb8;
	[tilespmem:$0x10400] =	vst v63  }
0x1a5: {  	_ =	swait.ge [sflag:s30], $0x2000  }
0x1a6: {  	[sflag:s30] =	ssyncset.done $0x0  }
0x1a7: {  	[sflag:s30] =	ssyncadd.s32 $0xFFFFE000  }
0x1a8: {  	_ =	swait.ge [sflag:s2], $0x2000  }
0x1a9: {  	[sflag:s2] =	ssyncset.done $0x0  }
0x1aa: {  	s5 =	simm.s32 $0x480;
	[sflag:s2] =	ssyncadd.s32 $0xFFFFE000  }
0x1ab: {  	s7 =	simm.s32 $0x200;
	v0 =	vld [tilespmem:s5+$0xFFFFFF80]  }
.LBB2_10:
0x1ac: {  	p0 =	sne.s32 s7, $0x7E00;
	_ =	sdelay $0x2  }
0x1ad: {  	s8 =	sshra.s32 s6, $0x2;
	s6 =	smov.u32 s7  }
0x1ae: {  	[tilespmem:s8+$0x8400] =	vst v0  }
0x1af: {  	v0 =	vld [tilespmem:s5+$0x0];
	_ =	sdelay $0x4  }
0x1b0: {  	[tilespmem:s8+$0x8440] =	vst v0  }
0x1b1: {  	v0 =	vld [tilespmem:s5+$0xFFFFFFC0];
	_ =	sdelay $0x4  }
0x1b2: {  	[tilespmem:s8+$0xC400] =	vst v0  }
0x1b3: {  	v0 =	vld [tilespmem:s5+$0x40];
	_ =	sdelay $0x4  }
0x1b4: {  	[tilespmem:s8+$0xC440] =	vst v0  }
0x1b5: {  	v0 =	vld [tilespmem:s5+$0xFFFFFF90];
	_ =	sdelay $0x4  }
0x1b6: {  	[tilespmem:s8+$0x8410] =	vst v0  }
0x1b7: {  	v0 =	vld [tilespmem:s5+$0x10];
	_ =	sdelay $0x4  }
0x1b8: {  	[tilespmem:s8+$0x8450] =	vst v0  }
0x1b9: {  	v0 =	vld [tilespmem:s5+$0xFFFFFFD0];
	_ =	sdelay $0x4  }
0x1ba: {  	[tilespmem:s8+$0xC410] =	vst v0  }
0x1bb: {  	v0 =	vld [tilespmem:s5+$0x50];
	_ =	sdelay $0x4  }
0x1bc: {  	[tilespmem:s8+$0xC450] =	vst v0  }
0x1bd: {  	v0 =	vld [tilespmem:s5+$0xFFFFFFA0];
	_ =	sdelay $0x4  }
0x1be: {  	[tilespmem:s8+$0x8420] =	vst v0  }
0x1bf: {  	v0 =	vld [tilespmem:s5+$0x20];
	_ =	sdelay $0x4  }
0x1c0: {  	[tilespmem:s8+$0x8460] =	vst v0  }
0x1c1: {  	v0 =	vld [tilespmem:s5+$0xFFFFFFE0];
	_ =	sdelay $0x4  }
0x1c2: {  	[tilespmem:s8+$0xC420] =	vst v0  }
0x1c3: {  	v0 =	vld [tilespmem:s5+$0x60];
	_ =	sdelay $0x4  }
0x1c4: {  	[tilespmem:s8+$0xC460] =	vst v0  }
0x1c5: {  	v0 =	vld [tilespmem:s5+$0xFFFFFFB0];
	_ =	sdelay $0x4  }
0x1c6: {  	[tilespmem:s8+$0x8430] =	vst v0  }
0x1c7: {  	v0 =	vld [tilespmem:s5+$0x30];
	_ =	sdelay $0x4  }
0x1c8: {  	[tilespmem:s8+$0x8470] =	vst v0  }
0x1c9: {  	v0 =	vld [tilespmem:s5+$0xFFFFFFF0];
	_ =	sdelay $0x4  }
0x1ca: {  	[tilespmem:s8+$0xC430] =	vst v0  }
0x1cb: {  	v0 =	vld [tilespmem:s5+$0x70];
	_ =	sdelay $0x1  }
.Ltmp4:
0x1cc: {  	(pc) =	sbr.rel @p0 .LBB2_10-.Ltmp4, $3  }
0x1cd: {  	_ =	sdelay $0x1  }
0x1ce: {  	s5 =	sadd.s32 $0x100, s5;
	[tilespmem:s8+$0xC470] =	vst v0  }
0x1cf: {  	s7 =	sadd.s32 $0x200, s7;
	v0 =	vld [tilespmem:s5+$0xFFFFFF80]  }
0x1d0: {  	_ =	sdelay $0x2  }
0x1d1: {  	s6 =	sshra.s32 s6, $0x2  }
0x1d2: {  	[tilespmem:s6+$0x8400] =	vst v0  }
0x1d3: {  	v0 =	vld [tilespmem:s5+$0x0];
	_ =	sdelay $0x4  }
0x1d4: {  	[tilespmem:s6+$0x8440] =	vst v0  }
0x1d5: {  	v0 =	vld [tilespmem:s5+$0xFFFFFFC0];
	_ =	sdelay $0x4  }
0x1d6: {  	[tilespmem:s6+$0xC400] =	vst v0  }
0x1d7: {  	v0 =	vld [tilespmem:s5+$0x40];
	_ =	sdelay $0x4  }
0x1d8: {  	[tilespmem:s6+$0xC440] =	vst v0  }
0x1d9: {  	v0 =	vld [tilespmem:s5+$0xFFFFFF90];
	_ =	sdelay $0x4  }
0x1da: {  	[tilespmem:s6+$0x8410] =	vst v0  }
0x1db: {  	v0 =	vld [tilespmem:s5+$0x10];
	_ =	sdelay $0x4  }
0x1dc: {  	[tilespmem:s6+$0x8450] =	vst v0  }
0x1dd: {  	v0 =	vld [tilespmem:s5+$0xFFFFFFD0];
	_ =	sdelay $0x4  }
0x1de: {  	[tilespmem:s6+$0xC410] =	vst v0  }
0x1df: {  	v0 =	vld [tilespmem:s5+$0x50];
	_ =	sdelay $0x4  }
0x1e0: {  	[tilespmem:s6+$0xC450] =	vst v0  }
0x1e1: {  	v0 =	vld [tilespmem:s5+$0xFFFFFFA0];
	_ =	sdelay $0x4  }
0x1e2: {  	[tilespmem:s6+$0x8420] =	vst v0  }
0x1e3: {  	v0 =	vld [tilespmem:s5+$0x20];
	_ =	sdelay $0x4  }
0x1e4: {  	[tilespmem:s6+$0x8460] =	vst v0  }
0x1e5: {  	v0 =	vld [tilespmem:s5+$0xFFFFFFE0];
	_ =	sdelay $0x4  }
0x1e6: {  	[tilespmem:s6+$0xC420] =	vst v0  }
0x1e7: {  	v0 =	vld [tilespmem:s5+$0x60];
	_ =	sdelay $0x4  }
0x1e8: {  	[tilespmem:s6+$0xC460] =	vst v0  }
0x1e9: {  	v0 =	vld [tilespmem:s5+$0xFFFFFFB0];
	_ =	sdelay $0x4  }
0x1ea: {  	[tilespmem:s6+$0x8430] =	vst v0  }
0x1eb: {  	v0 =	vld [tilespmem:s5+$0x30];
	_ =	sdelay $0x4  }
0x1ec: {  	[tilespmem:s6+$0x8470] =	vst v0  }
0x1ed: {  	v0 =	vld [tilespmem:s5+$0xFFFFFFF0];
	_ =	sdelay $0x4  }
0x1ee: {  	[tilespmem:s6+$0xC430] =	vst v0  }
0x1ef: {  	v0 =	vld [tilespmem:s5+$0x70];
	_ =	sdelay $0x4  }
0x1f0: {  	s7 =	simm.s32 $0x0;
	[tilespmem:s6+$0xC470] =	vst v0  }
0x1f1: {  	[hbm4b:s13+s7] =	stream.linear.scatter [tilespmem:s28], [sflag:$0x2], $0x2000, $0x38;
	[tilespmem:$0x10400] =	vst v63  }
0x1f2: {  	_ = 	snop  }
0x1f3: {  	[hbm4b:s14+s7] =	stream.linear.scatter [tilespmem:s29], [sflag:$0x3], $0x2000, $0x38;
	[tilespmem:$0x10400] =	vst v63  }
0x1f4: {  	_ =	swait.ge [sflag:s25], $0x4000  }
0x1f5: {  	[sflag:s25] =	ssyncset.done $0x0  }
0x1f6: {  	s8 =	simm.s32 $0x300;
	[sflag:s25] =	ssyncadd.s32 $0xFFFFC000  }
0x1f7: {  	[tilespmem:s24], [sflag:$0x1] =	stream.indirect.gather [hbm4b:s1+s23], $0x80, s8, s23, $0xb8;
	[tilespmem:$0x10400] =	vst v63  }
0x1f8: {  	_ =	swait.ge [sflag:s30], $0x2000  }
0x1f9: {  	[sflag:s30] =	ssyncset.done $0x0  }
0x1fa: {  	[sflag:s30] =	ssyncadd.s32 $0xFFFFE000  }
0x1fb: {  	_ =	swait.ge [sflag:s2], $0x2000  }
0x1fc: {  	[sflag:s2] =	ssyncset.done $0x0  }
0x1fd: {  	s7 =	simm.s32 $0x0;
	[sflag:s2] =	ssyncadd.s32 $0xFFFFE000  }
0x1fe: {  	v63 =	vld [tilespmem:s7+$0x4400];
	_ =	sdelay $0x3  }
0x1ff: {  	s5 =	simm.s32 $0xA470  }
0x200: {  	[tilespmem:s5+$0xFFFFFF90] =	vst v63  }
0x201: {  	v0 =	vld [tilespmem:s7+$0x4480];
	_ =	sdelay $0x4  }
0x202: {  	[tilespmem:s5+$0xFFFFFFD0] =	vst v0  }
0x203: {  	v0 =	vld [tilespmem:s7+$0x4440];
	_ =	sdelay $0x3  }
0x204: {  	s6 =	simm.s32 $0xE470  }
0x205: {  	[tilespmem:s6+$0xFFFFFF90] =	vst v0  }
0x206: {  	v0 =	vld [tilespmem:s7+$0x44C0];
	_ =	sdelay $0x4  }
0x207: {  	[tilespmem:s6+$0xFFFFFFD0] =	vst v0  }
0x208: {  	v0 =	vld [tilespmem:s7+$0x4410];
	_ =	sdelay $0x4  }
0x209: {  	[tilespmem:s5+$0xFFFFFFA0] =	vst v0  }
0x20a: {  	v0 =	vld [tilespmem:s7+$0x4490];
	_ =	sdelay $0x4  }
0x20b: {  	[tilespmem:s5+$0xFFFFFFE0] =	vst v0  }
0x20c: {  	v0 =	vld [tilespmem:s7+$0x4450];
	_ =	sdelay $0x4  }
0x20d: {  	[tilespmem:s6+$0xFFFFFFA0] =	vst v0  }
0x20e: {  	v0 =	vld [tilespmem:s7+$0x44D0];
	_ =	sdelay $0x4  }
0x20f: {  	[tilespmem:s6+$0xFFFFFFE0] =	vst v0  }
0x210: {  	v0 =	vld [tilespmem:s7+$0x4420];
	_ =	sdelay $0x4  }
0x211: {  	[tilespmem:s5+$0xFFFFFFB0] =	vst v0  }
0x212: {  	v0 =	vld [tilespmem:s7+$0x44A0];
	_ =	sdelay $0x4  }
0x213: {  	[tilespmem:s5+$0xFFFFFFF0] =	vst v0  }
0x214: {  	v0 =	vld [tilespmem:s7+$0x4460];
	_ =	sdelay $0x4  }
0x215: {  	[tilespmem:s6+$0xFFFFFFB0] =	vst v0  }
0x216: {  	v0 =	vld [tilespmem:s7+$0x44E0];
	_ =	sdelay $0x4  }
0x217: {  	[tilespmem:s6+$0xFFFFFFF0] =	vst v0  }
0x218: {  	v0 =	vld [tilespmem:s7+$0x4430];
	_ =	sdelay $0x4  }
0x219: {  	[tilespmem:s5+$0xFFFFFFC0] =	vst v0  }
0x21a: {  	v0 =	vld [tilespmem:s7+$0x44B0];
	_ =	sdelay $0x4  }
0x21b: {  	[tilespmem:s5+$0x0] =	vst v0  }
0x21c: {  	v0 =	vld [tilespmem:s7+$0x4470];
	_ =	sdelay $0x4  }
0x21d: {  	[tilespmem:s6+$0xFFFFFFC0] =	vst v0  }
0x21e: {  	v0 =	vld [tilespmem:s7+$0x44F0];
	_ =	sdelay $0x4  }
0x21f: {  	s8 =	simm.s32 $0x800;
	s7 =	simm.s32 $0x100;
	[tilespmem:s6+$0x0] =	vst v0  }
.LBB2_12:
0x220: {  	p0 =	sne.s32 s8, $0xFC00;
	v0 =	vld [tilespmem:s7+$0x4400];
	_ =	sdelay $0x3  }
0x221: {  	s5 =	sadd.s32 $0x80, s5  }
0x222: {  	[tilespmem:s5+$0xFFFFFF90] =	vst v0  }
0x223: {  	v0 =	vld [tilespmem:s7+$0x4480];
	_ =	sdelay $0x4  }
0x224: {  	[tilespmem:s5+$0xFFFFFFD0] =	vst v0  }
0x225: {  	v0 =	vld [tilespmem:s7+$0x4440];
	_ =	sdelay $0x3  }
0x226: {  	s6 =	sadd.s32 $0x80, s6  }
0x227: {  	[tilespmem:s6+$0xFFFFFF90] =	vst v0  }
0x228: {  	v0 =	vld [tilespmem:s7+$0x44C0];
	_ =	sdelay $0x4  }
0x229: {  	[tilespmem:s6+$0xFFFFFFD0] =	vst v0  }
0x22a: {  	v0 =	vld [tilespmem:s7+$0x4410];
	_ =	sdelay $0x4  }
0x22b: {  	[tilespmem:s5+$0xFFFFFFA0] =	vst v0  }
0x22c: {  	v0 =	vld [tilespmem:s7+$0x4490];
	_ =	sdelay $0x4  }
0x22d: {  	[tilespmem:s5+$0xFFFFFFE0] =	vst v0  }
0x22e: {  	v0 =	vld [tilespmem:s7+$0x4450];
	_ =	sdelay $0x4  }
0x22f: {  	[tilespmem:s6+$0xFFFFFFA0] =	vst v0  }
0x230: {  	v0 =	vld [tilespmem:s7+$0x44D0];
	_ =	sdelay $0x4  }
0x231: {  	[tilespmem:s6+$0xFFFFFFE0] =	vst v0  }
0x232: {  	v0 =	vld [tilespmem:s7+$0x4420];
	_ =	sdelay $0x4  }
0x233: {  	[tilespmem:s5+$0xFFFFFFB0] =	vst v0  }
0x234: {  	v0 =	vld [tilespmem:s7+$0x44A0];
	_ =	sdelay $0x4  }
0x235: {  	[tilespmem:s5+$0xFFFFFFF0] =	vst v0  }
0x236: {  	v0 =	vld [tilespmem:s7+$0x4460];
	_ =	sdelay $0x4  }
0x237: {  	[tilespmem:s6+$0xFFFFFFB0] =	vst v0  }
0x238: {  	v0 =	vld [tilespmem:s7+$0x44E0];
	_ =	sdelay $0x4  }
0x239: {  	[tilespmem:s6+$0xFFFFFFF0] =	vst v0  }
0x23a: {  	v0 =	vld [tilespmem:s7+$0x4430];
	_ =	sdelay $0x4  }
0x23b: {  	[tilespmem:s5+$0xFFFFFFC0] =	vst v0  }
0x23c: {  	v0 =	vld [tilespmem:s7+$0x44B0];
	_ =	sdelay $0x4  }
0x23d: {  	[tilespmem:s5+$0x0] =	vst v0  }
0x23e: {  	v0 =	vld [tilespmem:s7+$0x4470];
	_ =	sdelay $0x4  }
0x23f: {  	[tilespmem:s6+$0xFFFFFFC0] =	vst v0  }
0x240: {  	v0 =	vld [tilespmem:s7+$0x44F0]  }
.Ltmp5:
0x241: {  	(pc) =	sbr.rel @p0 .LBB2_12-.Ltmp5, $2  }
0x242: {  	_ =	sdelay $0x2  }
0x243: {  	s7 =	sshra.s32 s8, $0x2;
	s8 =	sadd.s32 $0x400, s8;
	[tilespmem:s6+$0x0] =	vst v0  }
0x244: {  	v0 =	vld [tilespmem:s7+$0x4400];
	_ =	sdelay $0x3  }
0x245: {  	s5 =	sadd.s32 $0x80, s5  }
0x246: {  	[tilespmem:s5+$0xFFFFFF90] =	vst v0  }
0x247: {  	v0 =	vld [tilespmem:s7+$0x4480];
	_ =	sdelay $0x4  }
0x248: {  	[tilespmem:s5+$0xFFFFFFD0] =	vst v0  }
0x249: {  	v0 =	vld [tilespmem:s7+$0x4440];
	_ =	sdelay $0x3  }
0x24a: {  	s6 =	sadd.s32 $0x80, s6  }
0x24b: {  	[tilespmem:s6+$0xFFFFFF90] =	vst v0  }
0x24c: {  	v0 =	vld [tilespmem:s7+$0x44C0];
	_ =	sdelay $0x4  }
0x24d: {  	[tilespmem:s6+$0xFFFFFFD0] =	vst v0  }
0x24e: {  	v0 =	vld [tilespmem:s7+$0x4410];
	_ =	sdelay $0x4  }
0x24f: {  	[tilespmem:s5+$0xFFFFFFA0] =	vst v0  }
0x250: {  	v0 =	vld [tilespmem:s7+$0x4490];
	_ =	sdelay $0x4  }
0x251: {  	[tilespmem:s5+$0xFFFFFFE0] =	vst v0  }
0x252: {  	v0 =	vld [tilespmem:s7+$0x4450];
	_ =	sdelay $0x4  }
0x253: {  	[tilespmem:s6+$0xFFFFFFA0] =	vst v0  }
0x254: {  	v0 =	vld [tilespmem:s7+$0x44D0];
	_ =	sdelay $0x4  }
0x255: {  	[tilespmem:s6+$0xFFFFFFE0] =	vst v0  }
0x256: {  	v0 =	vld [tilespmem:s7+$0x4420];
	_ =	sdelay $0x4  }
0x257: {  	[tilespmem:s5+$0xFFFFFFB0] =	vst v0  }
0x258: {  	v0 =	vld [tilespmem:s7+$0x44A0];
	_ =	sdelay $0x4  }
0x259: {  	[tilespmem:s5+$0xFFFFFFF0] =	vst v0  }
0x25a: {  	v0 =	vld [tilespmem:s7+$0x4460];
	_ =	sdelay $0x4  }
0x25b: {  	[tilespmem:s6+$0xFFFFFFB0] =	vst v0  }
0x25c: {  	v0 =	vld [tilespmem:s7+$0x44E0];
	_ =	sdelay $0x4  }
0x25d: {  	[tilespmem:s6+$0xFFFFFFF0] =	vst v0  }
0x25e: {  	v0 =	vld [tilespmem:s7+$0x4430];
	_ =	sdelay $0x4  }
0x25f: {  	[tilespmem:s5+$0xFFFFFFC0] =	vst v0  }
0x260: {  	v0 =	vld [tilespmem:s7+$0x44B0];
	_ =	sdelay $0x4  }
0x261: {  	[tilespmem:s5+$0x0] =	vst v0  }
0x262: {  	v0 =	vld [tilespmem:s7+$0x4470];
	_ =	sdelay $0x4  }
0x263: {  	[tilespmem:s6+$0xFFFFFFC0] =	vst v0  }
0x264: {  	v0 =	vld [tilespmem:s7+$0x44F0];
	_ =	sdelay $0x4  }
0x265: {  	[tilespmem:s6+$0x0] =	vst v0;
	s6 =	simm.s32 $0x0  }
0x266: {  	[hbm4b:s15+s6] =	stream.linear.scatter [tilespmem:s31], [sflag:$0x2], $0x2000, $0x38;
	[tilespmem:$0x10400] =	vst v63  }
0x267: {  	_ = 	snop  }
0x268: {  	[hbm4b:s16+s6] =	stream.linear.scatter [tilespmem:s0], [sflag:$0x3], $0x2000, $0x38;
	[tilespmem:$0x10400] =	vst v63  }
0x269: {  	_ =	swait.ge [sflag:s25], $0x4000  }
0x26a: {  	[sflag:s25] =	ssyncset.done $0x0  }
0x26b: {  	s8 =	simm.s32 $0x380;
	[sflag:s25] =	ssyncadd.s32 $0xFFFFC000  }
0x26c: {  	[tilespmem:s26], [sflag:$0x1] =	stream.indirect.gather [hbm4b:s1+s23], $0x80, s8, s23, $0xb8;
	[tilespmem:$0x10400] =	vst v63  }
0x26d: {  	_ =	swait.ge [sflag:s30], $0x2000  }
0x26e: {  	[sflag:s30] =	ssyncset.done $0x0  }
0x26f: {  	[sflag:s30] =	ssyncadd.s32 $0xFFFFE000  }
0x270: {  	_ =	swait.ge [sflag:s2], $0x2000  }
0x271: {  	[sflag:s2] =	ssyncset.done $0x0  }
0x272: {  	s5 =	simm.s32 $0x480;
	[sflag:s2] =	ssyncadd.s32 $0xFFFFE000  }
0x273: {  	s7 =	simm.s32 $0x200;
	v0 =	vld [tilespmem:s5+$0xFFFFFF80]  }
.LBB2_14:
0x274: {  	p0 =	sne.s32 s7, $0x7E00;
	_ =	sdelay $0x2  }
0x275: {  	s8 =	sshra.s32 s6, $0x2;
	s6 =	smov.u32 s7  }
0x276: {  	[tilespmem:s8+$0x8400] =	vst v0  }
0x277: {  	v0 =	vld [tilespmem:s5+$0x0];
	_ =	sdelay $0x4  }
0x278: {  	[tilespmem:s8+$0x8440] =	vst v0  }
0x279: {  	v0 =	vld [tilespmem:s5+$0xFFFFFFC0];
	_ =	sdelay $0x4  }
0x27a: {  	[tilespmem:s8+$0xC400] =	vst v0  }
0x27b: {  	v0 =	vld [tilespmem:s5+$0x40];
	_ =	sdelay $0x4  }
0x27c: {  	[tilespmem:s8+$0xC440] =	vst v0  }
0x27d: {  	v0 =	vld [tilespmem:s5+$0xFFFFFF90];
	_ =	sdelay $0x4  }
0x27e: {  	[tilespmem:s8+$0x8410] =	vst v0  }
0x27f: {  	v0 =	vld [tilespmem:s5+$0x10];
	_ =	sdelay $0x4  }
0x280: {  	[tilespmem:s8+$0x8450] =	vst v0  }
0x281: {  	v0 =	vld [tilespmem:s5+$0xFFFFFFD0];
	_ =	sdelay $0x4  }
0x282: {  	[tilespmem:s8+$0xC410] =	vst v0  }
0x283: {  	v0 =	vld [tilespmem:s5+$0x50];
	_ =	sdelay $0x4  }
0x284: {  	[tilespmem:s8+$0xC450] =	vst v0  }
0x285: {  	v0 =	vld [tilespmem:s5+$0xFFFFFFA0];
	_ =	sdelay $0x4  }
0x286: {  	[tilespmem:s8+$0x8420] =	vst v0  }
0x287: {  	v0 =	vld [tilespmem:s5+$0x20];
	_ =	sdelay $0x4  }
0x288: {  	[tilespmem:s8+$0x8460] =	vst v0  }
0x289: {  	v0 =	vld [tilespmem:s5+$0xFFFFFFE0];
	_ =	sdelay $0x4  }
0x28a: {  	[tilespmem:s8+$0xC420] =	vst v0  }
0x28b: {  	v0 =	vld [tilespmem:s5+$0x60];
	_ =	sdelay $0x4  }
0x28c: {  	[tilespmem:s8+$0xC460] =	vst v0  }
0x28d: {  	v0 =	vld [tilespmem:s5+$0xFFFFFFB0];
	_ =	sdelay $0x4  }
0x28e: {  	[tilespmem:s8+$0x8430] =	vst v0  }
0x28f: {  	v0 =	vld [tilespmem:s5+$0x30];
	_ =	sdelay $0x4  }
0x290: {  	[tilespmem:s8+$0x8470] =	vst v0  }
0x291: {  	v0 =	vld [tilespmem:s5+$0xFFFFFFF0];
	_ =	sdelay $0x4  }
0x292: {  	[tilespmem:s8+$0xC430] =	vst v0  }
0x293: {  	v0 =	vld [tilespmem:s5+$0x70];
	_ =	sdelay $0x1  }
.Ltmp6:
0x294: {  	(pc) =	sbr.rel @p0 .LBB2_14-.Ltmp6, $3  }
0x295: {  	_ =	sdelay $0x1  }
0x296: {  	s5 =	sadd.s32 $0x100, s5;
	[tilespmem:s8+$0xC470] =	vst v0  }
0x297: {  	s7 =	sadd.s32 $0x200, s7;
	v0 =	vld [tilespmem:s5+$0xFFFFFF80]  }
0x298: {  	_ =	sdelay $0x2  }
0x299: {  	s6 =	sshra.s32 s6, $0x2  }
0x29a: {  	[tilespmem:s6+$0x8400] =	vst v0  }
0x29b: {  	v0 =	vld [tilespmem:s5+$0x0];
	_ =	sdelay $0x4  }
0x29c: {  	[tilespmem:s6+$0x8440] =	vst v0  }
0x29d: {  	v0 =	vld [tilespmem:s5+$0xFFFFFFC0];
	_ =	sdelay $0x4  }
0x29e: {  	[tilespmem:s6+$0xC400] =	vst v0  }
0x29f: {  	v0 =	vld [tilespmem:s5+$0x40];
	_ =	sdelay $0x4  }
0x2a0: {  	[tilespmem:s6+$0xC440] =	vst v0  }
0x2a1: {  	v0 =	vld [tilespmem:s5+$0xFFFFFF90];
	_ =	sdelay $0x4  }
0x2a2: {  	[tilespmem:s6+$0x8410] =	vst v0  }
0x2a3: {  	v0 =	vld [tilespmem:s5+$0x10];
	_ =	sdelay $0x4  }
0x2a4: {  	[tilespmem:s6+$0x8450] =	vst v0  }
0x2a5: {  	v0 =	vld [tilespmem:s5+$0xFFFFFFD0];
	_ =	sdelay $0x4  }
0x2a6: {  	[tilespmem:s6+$0xC410] =	vst v0  }
0x2a7: {  	v0 =	vld [tilespmem:s5+$0x50];
	_ =	sdelay $0x4  }
0x2a8: {  	[tilespmem:s6+$0xC450] =	vst v0  }
0x2a9: {  	v0 =	vld [tilespmem:s5+$0xFFFFFFA0];
	_ =	sdelay $0x4  }
0x2aa: {  	[tilespmem:s6+$0x8420] =	vst v0  }
0x2ab: {  	v0 =	vld [tilespmem:s5+$0x20];
	_ =	sdelay $0x4  }
0x2ac: {  	[tilespmem:s6+$0x8460] =	vst v0  }
0x2ad: {  	v0 =	vld [tilespmem:s5+$0xFFFFFFE0];
	_ =	sdelay $0x4  }
0x2ae: {  	[tilespmem:s6+$0xC420] =	vst v0  }
0x2af: {  	v0 =	vld [tilespmem:s5+$0x60];
	_ =	sdelay $0x4  }
0x2b0: {  	[tilespmem:s6+$0xC460] =	vst v0  }
0x2b1: {  	v0 =	vld [tilespmem:s5+$0xFFFFFFB0];
	_ =	sdelay $0x4  }
0x2b2: {  	[tilespmem:s6+$0x8430] =	vst v0  }
0x2b3: {  	v0 =	vld [tilespmem:s5+$0x30];
	_ =	sdelay $0x4  }
0x2b4: {  	[tilespmem:s6+$0x8470] =	vst v0  }
0x2b5: {  	v0 =	vld [tilespmem:s5+$0xFFFFFFF0];
	_ =	sdelay $0x4  }
0x2b6: {  	[tilespmem:s6+$0xC430] =	vst v0  }
0x2b7: {  	v0 =	vld [tilespmem:s5+$0x70];
	_ =	sdelay $0x4  }
0x2b8: {  	s8 =	simm.s32 $0x0;
	[tilespmem:s6+$0xC470] =	vst v0  }
0x2b9: {  	[hbm4b:s17+s8] =	stream.linear.scatter [tilespmem:s28], [sflag:$0x2], $0x2000, $0x38;
	[tilespmem:$0x10400] =	vst v63  }
0x2ba: {  	_ = 	snop  }
0x2bb: {  	[hbm4b:s18+s8] =	stream.linear.scatter [tilespmem:s29], [sflag:$0x3], $0x2000, $0x38;
	[tilespmem:$0x10400] =	vst v63  }
0x2bc: {  	_ =	swait.ge [sflag:s25], $0x4000  }
0x2bd: {  	[sflag:s25] =	ssyncset.done $0x0  }
0x2be: {  	[sflag:s25] =	ssyncadd.s32 $0xFFFFC000  }
0x2bf: {  	_ =	swait.ge [sflag:s30], $0x2000  }
0x2c0: {  	[sflag:s30] =	ssyncset.done $0x0  }
0x2c1: {  	[sflag:s30] =	ssyncadd.s32 $0xFFFFE000  }
0x2c2: {  	_ =	swait.ge [sflag:s2], $0x2000  }
0x2c3: {  	[sflag:s2] =	ssyncset.done $0x0  }
0x2c4: {  	s7 =	simm.s32 $0x0;
	[sflag:s2] =	ssyncadd.s32 $0xFFFFE000  }
0x2c5: {  	v63 =	vld [tilespmem:s7+$0x4400];
	_ =	sdelay $0x3  }
0x2c6: {  	s5 =	simm.s32 $0xA470  }
0x2c7: {  	[tilespmem:s5+$0xFFFFFF90] =	vst v63  }
0x2c8: {  	v0 =	vld [tilespmem:s7+$0x4480];
	_ =	sdelay $0x4  }
0x2c9: {  	[tilespmem:s5+$0xFFFFFFD0] =	vst v0  }
0x2ca: {  	v0 =	vld [tilespmem:s7+$0x4440];
	_ =	sdelay $0x3  }
0x2cb: {  	s6 =	simm.s32 $0xE470  }
0x2cc: {  	[tilespmem:s6+$0xFFFFFF90] =	vst v0  }
0x2cd: {  	v0 =	vld [tilespmem:s7+$0x44C0];
	_ =	sdelay $0x4  }
0x2ce: {  	[tilespmem:s6+$0xFFFFFFD0] =	vst v0  }
0x2cf: {  	v0 =	vld [tilespmem:s7+$0x4410];
	_ =	sdelay $0x4  }
0x2d0: {  	[tilespmem:s5+$0xFFFFFFA0] =	vst v0  }
0x2d1: {  	v0 =	vld [tilespmem:s7+$0x4490];
	_ =	sdelay $0x4  }
0x2d2: {  	[tilespmem:s5+$0xFFFFFFE0] =	vst v0  }
0x2d3: {  	v0 =	vld [tilespmem:s7+$0x4450];
	_ =	sdelay $0x4  }
0x2d4: {  	[tilespmem:s6+$0xFFFFFFA0] =	vst v0  }
0x2d5: {  	v0 =	vld [tilespmem:s7+$0x44D0];
	_ =	sdelay $0x4  }
0x2d6: {  	[tilespmem:s6+$0xFFFFFFE0] =	vst v0  }
0x2d7: {  	v0 =	vld [tilespmem:s7+$0x4420];
	_ =	sdelay $0x4  }
0x2d8: {  	[tilespmem:s5+$0xFFFFFFB0] =	vst v0  }
0x2d9: {  	v0 =	vld [tilespmem:s7+$0x44A0];
	_ =	sdelay $0x4  }
0x2da: {  	[tilespmem:s5+$0xFFFFFFF0] =	vst v0  }
0x2db: {  	v0 =	vld [tilespmem:s7+$0x4460];
	_ =	sdelay $0x4  }
0x2dc: {  	[tilespmem:s6+$0xFFFFFFB0] =	vst v0  }
0x2dd: {  	v0 =	vld [tilespmem:s7+$0x44E0];
	_ =	sdelay $0x4  }
0x2de: {  	[tilespmem:s6+$0xFFFFFFF0] =	vst v0  }
0x2df: {  	v0 =	vld [tilespmem:s7+$0x4430];
	_ =	sdelay $0x4  }
0x2e0: {  	[tilespmem:s5+$0xFFFFFFC0] =	vst v0  }
0x2e1: {  	v0 =	vld [tilespmem:s7+$0x44B0];
	_ =	sdelay $0x4  }
0x2e2: {  	[tilespmem:s5+$0x0] =	vst v0  }
0x2e3: {  	v0 =	vld [tilespmem:s7+$0x4470];
	_ =	sdelay $0x4  }
0x2e4: {  	[tilespmem:s6+$0xFFFFFFC0] =	vst v0  }
0x2e5: {  	v0 =	vld [tilespmem:s7+$0x44F0];
	_ =	sdelay $0x4  }
0x2e6: {  	s8 =	simm.s32 $0x800;
	s7 =	simm.s32 $0x100;
	[tilespmem:s6+$0x0] =	vst v0  }
.LBB2_16:
0x2e7: {  	p0 =	sne.s32 s8, $0xFC00;
	v0 =	vld [tilespmem:s7+$0x4400];
	_ =	sdelay $0x3  }
0x2e8: {  	s5 =	sadd.s32 $0x80, s5  }
0x2e9: {  	[tilespmem:s5+$0xFFFFFF90] =	vst v0  }
0x2ea: {  	v0 =	vld [tilespmem:s7+$0x4480];
	_ =	sdelay $0x4  }
0x2eb: {  	[tilespmem:s5+$0xFFFFFFD0] =	vst v0  }
0x2ec: {  	v0 =	vld [tilespmem:s7+$0x4440];
	_ =	sdelay $0x3  }
0x2ed: {  	s6 =	sadd.s32 $0x80, s6  }
0x2ee: {  	[tilespmem:s6+$0xFFFFFF90] =	vst v0  }
0x2ef: {  	v0 =	vld [tilespmem:s7+$0x44C0];
	_ =	sdelay $0x4  }
0x2f0: {  	[tilespmem:s6+$0xFFFFFFD0] =	vst v0  }
0x2f1: {  	v0 =	vld [tilespmem:s7+$0x4410];
	_ =	sdelay $0x4  }
0x2f2: {  	[tilespmem:s5+$0xFFFFFFA0] =	vst v0  }
0x2f3: {  	v0 =	vld [tilespmem:s7+$0x4490];
	_ =	sdelay $0x4  }
0x2f4: {  	[tilespmem:s5+$0xFFFFFFE0] =	vst v0  }
0x2f5: {  	v0 =	vld [tilespmem:s7+$0x4450];
	_ =	sdelay $0x4  }
0x2f6: {  	[tilespmem:s6+$0xFFFFFFA0] =	vst v0  }
0x2f7: {  	v0 =	vld [tilespmem:s7+$0x44D0];
	_ =	sdelay $0x4  }
0x2f8: {  	[tilespmem:s6+$0xFFFFFFE0] =	vst v0  }
0x2f9: {  	v0 =	vld [tilespmem:s7+$0x4420];
	_ =	sdelay $0x4  }
0x2fa: {  	[tilespmem:s5+$0xFFFFFFB0] =	vst v0  }
0x2fb: {  	v0 =	vld [tilespmem:s7+$0x44A0];
	_ =	sdelay $0x4  }
0x2fc: {  	[tilespmem:s5+$0xFFFFFFF0] =	vst v0  }
0x2fd: {  	v0 =	vld [tilespmem:s7+$0x4460];
	_ =	sdelay $0x4  }
0x2fe: {  	[tilespmem:s6+$0xFFFFFFB0] =	vst v0  }
0x2ff: {  	v0 =	vld [tilespmem:s7+$0x44E0];
	_ =	sdelay $0x4  }
0x300: {  	[tilespmem:s6+$0xFFFFFFF0] =	vst v0  }
0x301: {  	v0 =	vld [tilespmem:s7+$0x4430];
	_ =	sdelay $0x4  }
0x302: {  	[tilespmem:s5+$0xFFFFFFC0] =	vst v0  }
0x303: {  	v0 =	vld [tilespmem:s7+$0x44B0];
	_ =	sdelay $0x4  }
0x304: {  	[tilespmem:s5+$0x0] =	vst v0  }
0x305: {  	v0 =	vld [tilespmem:s7+$0x4470];
	_ =	sdelay $0x4  }
0x306: {  	[tilespmem:s6+$0xFFFFFFC0] =	vst v0  }
0x307: {  	v0 =	vld [tilespmem:s7+$0x44F0]  }
.Ltmp7:
0x308: {  	(pc) =	sbr.rel @p0 .LBB2_16-.Ltmp7, $2  }
0x309: {  	_ =	sdelay $0x2  }
0x30a: {  	s7 =	sshra.s32 s8, $0x2;
	s8 =	sadd.s32 $0x400, s8;
	[tilespmem:s6+$0x0] =	vst v0  }
0x30b: {  	v0 =	vld [tilespmem:s7+$0x4400];
	_ =	sdelay $0x3  }
0x30c: {  	s5 =	sadd.s32 $0x80, s5  }
0x30d: {  	[tilespmem:s5+$0xFFFFFF90] =	vst v0  }
0x30e: {  	v0 =	vld [tilespmem:s7+$0x4480];
	_ =	sdelay $0x4  }
0x30f: {  	[tilespmem:s5+$0xFFFFFFD0] =	vst v0  }
0x310: {  	v0 =	vld [tilespmem:s7+$0x4440];
	_ =	sdelay $0x3  }
0x311: {  	s6 =	sadd.s32 $0x80, s6  }
0x312: {  	[tilespmem:s6+$0xFFFFFF90] =	vst v0  }
0x313: {  	v0 =	vld [tilespmem:s7+$0x44C0];
	_ =	sdelay $0x4  }
0x314: {  	[tilespmem:s6+$0xFFFFFFD0] =	vst v0  }
0x315: {  	v0 =	vld [tilespmem:s7+$0x4410];
	_ =	sdelay $0x4  }
0x316: {  	[tilespmem:s5+$0xFFFFFFA0] =	vst v0  }
0x317: {  	v0 =	vld [tilespmem:s7+$0x4490];
	_ =	sdelay $0x4  }
0x318: {  	[tilespmem:s5+$0xFFFFFFE0] =	vst v0  }
0x319: {  	v0 =	vld [tilespmem:s7+$0x4450];
	_ =	sdelay $0x4  }
0x31a: {  	[tilespmem:s6+$0xFFFFFFA0] =	vst v0  }
0x31b: {  	v0 =	vld [tilespmem:s7+$0x44D0];
	_ =	sdelay $0x4  }
0x31c: {  	[tilespmem:s6+$0xFFFFFFE0] =	vst v0  }
0x31d: {  	v0 =	vld [tilespmem:s7+$0x4420];
	_ =	sdelay $0x4  }
0x31e: {  	[tilespmem:s5+$0xFFFFFFB0] =	vst v0  }
0x31f: {  	v0 =	vld [tilespmem:s7+$0x44A0];
	_ =	sdelay $0x4  }
0x320: {  	[tilespmem:s5+$0xFFFFFFF0] =	vst v0  }
0x321: {  	v0 =	vld [tilespmem:s7+$0x4460];
	_ =	sdelay $0x4  }
0x322: {  	[tilespmem:s6+$0xFFFFFFB0] =	vst v0  }
0x323: {  	v0 =	vld [tilespmem:s7+$0x44E0];
	_ =	sdelay $0x4  }
0x324: {  	[tilespmem:s6+$0xFFFFFFF0] =	vst v0  }
0x325: {  	v0 =	vld [tilespmem:s7+$0x4430];
	_ =	sdelay $0x4  }
0x326: {  	[tilespmem:s5+$0xFFFFFFC0] =	vst v0  }
0x327: {  	v0 =	vld [tilespmem:s7+$0x44B0];
	_ =	sdelay $0x4  }
0x328: {  	[tilespmem:s5+$0x0] =	vst v0  }
0x329: {  	v0 =	vld [tilespmem:s7+$0x4470];
	_ =	sdelay $0x4  }
0x32a: {  	[tilespmem:s6+$0xFFFFFFC0] =	vst v0  }
0x32b: {  	v0 =	vld [tilespmem:s7+$0x44F0];
	_ =	sdelay $0x4  }
0x32c: {  	[tilespmem:s6+$0x0] =	vst v0  }
0x32d: {  	[hbm4b:s19+s3] =	stream.linear.scatter [tilespmem:s31], [sflag:$0x2], $0x2000, $0x38;
	[tilespmem:$0x10400] =	vst v63  }
0x32e: {  	_ = 	snop  }
0x32f: {  	[hbm4b:s20+s3] =	stream.linear.scatter [tilespmem:s0], [sflag:$0x3], $0x2000, $0x38;
	[tilespmem:$0x10400] =	vst v63  }
0x330: {  	_ =	swait.ge [sflag:s30], $0x2000  }
0x331: {  	[sflag:s30] =	ssyncset.done $0x0  }
0x332: {  	[sflag:s30] =	ssyncadd.s32 $0xFFFFE000  }
0x333: {  	_ =	swait.ge [sflag:s2], $0x2000  }
0x334: {  	[sflag:s2] =	ssyncset.done $0x0  }
0x335: {  	s4 =	sadd.s32 $0x1, s4;
	[sflag:s2] =	ssyncadd.s32 $0xFFFFE000  }
0x336: {  	p0 =	sne.s32 s4, s21;
	_ =	swait.ge [sflag:s30], $0x2000  }
.Ltmp8:
0x337: {  	[sflag:s30] =	ssyncset.done $0x0;
	(pc) =	sbr.rel @p0 .LBB2_1-.Ltmp8, $4  }
0x338: {  	[sflag:s30] =	ssyncadd.s32 $0xFFFFE000  }
0x339: {  	_ =	swait.ge [sflag:s2], $0x2000  }
0x33a: {  	[sflag:s2] =	ssyncset.done $0x0  }
0x33b: {  	[sflag:s2] =	ssyncadd.s32 $0xFFFFE000  }
0x33c: {  	_ =	sfence.sel $0x180000  }
0x33d: {  	[bflag:$0x0] =	sbarrier.arrive $0xFFFF  }
0x33e: {  	_ =	strace $0x90000047  }
0x33f: {  	s0 =	stileid.u32;
	[bflag:$0x2] =	sbarrier.arrive $0xFFFF  }
0x340: {  	p0 =	sne.s32 s0, $0x0;
	s0 =	rddreg [dreg:$0x4]  }
0x341: {  	s0 =	sadd.s32 @!p0 $0x100000, s0  }
0x342: {  	[sflag:s0] =	ssyncadd.tile.s32 @!p0 $0x1;
	_ =	shalt  }
.Lfunc_end2:
_tile_overlayer_lowered:
.L_overlay_start_2:
0x343: {  	(tag) =	ssettag $0x2  }
0x344: {  	s0 =	rddreg [dreg:$0x0];
	s2 =	stileid.u32  }
0x345: {  	s1 =	rddreg [dreg:$0x1];
	p0 =	sne.s32 s2, $0x0  }
0x346: {  	s3 =	rddreg [dreg:$0x2];
	[bflag:$0x3] =	sbarrier.arrive $0xFFFF;
	s2 =	simm.s32 @!p0 $0x1C04  }
0x347: {  	[timem:s3], [sflag:s2] =	dma.local @!p0 [hbm:s0], s1  }
0x348: {  	s0 =	simm.s32 @!p0 $0x4  }
0x349: {  	_ =	swait.ge @!p0 [sflag:s0], s1  }
0x34a: {  	s1 =	ssub.s32 @!p0 $0x0, s1;
	[sflag:s0] =	ssyncset.done @!p0 $0x0  }
0x34b: {  	[sflag:s0] =	ssyncadd.s32 @!p0 s1  }
0x34c: {  	[bflag:$0x3] =	sbarrier.arrive $0xFFFF  }
0x34d: {  	_ =	shalt  }

</sc_bundles>
